<compile_context>
chip_gen: v7x
topology: tpu7x:2x2x1
jax: 0.10.2.dev20260603
libtpu: 0.0.44.dev20260713+nightly
codegen_flags: <defaults>
</compile_context>

<pallas_src>
import jax
import jax.numpy as jnp
from jax import lax
from jax.experimental import pallas as pl
from jax.experimental.pallas import tpu as pltpu
from jax.experimental.pallas import tpu_sc as plsc

N = 10000
E = 640000
DIN = 128
DE = 16
H = 2
D = 32
HD = H * D
W1 = 80
W2 = 128

NC = 2
NS = 16
NW = NC * NS
EPT = E // NW
SUB = 50
NSUB1 = 4
CHUNK1 = SUB * NSUB1
NCHUNK1 = EPT // CHUNK1
NSUB2 = 2
CHUNK2 = SUB * NSUB2
NCHUNK2 = EPT // CHUNK2
RPT = 632
RLAST = N - (NS - 1) * RPT

_MESH = plsc.VectorSubcoreMesh(core_axis_name="c", subcore_axis_name="s")
_SC_PARAMS = pltpu.CompilerParams(needs_layout_passes=False,
                                  use_tc_tiling_on_sc=False)



def _matmul_body(x_ref, w_ref, b_ref, o_ref):
    o_ref[...] = (
        jnp.dot(x_ref[...], w_ref[...], preferred_element_type=jnp.float32)
        + b_ref[...]
    )


def _dense(x, w, b, block_rows):
    rows = x.shape[0]
    k = x.shape[1]
    n = w.shape[1]
    grid = rows // block_rows
    return pl.pallas_call(
        _matmul_body,
        grid=(grid,),
        in_specs=[
            pl.BlockSpec((block_rows, k), lambda i: (i, 0)),
            pl.BlockSpec((k, n), lambda i: (0, 0)),
            pl.BlockSpec((1, n), lambda i: (0, 0)),
        ],
        out_specs=pl.BlockSpec((block_rows, n), lambda i: (i, 0)),
        out_shape=jax.ShapeDtypeStruct((rows, n), jnp.float32),
    )(x, w, b)


def _combine1_body(p0_ref, p1_ref, res_ref, h_ref):
    num = p0_ref[:, :HD] + p1_ref[:, :HD]
    den0 = p0_ref[:, HD:HD + 1] + p1_ref[:, HD:HD + 1]
    den1 = p0_ref[:, HD + 1:HD + 2] + p1_ref[:, HD + 1:HD + 2]
    r = num.shape[0]
    den = jnp.concatenate(
        [jnp.broadcast_to(den0, (r, D)), jnp.broadcast_to(den1, (r, D))],
        axis=1,
    )
    rst = jnp.where(den > 0, num / jnp.where(den > 0, den, 1.0), 0.0)
    h_ref[...] = jnp.maximum(rst + res_ref[...], 0.0)


def _combine1(part1, res):
    br = 1000
    grid = N // br
    return pl.pallas_call(
        _combine1_body,
        grid=(grid,),
        in_specs=[
            pl.BlockSpec((br, W1), lambda i: (i, 0)),
            pl.BlockSpec((br, W1), lambda i: (i + N // br, 0)),
            pl.BlockSpec((br, HD), lambda i: (i, 0)),
        ],
        out_specs=pl.BlockSpec((br, HD), lambda i: (i, 0)),
        out_shape=jax.ShapeDtypeStruct((N, HD), jnp.float32),
    )(part1, part1, res)


def _combine2_body(p0_ref, p1_ref, o_ref):
    den = p0_ref[:, :HD] + p1_ref[:, :HD]
    num = p0_ref[:, HD:] + p1_ref[:, HD:]
    o_ref[...] = jnp.where(den > 0, num / jnp.where(den > 0, den, 1.0), 0.0)


def _combine2(part2):
    br = 1000
    grid = N // br
    return pl.pallas_call(
        _combine2_body,
        grid=(grid,),
        in_specs=[
            pl.BlockSpec((br, W2), lambda i: (i, 0)),
            pl.BlockSpec((br, W2), lambda i: (i + N // br, 0)),
        ],
        out_specs=pl.BlockSpec((br, HD), lambda i: (i, 0)),
        out_shape=jax.ShapeDtypeStruct((N, HD), jnp.float32),
    )(part2, part2)



def _acc_rows_copy(src_at, dst_at, s):
    r0 = s * RPT

    @pl.when(s < NS - 1)
    def _full():
        pltpu.sync_copy(src_at(r0, RPT), dst_at(r0, RPT))

    @pl.when(s == NS - 1)
    def _last():
        pltpu.sync_copy(src_at((NS - 1) * RPT, RLAST),
                        dst_at((NS - 1) * RPT, RLAST))


def _sc_pass1_body(src_hbm, dst_hbm, feat_hbm, attn_hbm, zeros_hbm,
                   out_hbm, srcv0, dstv0, srcv1, dstv1, fsv0, fdv0,
                   fsv1, fdv1, valv, attnv, accsh, sem):
    c = lax.axis_index("c")
    s = lax.axis_index("s")
    wid = c * NS + s
    srcs = [srcv0, srcv1]
    dsts = [dstv0, dstv1]
    fss = [fsv0, fsv1]
    fds = [fdv0, fdv1]
    pltpu.sync_copy(attn_hbm, attnv)
    _acc_rows_copy(lambda o, l: zeros_hbm.at[pl.ds(o, l)],
                   lambda o, l: accsh.at[pl.ds(o, l)], s)
    plsc.subcore_barrier()

    a0 = attnv[pl.ds(0, 16)]
    a1 = attnv[pl.ds(16, 16)]
    a2 = attnv[pl.ds(32, 16)]
    a3 = attnv[pl.ds(48, 16)]
    lane = lax.iota(jnp.int32, 16)
    rbase = wid * (EPT // SUB)

    def _fetch_idx(k, b):
        pltpu.sync_copy(src_hbm.at[pl.ds(rbase + k * NSUB1, NSUB1)], srcs[b])
        pltpu.sync_copy(dst_hbm.at[pl.ds(rbase + k * NSUB1, NSUB1)], dsts[b])

    def _fire(b):
        for j in range(NSUB1):
            pltpu.async_copy(feat_hbm.at[srcs[b].at[j]],
                             fss[b].at[pl.ds(j * SUB, SUB)], sem)
            pltpu.async_copy(feat_hbm.at[dsts[b].at[j]],
                             fds[b].at[pl.ds(j * SUB, SUB)], sem)

    def _drain(b):
        for j in range(NSUB1):
            pltpu.make_async_copy(feat_hbm.at[srcs[b].at[j]],
                                  fss[b].at[pl.ds(j * SUB, SUB)], sem).wait()
            pltpu.make_async_copy(feat_hbm.at[dsts[b].at[j]],
                                  fds[b].at[pl.ds(j * SUB, SUB)], sem).wait()

    _fetch_idx(0, 0)
    _fire(0)

    @pl.loop(0, NCHUNK1, step=2)
    def _chunk(ci):
        for b in range(2):
            k = ci + b
            nb = (b + 1) % 2
            _drain(b)

            @pl.when(k + 1 < NCHUNK1)
            def _pf():
                _fetch_idx(k + 1, nb)
                _fire(nb)

            fsv = fss[b]
            fdv = fds[b]

            @pl.loop(0, CHUNK1)
            def _edge(e):
                fs0 = fsv[e, pl.ds(0, 16)]
                fs1 = fsv[e, pl.ds(16, 16)]
                fs2 = fsv[e, pl.ds(32, 16)]
                fs3 = fsv[e, pl.ds(48, 16)]
                s0 = fs0 + fdv[e, pl.ds(0, 16)]
                s1 = fs1 + fdv[e, pl.ds(16, 16)]
                s2 = fs2 + fdv[e, pl.ds(32, 16)]
                s3 = fs3 + fdv[e, pl.ds(48, 16)]
                l0 = jnp.maximum(s0, s0 * 0.2)
                l1 = jnp.maximum(s1, s1 * 0.2)
                l2 = jnp.maximum(s2, s2 * 0.2)
                l3 = jnp.maximum(s3, s3 * 0.2)
                t0 = l0 * a0 + l1 * a1
                t1 = l2 * a2 + l3 * a3
                e0 = jnp.exp(jnp.full((16,), jnp.sum(t0), jnp.float32))
                e1 = jnp.exp(jnp.full((16,), jnp.sum(t1), jnp.float32))
                valv[e, pl.ds(0, 16)] = fs0 * e0
                valv[e, pl.ds(16, 16)] = fs1 * e0
                valv[e, pl.ds(32, 16)] = fs2 * e1
                valv[e, pl.ds(48, 16)] = fs3 * e1
                valv[e, pl.ds(64, 16)] = jnp.where(
                    lane == 0, e0, jnp.where(lane == 1, e1, 0.0))

            for j in range(NSUB1):
                pltpu.sync_copy(valv.at[pl.ds(j * SUB, SUB)],
                                accsh.at[dsts[b].at[j]], add=True)

    plsc.subcore_barrier()
    _acc_rows_copy(lambda o, l: accsh.at[pl.ds(o, l)],
                   lambda o, l: out_hbm.at[pl.ds(c * N + o, l)], s)


def _sc_pass1(src2d, dst2d, feat, attnf, zeros1):
    kfn = pl.kernel(
        _sc_pass1_body,
        out_type=jax.ShapeDtypeStruct((NC * N, W1), jnp.float32),
        mesh=_MESH,
        scratch_types=[
            pltpu.VMEM((NSUB1, SUB), jnp.int32),
            pltpu.VMEM((NSUB1, SUB), jnp.int32),
            pltpu.VMEM((NSUB1, SUB), jnp.int32),
            pltpu.VMEM((NSUB1, SUB), jnp.int32),
            pltpu.VMEM((CHUNK1, HD), jnp.float32),
            pltpu.VMEM((CHUNK1, HD), jnp.float32),
            pltpu.VMEM((CHUNK1, HD), jnp.float32),
            pltpu.VMEM((CHUNK1, HD), jnp.float32),
            pltpu.VMEM((CHUNK1, W1), jnp.float32),
            pltpu.VMEM((HD,), jnp.float32),
            pltpu.VMEM_SHARED((N, W1), jnp.float32),
            pltpu.SemaphoreType.DMA,
        ],
        compiler_params=_SC_PARAMS,
    )
    return kfn(src2d, dst2d, feat, attnf, zeros1)


def _sc_pass2_body(src_hbm, dst_hbm, h_hbm, ep_hbm, zeros_hbm, out_hbm,
                   srcv0, dstv0, srcv1, dstv1, hv0, epv0, hv1, epv1,
                   valv, accsh, sem):
    c = lax.axis_index("c")
    s = lax.axis_index("s")
    wid = c * NS + s
    srcs = [srcv0, srcv1]
    dsts = [dstv0, dstv1]
    hvs = [hv0, hv1]
    epvs = [epv0, epv1]
    _acc_rows_copy(lambda o, l: zeros_hbm.at[pl.ds(o, l)],
                   lambda o, l: accsh.at[pl.ds(o, l)], s)
    plsc.subcore_barrier()

    rbase = wid * (EPT // SUB)
    ebase = wid * EPT

    def _fetch_idx(k, b):
        pltpu.sync_copy(src_hbm.at[pl.ds(rbase + k * NSUB2, NSUB2)], srcs[b])
        pltpu.sync_copy(dst_hbm.at[pl.ds(rbase + k * NSUB2, NSUB2)], dsts[b])

    def _fire(k, b):
        pltpu.async_copy(ep_hbm.at[pl.ds(ebase + k * CHUNK2, CHUNK2)],
                         epvs[b], sem)
        for j in range(NSUB2):
            pltpu.async_copy(h_hbm.at[srcs[b].at[j]],
                             hvs[b].at[pl.ds(j * SUB, SUB)], sem)

    def _drain(k, b):
        pltpu.make_async_copy(ep_hbm.at[pl.ds(ebase + k * CHUNK2, CHUNK2)],
                              epvs[b], sem).wait()
        for j in range(NSUB2):
            pltpu.make_async_copy(h_hbm.at[srcs[b].at[j]],
                                  hvs[b].at[pl.ds(j * SUB, SUB)], sem).wait()

    _fetch_idx(0, 0)
    _fire(0, 0)

    @pl.loop(0, NCHUNK2, step=2)
    def _chunk(ci):
        for b in range(2):
            k = ci + b
            nb = (b + 1) % 2
            _drain(k, b)

            @pl.when(k + 1 < NCHUNK2)
            def _pf():
                _fetch_idx(k + 1, nb)
                _fire(k + 1, nb)

            hv = hvs[b]
            epv = epvs[b]

            @pl.loop(0, CHUNK2)
            def _edge(e):
                p0 = epv[e, pl.ds(0, 16)]
                p1 = epv[e, pl.ds(16, 16)]
                m0 = hv[e, pl.ds(0, 16)] + p0
                m1 = hv[e, pl.ds(16, 16)] + p1
                m2 = hv[e, pl.ds(32, 16)] + p0
                m3 = hv[e, pl.ds(48, 16)] + p1
                e0 = jnp.exp(m0)
                e1 = jnp.exp(m1)
                e2 = jnp.exp(m2)
                e3 = jnp.exp(m3)
                valv[e, pl.ds(0, 16)] = e0
                valv[e, pl.ds(16, 16)] = e1
                valv[e, pl.ds(32, 16)] = e2
                valv[e, pl.ds(48, 16)] = e3
                valv[e, pl.ds(64, 16)] = m0 * e0
                valv[e, pl.ds(80, 16)] = m1 * e1
                valv[e, pl.ds(96, 16)] = m2 * e2
                valv[e, pl.ds(112, 16)] = m3 * e3

            for j in range(NSUB2):
                pltpu.sync_copy(valv.at[pl.ds(j * SUB, SUB)],
                                accsh.at[dsts[b].at[j]], add=True)

    plsc.subcore_barrier()
    _acc_rows_copy(lambda o, l: accsh.at[pl.ds(o, l)],
                   lambda o, l: out_hbm.at[pl.ds(c * N + o, l)], s)


def _sc_pass2(src2d, dst2d, hx, epx, zeros2):
    kfn = pl.kernel(
        _sc_pass2_body,
        out_type=jax.ShapeDtypeStruct((NC * N, W2), jnp.float32),
        mesh=_MESH,
        scratch_types=[
            pltpu.VMEM((NSUB2, SUB), jnp.int32),
            pltpu.VMEM((NSUB2, SUB), jnp.int32),
            pltpu.VMEM((NSUB2, SUB), jnp.int32),
            pltpu.VMEM((NSUB2, SUB), jnp.int32),
            pltpu.VMEM((CHUNK2, HD), jnp.float32),
            pltpu.VMEM((CHUNK2, D), jnp.float32),
            pltpu.VMEM((CHUNK2, HD), jnp.float32),
            pltpu.VMEM((CHUNK2, D), jnp.float32),
            pltpu.VMEM((CHUNK2, W2), jnp.float32),
            pltpu.VMEM_SHARED((N, W2), jnp.float32),
            pltpu.SemaphoreType.DMA,
        ],
        compiler_params=_SC_PARAMS,
    )
    return kfn(src2d, dst2d, hx, epx, zeros2)



def kernel(node_feats, edge_index, edge_feats, W_fc, b_fc, attn,
           W_res, b_res, W_edge, b_edge):
    src2d = edge_index[0].reshape(E // SUB, SUB)
    dst2d = edge_index[1].reshape(E // SUB, SUB)
    attnf = attn.reshape(HD)
    wcat = jnp.concatenate([W_fc, W_res], axis=1)
    bcat = jnp.concatenate([b_fc, b_res]).reshape(1, 2 * HD)

    fr = _dense(node_feats, wcat, bcat, 1000)
    feat = fr[:, :HD]
    res = fr[:, HD:]
    eproj = _dense(edge_feats, W_edge, b_edge.reshape(1, D), 10000)

    zeros1 = jnp.zeros((N, W1), jnp.float32)
    zeros2 = jnp.zeros((N, W2), jnp.float32)

    part1 = _sc_pass1(src2d, dst2d, feat, attnf, zeros1)
    hx = _combine1(part1, res)
    part2 = _sc_pass2(src2d, dst2d, hx, eproj, zeros2)
    return _combine2(part2)

# --- scband reference (transcript-rebuilt; emitter-appended) ---
"""Pipeline reference for scband-gatlayer-16020228014948 (READ-ONLY COPY).

The authoritative reference and input builder live on the scoring server;
editing this copy changes nothing except your own understanding.
"""

import jax, jax.numpy as jnp
import numpy as np

N = 10000      # n_nodes
E = 640000     # n_edges
DIN = 128      # n_in_feats
DE = 16        # n_edge_feats
H = 2          # n_heads (num_heads in GATv2Conv)
D = 32         # per-head out size = n_heads * n_out_feats = 2*16


def setup_inputs(seed: int = 0) -> dict:
    key = jax.random.key(seed)
    ks = jax.random.split(key, 10)
    x = jax.random.normal(ks[0], (N, DIN), dtype=jnp.float32)
    edge_index = jax.random.randint(ks[1], (2, E), 0, N, dtype=jnp.int32)
    edge_feats = jax.random.normal(ks[2], (E, DE), dtype=jnp.float32)
    # GATv2Conv params (share_weights=True -> one fc), residual projection, attn vector
    W_fc = jax.random.normal(ks[3], (DIN, H * D), dtype=jnp.float32) * 0.05
    b_fc = jnp.zeros((H * D,), dtype=jnp.float32)
    attn = jax.random.normal(ks[4], (H, D), dtype=jnp.float32) * 0.05
    W_res = jax.random.normal(ks[5], (DIN, H * D), dtype=jnp.float32) * 0.05
    b_res = jnp.zeros((H * D,), dtype=jnp.float32)
    # edge_fc: Linear(n_edge_feats, n_heads*n_out_feats) = Linear(16, 32)
    W_edge = jax.random.normal(ks[6], (DE, D), dtype=jnp.float32) * 0.05
    b_edge = jnp.zeros((D,), dtype=jnp.float32)
    return {"node_feats": x, "edge_index": edge_index, "edge_feats": edge_feats,
            "W_fc": W_fc, "b_fc": b_fc, "attn": attn,
            "W_res": W_res, "b_res": b_res, "W_edge": W_edge, "b_edge": b_edge}


def reference(node_feats, edge_index, edge_feats, W_fc, b_fc, attn, W_res, b_res, W_edge, b_edge):
    src = edge_index[0]
    dst = edge_index[1]
    # ---- GATv2Conv (share_weights=True, residual=True, activation=relu, eval-mode dropout=identity) ----
    feat = (node_feats @ W_fc + b_fc).reshape(N, H, D)
    fs = feat[src]              # [E,H,D] gather src
    fd = feat[dst]              # [E,H,D] gather dst
    e = jax.nn.leaky_relu(fs + fd, negative_slope=0.2)
    logits = jnp.sum(e * attn[None, :, :], axis=-1)          # [E,H]
    lmax = jax.ops.segment_max(logits, dst, num_segments=N)  # [N,H]
    lmax = jnp.where(jnp.isfinite(lmax), lmax, 0.0)
    ex = jnp.exp(logits - lmax[dst])
    den = jax.ops.segment_sum(ex, dst, num_segments=N)       # [N,H]
    alpha = ex / den[dst]                                    # edge softmax per dst node
    rst = jax.ops.segment_sum(alpha[:, :, None] * fs, dst, num_segments=N)  # [N,H,D]
    res = (node_feats @ W_res + b_res).reshape(N, H, D)
    h = jax.nn.relu(rst + res)                               # [N,H,D]
    # ---- edge_fc + u_add_e + per-node elementwise softmax reduce ----
    eproj = edge_feats @ W_edge + b_edge                     # [E,D]
    m = h[src] + eproj[:, None, :]                           # [E,H,D] message
    mmax = jax.ops.segment_max(m, dst, num_segments=N)
    mmax = jnp.where(jnp.isfinite(mmax), mmax, 0.0)
    mex = jnp.exp(m - mmax[dst])
    mden = jax.ops.segment_sum(mex, dst, num_segments=N)
    mden_safe = jnp.where(mden == 0.0, 1.0, mden)
    alpha2 = mex / mden_safe[dst]
    h_new = jax.ops.segment_sum(alpha2 * m, dst, num_segments=N)  # [N,H,D]
    # merge == 'concat' -> view(-1, n_heads * n_heads * n_out_feats) = [N, 64]
    return h_new.reshape(N, H * D)

if __name__ == "__main__":
    import jax
    _d = setup_inputs()
    print(jax.jit(kernel)(*tuple(_d.values())))

</pallas_src>

<mosaic_0001>
#map = affine_map<(d0, d1) -> (0, 0)>
module attributes {stable_mosaic.version = 14 : i64} {
  func.func @_sc_pass2_body(%arg0: i32, %arg1: i32, %arg2: memref<12800x50xi32, #tpu.memory_space<hbm>>, %arg3: memref<12800x50xi32, #tpu.memory_space<hbm>>, %arg4: memref<10000x64xf32, #tpu.memory_space<hbm>>, %arg5: memref<640000x32xf32, #tpu.memory_space<hbm>>, %arg6: memref<10000x128xf32, #tpu.memory_space<hbm>>, %arg7: memref<20000x128xf32, #tpu.memory_space<hbm>>, %arg8: memref<2x50xi32, #tpu.memory_space<vmem>>, %arg9: memref<2x50xi32, #tpu.memory_space<vmem>>, %arg10: memref<2x50xi32, #tpu.memory_space<vmem>>, %arg11: memref<2x50xi32, #tpu.memory_space<vmem>>, %arg12: memref<100x64xf32, #tpu.memory_space<vmem>>, %arg13: memref<100x32xf32, #tpu.memory_space<vmem>>, %arg14: memref<100x64xf32, #tpu.memory_space<vmem>>, %arg15: memref<100x32xf32, #tpu.memory_space<vmem>>, %arg16: memref<100x128xf32, #tpu.memory_space<vmem>>, %arg17: memref<10000x128xf32, #tpu.memory_space<vmem_shared>>, %arg18: memref<!tpu.dma_semaphore, #tpu.memory_space<semaphore_mem>>) attributes {dimension_semantics = [#tpu.dimension_semantics<core_parallel>, #tpu.dimension_semantics<subcore_parallel>], iteration_bounds = array<i64: 2, 16>, scalar_prefetch = 0 : i64, scratch_operands = 11 : i64, tpu.core_type = #tpu.core_type<sc_vector_subcore>, window_params = [{transform_indices = #map}, {transform_indices = #map}, {transform_indices = #map}, {transform_indices = #map}, {transform_indices = #map}, {transform_indices = #map}]} {
    %mul3A = arith.constant 16 : i32
    %mul3A_0 = arith.muli %arg0, %mul3A : i32
    %add3A = arith.addi %mul3A_0, %arg1 : i32
    %mul3A_1 = arith.constant 632 : i32
    %mul3A_2 = arith.muli %arg1, %mul3A_1 : i32
    %lt3A = arith.constant 15 : i32
    %lt3A_3 = arith.cmpi slt, %arg1, %lt3A : i32
    %convert_element_type3A = arith.extui %lt3A_3 : i1 to i32
    %cond3A = arith.constant 0 : i32
    %cond3A_4 = arith.cmpi ne, %convert_element_type3A, %cond3A : i32
    scf.if %cond3A_4 {
      "tpu.region"() ({
        %run_scoped3A = tpu.sem_alloc : memref<!tpu.dma_semaphore, #tpu.memory_space<semaphore_mem>>
        %dma_start3A_59 = arith.constant 0 : i32
        %dma_start3A_60 = tpu.memref_slice %arg17[%mul3A_2, %dma_start3A_59] : memref<10000x128xf32, #tpu.memory_space<vmem_shared>> -> memref<632x128xf32, #tpu.memory_space<vmem_shared>>
        %dma_start3A_61 = arith.constant 0 : i32
        %dma_start3A_62 = tpu.memref_slice %arg6[%mul3A_2, %dma_start3A_61] : memref<10000x128xf32, #tpu.memory_space<hbm>> -> memref<632x128xf32, #tpu.memory_space<hbm>>
        tpu.enqueue_dma source(%dma_start3A_62 : memref<632x128xf32, #tpu.memory_space<hbm>>) target(%dma_start3A_60 : memref<632x128xf32, #tpu.memory_space<vmem_shared>>) target_semaphore(%run_scoped3A : memref<!tpu.dma_semaphore, #tpu.memory_space<semaphore_mem>>)
        %dma_wait3A = arith.constant 0 : i32
        %dma_wait3A_63 = tpu.memref_slice %arg17[%mul3A_2, %dma_wait3A] : memref<10000x128xf32, #tpu.memory_space<vmem_shared>> -> memref<632x128xf32, #tpu.memory_space<vmem_shared>>
        %dma_wait3A_64 = arith.constant 0 : i32
        %dma_wait3A_65 = tpu.memref_slice %arg6[%mul3A_2, %dma_wait3A_64] : memref<10000x128xf32, #tpu.memory_space<hbm>> -> memref<632x128xf32, #tpu.memory_space<hbm>>
        tpu.wait_dma2 semaphore(%run_scoped3A : memref<!tpu.dma_semaphore, #tpu.memory_space<semaphore_mem>>) src(%dma_wait3A_65 : memref<632x128xf32, #tpu.memory_space<hbm>>) dst(%dma_wait3A_63 : memref<632x128xf32, #tpu.memory_space<vmem_shared>>)
        tpu.yield
      }) : () -> ()
    } else {
    }
    %eq3A = arith.constant 15 : i32
    %eq3A_5 = arith.cmpi eq, %arg1, %eq3A : i32
    %convert_element_type3A_6 = arith.extui %eq3A_5 : i1 to i32
    %cond3A_7 = arith.constant 0 : i32
    %cond3A_8 = arith.cmpi ne, %convert_element_type3A_6, %cond3A_7 : i32
    scf.if %cond3A_8 {
      "tpu.region"() ({
        %run_scoped3A = tpu.sem_alloc : memref<!tpu.dma_semaphore, #tpu.memory_space<semaphore_mem>>
        %dma_start3A_59 = arith.constant 9480 : i32
        %dma_start3A_60 = arith.constant 0 : i32
        %dma_start3A_61 = tpu.memref_slice %arg17[%dma_start3A_59, %dma_start3A_60] : memref<10000x128xf32, #tpu.memory_space<vmem_shared>> -> memref<520x128xf32, #tpu.memory_space<vmem_shared>>
        %dma_start3A_62 = arith.constant 9480 : i32
        %dma_start3A_63 = arith.constant 0 : i32
        %dma_start3A_64 = tpu.memref_slice %arg6[%dma_start3A_62, %dma_start3A_63] : memref<10000x128xf32, #tpu.memory_space<hbm>> -> memref<520x128xf32, #tpu.memory_space<hbm>>
        tpu.enqueue_dma source(%dma_start3A_64 : memref<520x128xf32, #tpu.memory_space<hbm>>) target(%dma_start3A_61 : memref<520x128xf32, #tpu.memory_space<vmem_shared>>) target_semaphore(%run_scoped3A : memref<!tpu.dma_semaphore, #tpu.memory_space<semaphore_mem>>)
        %dma_wait3A = arith.constant 9480 : i32
        %dma_wait3A_65 = arith.constant 0 : i32
        %dma_wait3A_66 = tpu.memref_slice %arg17[%dma_wait3A, %dma_wait3A_65] : memref<10000x128xf32, #tpu.memory_space<vmem_shared>> -> memref<520x128xf32, #tpu.memory_space<vmem_shared>>
        %dma_wait3A_67 = arith.constant 9480 : i32
        %dma_wait3A_68 = arith.constant 0 : i32
        %dma_wait3A_69 = tpu.memref_slice %arg6[%dma_wait3A_67, %dma_wait3A_68] : memref<10000x128xf32, #tpu.memory_space<hbm>> -> memref<520x128xf32, #tpu.memory_space<hbm>>
        tpu.wait_dma2 semaphore(%run_scoped3A : memref<!tpu.dma_semaphore, #tpu.memory_space<semaphore_mem>>) src(%dma_wait3A_69 : memref<520x128xf32, #tpu.memory_space<hbm>>) dst(%dma_wait3A_66 : memref<520x128xf32, #tpu.memory_space<vmem_shared>>)
        tpu.yield
      }) : () -> ()
    } else {
    }
    %barrier3A = arith.constant 0 : index
    tpu.barrier barrier_id(%barrier3A)
    %mul3A_9 = arith.constant 400 : i32
    %mul3A_10 = arith.muli %add3A, %mul3A_9 : i32
    %mul3A_11 = arith.constant 20000 : i32
    %mul3A_12 = arith.muli %add3A, %mul3A_11 : i32
    %add3A_13 = arith.constant 0 : i32
    %add3A_14 = arith.addi %mul3A_10, %add3A_13 : i32
    "tpu.region"() ({
      %run_scoped3A = tpu.sem_alloc : memref<!tpu.dma_semaphore, #tpu.memory_space<semaphore_mem>>
      %dma_start3A_59 = arith.constant 0 : i32
      %dma_start3A_60 = tpu.memref_slice %arg2[%add3A_14, %dma_start3A_59] : memref<12800x50xi32, #tpu.memory_space<hbm>> -> memref<2x50xi32, #tpu.memory_space<hbm>>
      %dma_start3A_61 = arith.constant 0 : i32
      %dma_start3A_62 = tpu.memref_slice %arg2[%add3A_14, %dma_start3A_61] : memref<12800x50xi32, #tpu.memory_space<hbm>> -> memref<2x50xi32, #tpu.memory_space<hbm>>
      tpu.enqueue_dma source(%dma_start3A_62 : memref<2x50xi32, #tpu.memory_space<hbm>>) target(%arg8 : memref<2x50xi32, #tpu.memory_space<vmem>>) target_semaphore(%run_scoped3A : memref<!tpu.dma_semaphore, #tpu.memory_space<semaphore_mem>>)
      %dma_wait3A = arith.constant 0 : i32
      %dma_wait3A_63 = tpu.memref_slice %arg2[%add3A_14, %dma_wait3A] : memref<12800x50xi32, #tpu.memory_space<hbm>> -> memref<2x50xi32, #tpu.memory_space<hbm>>
      %dma_wait3A_64 = arith.constant 0 : i32
      %dma_wait3A_65 = tpu.memref_slice %arg2[%add3A_14, %dma_wait3A_64] : memref<12800x50xi32, #tpu.memory_space<hbm>> -> memref<2x50xi32, #tpu.memory_space<hbm>>
      tpu.wait_dma2 semaphore(%run_scoped3A : memref<!tpu.dma_semaphore, #tpu.memory_space<semaphore_mem>>) src(%dma_wait3A_65 : memref<2x50xi32, #tpu.memory_space<hbm>>) dst(%arg8 : memref<2x50xi32, #tpu.memory_space<vmem>>)
      tpu.yield
    }) : () -> ()
    %add3A_15 = arith.constant 0 : i32
    %add3A_16 = arith.addi %mul3A_10, %add3A_15 : i32
    "tpu.region"() ({
      %run_scoped3A = tpu.sem_alloc : memref<!tpu.dma_semaphore, #tpu.memory_space<semaphore_mem>>
      %dma_start3A_59 = arith.constant 0 : i32
      %dma_start3A_60 = tpu.memref_slice %arg3[%add3A_16, %dma_start3A_59] : memref<12800x50xi32, #tpu.memory_space<hbm>> -> memref<2x50xi32, #tpu.memory_space<hbm>>
      %dma_start3A_61 = arith.constant 0 : i32
      %dma_start3A_62 = tpu.memref_slice %arg3[%add3A_16, %dma_start3A_61] : memref<12800x50xi32, #tpu.memory_space<hbm>> -> memref<2x50xi32, #tpu.memory_space<hbm>>
      tpu.enqueue_dma source(%dma_start3A_62 : memref<2x50xi32, #tpu.memory_space<hbm>>) target(%arg9 : memref<2x50xi32, #tpu.memory_space<vmem>>) target_semaphore(%run_scoped3A : memref<!tpu.dma_semaphore, #tpu.memory_space<semaphore_mem>>)
      %dma_wait3A = arith.constant 0 : i32
      %dma_wait3A_63 = tpu.memref_slice %arg3[%add3A_16, %dma_wait3A] : memref<12800x50xi32, #tpu.memory_space<hbm>> -> memref<2x50xi32, #tpu.memory_space<hbm>>
      %dma_wait3A_64 = arith.constant 0 : i32
      %dma_wait3A_65 = tpu.memref_slice %arg3[%add3A_16, %dma_wait3A_64] : memref<12800x50xi32, #tpu.memory_space<hbm>> -> memref<2x50xi32, #tpu.memory_space<hbm>>
      tpu.wait_dma2 semaphore(%run_scoped3A : memref<!tpu.dma_semaphore, #tpu.memory_space<semaphore_mem>>) src(%dma_wait3A_65 : memref<2x50xi32, #tpu.memory_space<hbm>>) dst(%arg9 : memref<2x50xi32, #tpu.memory_space<vmem>>)
      tpu.yield
    }) : () -> ()
    %add3A_17 = arith.constant 0 : i32
    %add3A_18 = arith.addi %mul3A_12, %add3A_17 : i32
    %dma_start3A = arith.constant 0 : i32
    %dma_start3A_19 = tpu.memref_slice %arg5[%add3A_18, %dma_start3A] : memref<640000x32xf32, #tpu.memory_space<hbm>> -> memref<100x32xf32, #tpu.memory_space<hbm>>
    %dma_start3A_20 = arith.constant 0 : i32
    %dma_start3A_21 = tpu.memref_slice %arg5[%add3A_18, %dma_start3A_20] : memref<640000x32xf32, #tpu.memory_space<hbm>> -> memref<100x32xf32, #tpu.memory_space<hbm>>
    tpu.enqueue_dma source(%dma_start3A_21 : memref<100x32xf32, #tpu.memory_space<hbm>>) target(%arg13 : memref<100x32xf32, #tpu.memory_space<vmem>>) target_semaphore(%arg18 : memref<!tpu.dma_semaphore, #tpu.memory_space<semaphore_mem>>)
    %dma_start3A_22 = arith.constant 0 : i32
    %dma_start3A_23 = arith.constant 0 : i32
    %dma_start3A_24 = arith.constant 0 : i32
    %dma_start3A_25 = tpu.memref_slice %arg12[%dma_start3A_23, %dma_start3A_24] : memref<100x64xf32, #tpu.memory_space<vmem>> -> memref<50x64xf32, #tpu.memory_space<vmem>>
    %dma_start3A_26 = arith.constant 0 : i32
    %dma_start3A_27 = tpu.memref_slice %arg8[%dma_start3A_22, %dma_start3A_26] : memref<2x50xi32, #tpu.memory_space<vmem>> -> memref<1x50xi32, #tpu.memory_space<vmem>>
    %dma_start3A_28 = tpu.memref_squeeze %dma_start3A_27 : memref<1x50xi32, #tpu.memory_space<vmem>> -> memref<50xi32, #tpu.memory_space<vmem>>
    %dma_start3A_29 = arith.constant 0 : i32
    %dma_start3A_30 = arith.constant 0 : i32
    %dma_start3A_31 = tpu.memref_slice %arg4[%dma_start3A_29, %dma_start3A_30] : memref<10000x64xf32, #tpu.memory_space<hbm>> -> memref<10000x64xf32, #tpu.memory_space<hbm>>
    tpu.enqueue_indirect_dma source(%dma_start3A_31 : memref<10000x64xf32, #tpu.memory_space<hbm>>) target(%dma_start3A_25 : memref<50x64xf32, #tpu.memory_space<vmem>>) offsets(%dma_start3A_28 : memref<50xi32, #tpu.memory_space<vmem>>) semaphore(%arg18 : memref<!tpu.dma_semaphore, #tpu.memory_space<semaphore_mem>>)
    %dma_start3A_32 = arith.constant 1 : i32
    %dma_start3A_33 = arith.constant 50 : i32
    %dma_start3A_34 = arith.constant 0 : i32
    %dma_start3A_35 = tpu.memref_slice %arg12[%dma_start3A_33, %dma_start3A_34] : memref<100x64xf32, #tpu.memory_space<vmem>> -> memref<50x64xf32, #tpu.memory_space<vmem>>
    %dma_start3A_36 = arith.constant 0 : i32
    %dma_start3A_37 = tpu.memref_slice %arg8[%dma_start3A_32, %dma_start3A_36] : memref<2x50xi32, #tpu.memory_space<vmem>> -> memref<1x50xi32, #tpu.memory_space<vmem>>
    %dma_start3A_38 = tpu.memref_squeeze %dma_start3A_37 : memref<1x50xi32, #tpu.memory_space<vmem>> -> memref<50xi32, #tpu.memory_space<vmem>>
    %dma_start3A_39 = arith.constant 0 : i32
    %dma_start3A_40 = arith.constant 0 : i32
    %dma_start3A_41 = tpu.memref_slice %arg4[%dma_start3A_39, %dma_start3A_40] : memref<10000x64xf32, #tpu.memory_space<hbm>> -> memref<10000x64xf32, #tpu.memory_space<hbm>>
    tpu.enqueue_indirect_dma source(%dma_start3A_41 : memref<10000x64xf32, #tpu.memory_space<hbm>>) target(%dma_start3A_35 : memref<50x64xf32, #tpu.memory_space<vmem>>) offsets(%dma_start3A_38 : memref<50xi32, #tpu.memory_space<vmem>>) semaphore(%arg18 : memref<!tpu.dma_semaphore, #tpu.memory_space<semaphore_mem>>)
    %scan3A = arith.constant 0 : i32
    %scan3A_42 = arith.constant 100 : i32
    %scan3A_43 = arith.addi %scan3A, %scan3A_42 : i32
    %scan3A_44 = arith.constant 1 : i32
    scf.for %scan3A_59 = %scan3A to %scan3A_43 step %scan3A_44  : i32 {
      %mul3A_60 = arith.constant 2 : i32
      %mul3A_61 = arith.muli %scan3A_59, %mul3A_60 : i32
      %add3A_62 = arith.constant 0 : i32
      %add3A_63 = arith.addi %add3A_62, %mul3A_61 : i32
      %add3A_64 = arith.constant 0 : i32
      %add3A_65 = arith.addi %add3A_63, %add3A_64 : i32
      %mul3A_66 = arith.constant 100 : i32
      %mul3A_67 = arith.muli %add3A_65, %mul3A_66 : i32
      %add3A_68 = arith.addi %mul3A_12, %mul3A_67 : i32
      %dma_wait3A = arith.constant 0 : i32
      %dma_wait3A_69 = tpu.memref_slice %arg5[%add3A_68, %dma_wait3A] : memref<640000x32xf32, #tpu.memory_space<hbm>> -> memref<100x32xf32, #tpu.memory_space<hbm>>
      %dma_wait3A_70 = arith.constant 0 : i32
      %dma_wait3A_71 = tpu.memref_slice %arg5[%add3A_68, %dma_wait3A_70] : memref<640000x32xf32, #tpu.memory_space<hbm>> -> memref<100x32xf32, #tpu.memory_space<hbm>>
      tpu.wait_dma2 semaphore(%arg18 : memref<!tpu.dma_semaphore, #tpu.memory_space<semaphore_mem>>) src(%dma_wait3A_71 : memref<100x32xf32, #tpu.memory_space<hbm>>) dst(%arg13 : memref<100x32xf32, #tpu.memory_space<vmem>>)
      %dma_wait3A_72 = arith.constant 0 : i32
      %dma_wait3A_73 = arith.constant 0 : i32
      %dma_wait3A_74 = arith.constant 0 : i32
      %dma_wait3A_75 = tpu.memref_slice %arg12[%dma_wait3A_73, %dma_wait3A_74] : memref<100x64xf32, #tpu.memory_space<vmem>> -> memref<50x64xf32, #tpu.memory_space<vmem>>
      %dma_wait3A_76 = arith.constant 0 : i32
      %dma_wait3A_77 = tpu.memref_slice %arg8[%dma_wait3A_72, %dma_wait3A_76] : memref<2x50xi32, #tpu.memory_space<vmem>> -> memref<1x50xi32, #tpu.memory_space<vmem>>
      %dma_wait3A_78 = tpu.memref_squeeze %dma_wait3A_77 : memref<1x50xi32, #tpu.memory_space<vmem>> -> memref<50xi32, #tpu.memory_space<vmem>>
      %dma_wait3A_79 = arith.constant 0 : i32
      %dma_wait3A_80 = arith.constant 0 : i32
      %dma_wait3A_81 = tpu.memref_slice %arg4[%dma_wait3A_79, %dma_wait3A_80] : memref<10000x64xf32, #tpu.memory_space<hbm>> -> memref<10000x64xf32, #tpu.memory_space<hbm>>
      tpu.wait_indirect_dma semaphore(%arg18 : memref<!tpu.dma_semaphore, #tpu.memory_space<semaphore_mem>>) src(%dma_wait3A_81 : memref<10000x64xf32, #tpu.memory_space<hbm>>) dst(%dma_wait3A_75 : memref<50x64xf32, #tpu.memory_space<vmem>>)
      %dma_wait3A_82 = arith.constant 1 : i32
      %dma_wait3A_83 = arith.constant 50 : i32
      %dma_wait3A_84 = arith.constant 0 : i32
      %dma_wait3A_85 = tpu.memref_slice %arg12[%dma_wait3A_83, %dma_wait3A_84] : memref<100x64xf32, #tpu.memory_space<vmem>> -> memref<50x64xf32, #tpu.memory_space<vmem>>
      %dma_wait3A_86 = arith.constant 0 : i32
      %dma_wait3A_87 = tpu.memref_slice %arg8[%dma_wait3A_82, %dma_wait3A_86] : memref<2x50xi32, #tpu.memory_space<vmem>> -> memref<1x50xi32, #tpu.memory_space<vmem>>
      %dma_wait3A_88 = tpu.memref_squeeze %dma_wait3A_87 : memref<1x50xi32, #tpu.memory_space<vmem>> -> memref<50xi32, #tpu.memory_space<vmem>>
      %dma_wait3A_89 = arith.constant 0 : i32
      %dma_wait3A_90 = arith.constant 0 : i32
      %dma_wait3A_91 = tpu.memref_slice %arg4[%dma_wait3A_89, %dma_wait3A_90] : memref<10000x64xf32, #tpu.memory_space<hbm>> -> memref<10000x64xf32, #tpu.memory_space<hbm>>
      tpu.wait_indirect_dma semaphore(%arg18 : memref<!tpu.dma_semaphore, #tpu.memory_space<semaphore_mem>>) src(%dma_wait3A_91 : memref<10000x64xf32, #tpu.memory_space<hbm>>) dst(%dma_wait3A_85 : memref<50x64xf32, #tpu.memory_space<vmem>>)
      %add3A_92 = arith.constant 1 : i32
      %add3A_93 = arith.addi %add3A_65, %add3A_92 : i32
      %lt3A_94 = arith.constant 200 : i32
      %lt3A_95 = arith.cmpi slt, %add3A_93, %lt3A_94 : i32
      %convert_element_type3A_96 = arith.extui %lt3A_95 : i1 to i32
      %cond3A_97 = arith.constant 0 : i32
      %cond3A_98 = arith.cmpi ne, %convert_element_type3A_96, %cond3A_97 : i32
      scf.if %cond3A_98 {
        %add3A_148 = arith.constant 1 : i32
        %add3A_149 = arith.addi %add3A_65, %add3A_148 : i32
        %mul3A_150 = arith.constant 2 : i32
        %mul3A_151 = arith.muli %add3A_149, %mul3A_150 : i32
        %add3A_152 = arith.addi %mul3A_10, %mul3A_151 : i32
        "tpu.region"() ({
          %run_scoped3A_185 = tpu.sem_alloc : memref<!tpu.dma_semaphore, #tpu.memory_space<semaphore_mem>>
          %dma_start3A_186 = arith.constant 0 : i32
          %dma_start3A_187 = tpu.memref_slice %arg2[%add3A_152, %dma_start3A_186] : memref<12800x50xi32, #tpu.memory_space<hbm>> -> memref<2x50xi32, #tpu.memory_space<hbm>>
          %dma_start3A_188 = arith.constant 0 : i32
          %dma_start3A_189 = tpu.memref_slice %arg2[%add3A_152, %dma_start3A_188] : memref<12800x50xi32, #tpu.memory_space<hbm>> -> memref<2x50xi32, #tpu.memory_space<hbm>>
          tpu.enqueue_dma source(%dma_start3A_189 : memref<2x50xi32, #tpu.memory_space<hbm>>) target(%arg10 : memref<2x50xi32, #tpu.memory_space<vmem>>) target_semaphore(%run_scoped3A_185 : memref<!tpu.dma_semaphore, #tpu.memory_space<semaphore_mem>>)
          %dma_wait3A_190 = arith.constant 0 : i32
          %dma_wait3A_191 = tpu.memref_slice %arg2[%add3A_152, %dma_wait3A_190] : memref<12800x50xi32, #tpu.memory_space<hbm>> -> memref<2x50xi32, #tpu.memory_space<hbm>>
          %dma_wait3A_192 = arith.constant 0 : i32
          %dma_wait3A_193 = tpu.memref_slice %arg2[%add3A_152, %dma_wait3A_192] : memref<12800x50xi32, #tpu.memory_space<hbm>> -> memref<2x50xi32, #tpu.memory_space<hbm>>
          tpu.wait_dma2 semaphore(%run_scoped3A_185 : memref<!tpu.dma_semaphore, #tpu.memory_space<semaphore_mem>>) src(%dma_wait3A_193 : memref<2x50xi32, #tpu.memory_space<hbm>>) dst(%arg10 : memref<2x50xi32, #tpu.memory_space<vmem>>)
          tpu.yield
        }) : () -> ()
        %mul3A_153 = arith.constant 2 : i32
        %mul3A_154 = arith.muli %add3A_149, %mul3A_153 : i32
        %add3A_155 = arith.addi %mul3A_10, %mul3A_154 : i32
        "tpu.region"() ({
          %run_scoped3A_185 = tpu.sem_alloc : memref<!tpu.dma_semaphore, #tpu.memory_space<semaphore_mem>>
          %dma_start3A_186 = arith.constant 0 : i32
          %dma_start3A_187 = tpu.memref_slice %arg3[%add3A_155, %dma_start3A_186] : memref<12800x50xi32, #tpu.memory_space<hbm>> -> memref<2x50xi32, #tpu.memory_space<hbm>>
          %dma_start3A_188 = arith.constant 0 : i32
          %dma_start3A_189 = tpu.memref_slice %arg3[%add3A_155, %dma_start3A_188] : memref<12800x50xi32, #tpu.memory_space<hbm>> -> memref<2x50xi32, #tpu.memory_space<hbm>>
          tpu.enqueue_dma source(%dma_start3A_189 : memref<2x50xi32, #tpu.memory_space<hbm>>) target(%arg11 : memref<2x50xi32, #tpu.memory_space<vmem>>) target_semaphore(%run_scoped3A_185 : memref<!tpu.dma_semaphore, #tpu.memory_space<semaphore_mem>>)
          %dma_wait3A_190 = arith.constant 0 : i32
          %dma_wait3A_191 = tpu.memref_slice %arg3[%add3A_155, %dma_wait3A_190] : memref<12800x50xi32, #tpu.memory_space<hbm>> -> memref<2x50xi32, #tpu.memory_space<hbm>>
          %dma_wait3A_192 = arith.constant 0 : i32
          %dma_wait3A_193 = tpu.memref_slice %arg3[%add3A_155, %dma_wait3A_192] : memref<12800x50xi32, #tpu.memory_space<hbm>> -> memref<2x50xi32, #tpu.memory_space<hbm>>
          tpu.wait_dma2 semaphore(%run_scoped3A_185 : memref<!tpu.dma_semaphore, #tpu.memory_space<semaphore_mem>>) src(%dma_wait3A_193 : memref<2x50xi32, #tpu.memory_space<hbm>>) dst(%arg11 : memref<2x50xi32, #tpu.memory_space<vmem>>)
          tpu.yield
        }) : () -> ()
        %add3A_156 = arith.constant 1 : i32
        %add3A_157 = arith.addi %add3A_65, %add3A_156 : i32
        %mul3A_158 = arith.constant 100 : i32
        %mul3A_159 = arith.muli %add3A_157, %mul3A_158 : i32
        %add3A_160 = arith.addi %mul3A_12, %mul3A_159 : i32
        %dma_start3A_161 = arith.constant 0 : i32
        %dma_start3A_162 = tpu.memref_slice %arg5[%add3A_160, %dma_start3A_161] : memref<640000x32xf32, #tpu.memory_space<hbm>> -> memref<100x32xf32, #tpu.memory_space<hbm>>
        %dma_start3A_163 = arith.constant 0 : i32
        %dma_start3A_164 = tpu.memref_slice %arg5[%add3A_160, %dma_start3A_163] : memref<640000x32xf32, #tpu.memory_space<hbm>> -> memref<100x32xf32, #tpu.memory_space<hbm>>
        tpu.enqueue_dma source(%dma_start3A_164 : memref<100x32xf32, #tpu.memory_space<hbm>>) target(%arg15 : memref<100x32xf32, #tpu.memory_space<vmem>>) target_semaphore(%arg18 : memref<!tpu.dma_semaphore, #tpu.memory_space<semaphore_mem>>)
        %dma_start3A_165 = arith.constant 0 : i32
        %dma_start3A_166 = arith.constant 0 : i32
        %dma_start3A_167 = arith.constant 0 : i32
        %dma_start3A_168 = tpu.memref_slice %arg14[%dma_start3A_166, %dma_start3A_167] : memref<100x64xf32, #tpu.memory_space<vmem>> -> memref<50x64xf32, #tpu.memory_space<vmem>>
        %dma_start3A_169 = arith.constant 0 : i32
        %dma_start3A_170 = tpu.memref_slice %arg10[%dma_start3A_165, %dma_start3A_169] : memref<2x50xi32, #tpu.memory_space<vmem>> -> memref<1x50xi32, #tpu.memory_space<vmem>>
        %dma_start3A_171 = tpu.memref_squeeze %dma_start3A_170 : memref<1x50xi32, #tpu.memory_space<vmem>> -> memref<50xi32, #tpu.memory_space<vmem>>
        %dma_start3A_172 = arith.constant 0 : i32
        %dma_start3A_173 = arith.constant 0 : i32
        %dma_start3A_174 = tpu.memref_slice %arg4[%dma_start3A_172, %dma_start3A_173] : memref<10000x64xf32, #tpu.memory_space<hbm>> -> memref<10000x64xf32, #tpu.memory_space<hbm>>
        tpu.enqueue_indirect_dma source(%dma_start3A_174 : memref<10000x64xf32, #tpu.memory_space<hbm>>) target(%dma_start3A_168 : memref<50x64xf32, #tpu.memory_space<vmem>>) offsets(%dma_start3A_171 : memref<50xi32, #tpu.memory_space<vmem>>) semaphore(%arg18 : memref<!tpu.dma_semaphore, #tpu.memory_space<semaphore_mem>>)
        %dma_start3A_175 = arith.constant 1 : i32
        %dma_start3A_176 = arith.constant 50 : i32
        %dma_start3A_177 = arith.constant 0 : i32
        %dma_start3A_178 = tpu.memref_slice %arg14[%dma_start3A_176, %dma_start3A_177] : memref<100x64xf32, #tpu.memory_space<vmem>> -> memref<50x64xf32, #tpu.memory_space<vmem>>
        %dma_start3A_179 = arith.constant 0 : i32
        %dma_start3A_180 = tpu.memref_slice %arg10[%dma_start3A_175, %dma_start3A_179] : memref<2x50xi32, #tpu.memory_space<vmem>> -> memref<1x50xi32, #tpu.memory_space<vmem>>
        %dma_start3A_181 = tpu.memref_squeeze %dma_start3A_180 : memref<1x50xi32, #tpu.memory_space<vmem>> -> memref<50xi32, #tpu.memory_space<vmem>>
        %dma_start3A_182 = arith.constant 0 : i32
        %dma_start3A_183 = arith.constant 0 : i32
        %dma_start3A_184 = tpu.memref_slice %arg4[%dma_start3A_182, %dma_start3A_183] : memref<10000x64xf32, #tpu.memory_space<hbm>> -> memref<10000x64xf32, #tpu.memory_space<hbm>>
        tpu.enqueue_indirect_dma source(%dma_start3A_184 : memref<10000x64xf32, #tpu.memory_space<hbm>>) target(%dma_start3A_178 : memref<50x64xf32, #tpu.memory_space<vmem>>) offsets(%dma_start3A_181 : memref<50xi32, #tpu.memory_space<vmem>>) semaphore(%arg18 : memref<!tpu.dma_semaphore, #tpu.memory_space<semaphore_mem>>)
      } else {
      }
      %scan3A_99 = arith.constant 0 : i32
      %scan3A_100 = arith.constant 100 : i32
      %scan3A_101 = arith.addi %scan3A_99, %scan3A_100 : i32
      %scan3A_102 = arith.constant 1 : i32
      scf.for %scan3A_148 = %scan3A_99 to %scan3A_101 step %scan3A_102  : i32 {
        %mul3A_149 = arith.constant 1 : i32
        %mul3A_150 = arith.muli %scan3A_148, %mul3A_149 : i32
        %add3A_151 = arith.constant 0 : i32
        %add3A_152 = arith.addi %add3A_151, %mul3A_150 : i32
        %get3A = arith.index_cast %add3A_152 : i32 to index
        %get3A_153 = arith.constant 0 : index
        %get3A_154 = tpu.vector_load %arg13[%get3A, %get3A_153] {strides = array<i32>} : memref<100x32xf32, #tpu.memory_space<vmem>>, vector<16xf32>,
        %get3A_155 = arith.index_cast %add3A_152 : i32 to index
        %get3A_156 = arith.constant 16 : index
        %get3A_157 = tpu.vector_load %arg13[%get3A_155, %get3A_156] {strides = array<i32>} : memref<100x32xf32, #tpu.memory_space<vmem>>, vector<16xf32>,
        %get3A_158 = arith.index_cast %add3A_152 : i32 to index
        %get3A_159 = arith.constant 0 : index
        %get3A_160 = tpu.vector_load %arg12[%get3A_158, %get3A_159] {strides = array<i32>} : memref<100x64xf32, #tpu.memory_space<vmem>>, vector<16xf32>,
        %add3A_161 = arith.addf %get3A_160, %get3A_154 : vector<16xf32>
        %get3A_162 = arith.index_cast %add3A_152 : i32 to index
        %get3A_163 = arith.constant 16 : index
        %get3A_164 = tpu.vector_load %arg12[%get3A_162, %get3A_163] {strides = array<i32>} : memref<100x64xf32, #tpu.memory_space<vmem>>, vector<16xf32>,
        %add3A_165 = arith.addf %get3A_164, %get3A_157 : vector<16xf32>
        %get3A_166 = arith.index_cast %add3A_152 : i32 to index
        %get3A_167 = arith.constant 32 : index
        %get3A_168 = tpu.vector_load %arg12[%get3A_166, %get3A_167] {strides = array<i32>} : memref<100x64xf32, #tpu.memory_space<vmem>>, vector<16xf32>,
        %add3A_169 = arith.addf %get3A_168, %get3A_154 : vector<16xf32>
        %get3A_170 = arith.index_cast %add3A_152 : i32 to index
        %get3A_171 = arith.constant 48 : index
        %get3A_172 = tpu.vector_load %arg12[%get3A_170, %get3A_171] {strides = array<i32>} : memref<100x64xf32, #tpu.memory_space<vmem>>, vector<16xf32>,
        %add3A_173 = arith.addf %get3A_172, %get3A_157 : vector<16xf32>
        %exp3A = math.exp %add3A_161 : vector<16xf32>
        %exp3A_174 = math.exp %add3A_165 : vector<16xf32>
        %exp3A_175 = math.exp %add3A_169 : vector<16xf32>
        %exp3A_176 = math.exp %add3A_173 : vector<16xf32>
        %swap3A = arith.index_cast %add3A_152 : i32 to index
        %swap3A_177 = arith.constant 0 : index
        %swap3A_178 = tpu.vector_load %arg16[%swap3A, %swap3A_177] {strides = array<i32>} : memref<100x128xf32, #tpu.memory_space<vmem>>, vector<16xf32>,
        tpu.vector_store %arg16[%swap3A, %swap3A_177], %exp3A {strides = array<i32>} : memref<100x128xf32, #tpu.memory_space<vmem>>, vector<16xf32>,
        %swap3A_179 = arith.index_cast %add3A_152 : i32 to index
        %swap3A_180 = arith.constant 16 : index
        %swap3A_181 = tpu.vector_load %arg16[%swap3A_179, %swap3A_180] {strides = array<i32>} : memref<100x128xf32, #tpu.memory_space<vmem>>, vector<16xf32>,
        tpu.vector_store %arg16[%swap3A_179, %swap3A_180], %exp3A_174 {strides = array<i32>} : memref<100x128xf32, #tpu.memory_space<vmem>>, vector<16xf32>,
        %swap3A_182 = arith.index_cast %add3A_152 : i32 to index
        %swap3A_183 = arith.constant 32 : index
        %swap3A_184 = tpu.vector_load %arg16[%swap3A_182, %swap3A_183] {strides = array<i32>} : memref<100x128xf32, #tpu.memory_space<vmem>>, vector<16xf32>,
        tpu.vector_store %arg16[%swap3A_182, %swap3A_183], %exp3A_175 {strides = array<i32>} : memref<100x128xf32, #tpu.memory_space<vmem>>, vector<16xf32>,
        %swap3A_185 = arith.index_cast %add3A_152 : i32 to index
        %swap3A_186 = arith.constant 48 : index
        %swap3A_187 = tpu.vector_load %arg16[%swap3A_185, %swap3A_186] {strides = array<i32>} : memref<100x128xf32, #tpu.memory_space<vmem>>, vector<16xf32>,
        tpu.vector_store %arg16[%swap3A_185, %swap3A_186], %exp3A_176 {strides = array<i32>} : memref<100x128xf32, #tpu.memory_space<vmem>>, vector<16xf32>,
        %mul3A_188 = arith.mulf %add3A_161, %exp3A : vector<16xf32>
        %swap3A_189 = arith.index_cast %add3A_152 : i32 to index
        %swap3A_190 = arith.constant 64 : index
        %swap3A_191 = tpu.vector_load %arg16[%swap3A_189, %swap3A_190] {strides = array<i32>} : memref<100x128xf32, #tpu.memory_space<vmem>>, vector<16xf32>,
        tpu.vector_store %arg16[%swap3A_189, %swap3A_190], %mul3A_188 {strides = array<i32>} : memref<100x128xf32, #tpu.memory_space<vmem>>, vector<16xf32>,
        %mul3A_192 = arith.mulf %add3A_165, %exp3A_174 : vector<16xf32>
        %swap3A_193 = arith.index_cast %add3A_152 : i32 to index
        %swap3A_194 = arith.constant 80 : index
        %swap3A_195 = tpu.vector_load %arg16[%swap3A_193, %swap3A_194] {strides = array<i32>} : memref<100x128xf32, #tpu.memory_space<vmem>>, vector<16xf32>,
        tpu.vector_store %arg16[%swap3A_193, %swap3A_194], %mul3A_192 {strides = array<i32>} : memref<100x128xf32, #tpu.memory_space<vmem>>, vector<16xf32>,
        %mul3A_196 = arith.mulf %add3A_169, %exp3A_175 : vector<16xf32>
        %swap3A_197 = arith.index_cast %add3A_152 : i32 to index
        %swap3A_198 = arith.constant 96 : index
        %swap3A_199 = tpu.vector_load %arg16[%swap3A_197, %swap3A_198] {strides = array<i32>} : memref<100x128xf32, #tpu.memory_space<vmem>>, vector<16xf32>,
        tpu.vector_store %arg16[%swap3A_197, %swap3A_198], %mul3A_196 {strides = array<i32>} : memref<100x128xf32, #tpu.memory_space<vmem>>, vector<16xf32>,
        %mul3A_200 = arith.mulf %add3A_173, %exp3A_176 : vector<16xf32>
        %swap3A_201 = arith.index_cast %add3A_152 : i32 to index
        %swap3A_202 = arith.constant 112 : index
        %swap3A_203 = tpu.vector_load %arg16[%swap3A_201, %swap3A_202] {strides = array<i32>} : memref<100x128xf32, #tpu.memory_space<vmem>>, vector<16xf32>,
        tpu.vector_store %arg16[%swap3A_201, %swap3A_202], %mul3A_200 {strides = array<i32>} : memref<100x128xf32, #tpu.memory_space<vmem>>, vector<16xf32>,
      }
      %scan3A_103 = arith.constant 100 : i32
      %run_scoped3A = arith.constant 0 : i32
      "tpu.region"() ({
        %run_scoped3A_148 = tpu.sem_alloc : memref<!tpu.dma_semaphore, #tpu.memory_space<semaphore_mem>>
        %dma_start3A_149 = arith.constant 0 : i32
        %dma_start3A_150 = arith.constant 0 : i32
        %dma_start3A_151 = tpu.memref_slice %arg16[%dma_start3A_149, %dma_start3A_150] : memref<100x128xf32, #tpu.memory_space<vmem>> -> memref<50x128xf32, #tpu.memory_space<vmem>>
        %dma_start3A_152 = arith.constant 0 : i32
        %dma_start3A_153 = tpu.memref_slice %arg9[%run_scoped3A, %dma_start3A_152] : memref<2x50xi32, #tpu.memory_space<vmem>> -> memref<1x50xi32, #tpu.memory_space<vmem>>
        %dma_start3A_154 = tpu.memref_squeeze %dma_start3A_153 : memref<1x50xi32, #tpu.memory_space<vmem>> -> memref<50xi32, #tpu.memory_space<vmem>>
        %dma_start3A_155 = arith.constant 0 : i32
        %dma_start3A_156 = arith.constant 0 : i32
        %dma_start3A_157 = tpu.memref_slice %arg17[%dma_start3A_155, %dma_start3A_156] : memref<10000x128xf32, #tpu.memory_space<vmem_shared>> -> memref<10000x128xf32, #tpu.memory_space<vmem_shared>>
        tpu.enqueue_indirect_dma source(%dma_start3A_151 : memref<50x128xf32, #tpu.memory_space<vmem>>) target(%dma_start3A_157 : memref<10000x128xf32, #tpu.memory_space<vmem_shared>>) offsets(%dma_start3A_154 : memref<50xi32, #tpu.memory_space<vmem>>) semaphore(%run_scoped3A_148 : memref<!tpu.dma_semaphore, #tpu.memory_space<semaphore_mem>>) {add = true}
        %dma_wait3A_158 = arith.constant 0 : i32
        %dma_wait3A_159 = arith.constant 0 : i32
        %dma_wait3A_160 = tpu.memref_slice %arg16[%dma_wait3A_158, %dma_wait3A_159] : memref<100x128xf32, #tpu.memory_space<vmem>> -> memref<50x128xf32, #tpu.memory_space<vmem>>
        %dma_wait3A_161 = arith.constant 0 : i32
        %dma_wait3A_162 = tpu.memref_slice %arg9[%run_scoped3A, %dma_wait3A_161] : memref<2x50xi32, #tpu.memory_space<vmem>> -> memref<1x50xi32, #tpu.memory_space<vmem>>
        %dma_wait3A_163 = tpu.memref_squeeze %dma_wait3A_162 : memref<1x50xi32, #tpu.memory_space<vmem>> -> memref<50xi32, #tpu.memory_space<vmem>>
        %dma_wait3A_164 = arith.constant 0 : i32
        %dma_wait3A_165 = arith.constant 0 : i32
        %dma_wait3A_166 = tpu.memref_slice %arg17[%dma_wait3A_164, %dma_wait3A_165] : memref<10000x128xf32, #tpu.memory_space<vmem_shared>> -> memref<10000x128xf32, #tpu.memory_space<vmem_shared>>
        tpu.wait_indirect_dma semaphore(%run_scoped3A_148 : memref<!tpu.dma_semaphore, #tpu.memory_space<semaphore_mem>>) src(%dma_wait3A_160 : memref<50x128xf32, #tpu.memory_space<vmem>>) dst(%dma_wait3A_166 : memref<10000x128xf32, #tpu.memory_space<vmem_shared>>)
        tpu.yield
      }) : () -> ()
      %run_scoped3A_104 = arith.constant 1 : i32
      "tpu.region"() ({
        %run_scoped3A_148 = tpu.sem_alloc : memref<!tpu.dma_semaphore, #tpu.memory_space<semaphore_mem>>
        %dma_start3A_149 = arith.constant 50 : i32
        %dma_start3A_150 = arith.constant 0 : i32
        %dma_start3A_151 = tpu.memref_slice %arg16[%dma_start3A_149, %dma_start3A_150] : memref<100x128xf32, #tpu.memory_space<vmem>> -> memref<50x128xf32, #tpu.memory_space<vmem>>
        %dma_start3A_152 = arith.constant 0 : i32
        %dma_start3A_153 = tpu.memref_slice %arg9[%run_scoped3A_104, %dma_start3A_152] : memref<2x50xi32, #tpu.memory_space<vmem>> -> memref<1x50xi32, #tpu.memory_space<vmem>>
        %dma_start3A_154 = tpu.memref_squeeze %dma_start3A_153 : memref<1x50xi32, #tpu.memory_space<vmem>> -> memref<50xi32, #tpu.memory_space<vmem>>
        %dma_start3A_155 = arith.constant 0 : i32
        %dma_start3A_156 = arith.constant 0 : i32
        %dma_start3A_157 = tpu.memref_slice %arg17[%dma_start3A_155, %dma_start3A_156] : memref<10000x128xf32, #tpu.memory_space<vmem_shared>> -> memref<10000x128xf32, #tpu.memory_space<vmem_shared>>
        tpu.enqueue_indirect_dma source(%dma_start3A_151 : memref<50x128xf32, #tpu.memory_space<vmem>>) target(%dma_start3A_157 : memref<10000x128xf32, #tpu.memory_space<vmem_shared>>) offsets(%dma_start3A_154 : memref<50xi32, #tpu.memory_space<vmem>>) semaphore(%run_scoped3A_148 : memref<!tpu.dma_semaphore, #tpu.memory_space<semaphore_mem>>) {add = true}
        %dma_wait3A_158 = arith.constant 50 : i32
        %dma_wait3A_159 = arith.constant 0 : i32
        %dma_wait3A_160 = tpu.memref_slice %arg16[%dma_wait3A_158, %dma_wait3A_159] : memref<100x128xf32, #tpu.memory_space<vmem>> -> memref<50x128xf32, #tpu.memory_space<vmem>>
        %dma_wait3A_161 = arith.constant 0 : i32
        %dma_wait3A_162 = tpu.memref_slice %arg9[%run_scoped3A_104, %dma_wait3A_161] : memref<2x50xi32, #tpu.memory_space<vmem>> -> memref<1x50xi32, #tpu.memory_space<vmem>>
        %dma_wait3A_163 = tpu.memref_squeeze %dma_wait3A_162 : memref<1x50xi32, #tpu.memory_space<vmem>> -> memref<50xi32, #tpu.memory_space<vmem>>
        %dma_wait3A_164 = arith.constant 0 : i32
        %dma_wait3A_165 = arith.constant 0 : i32
        %dma_wait3A_166 = tpu.memref_slice %arg17[%dma_wait3A_164, %dma_wait3A_165] : memref<10000x128xf32, #tpu.memory_space<vmem_shared>> -> memref<10000x128xf32, #tpu.memory_space<vmem_shared>>
        tpu.wait_indirect_dma semaphore(%run_scoped3A_148 : memref<!tpu.dma_semaphore, #tpu.memory_space<semaphore_mem>>) src(%dma_wait3A_160 : memref<50x128xf32, #tpu.memory_space<vmem>>) dst(%dma_wait3A_166 : memref<10000x128xf32, #tpu.memory_space<vmem_shared>>)
        tpu.yield
      }) : () -> ()
      %add3A_105 = arith.constant 1 : i32
      %add3A_106 = arith.addi %add3A_63, %add3A_105 : i32
      %mul3A_107 = arith.constant 100 : i32
      %mul3A_108 = arith.muli %add3A_106, %mul3A_107 : i32
      %add3A_109 = arith.addi %mul3A_12, %mul3A_108 : i32
      %dma_wait3A_110 = arith.constant 0 : i32
      %dma_wait3A_111 = tpu.memref_slice %arg5[%add3A_109, %dma_wait3A_110] : memref<640000x32xf32, #tpu.memory_space<hbm>> -> memref<100x32xf32, #tpu.memory_space<hbm>>
      %dma_wait3A_112 = arith.constant 0 : i32
      %dma_wait3A_113 = tpu.memref_slice %arg5[%add3A_109, %dma_wait3A_112] : memref<640000x32xf32, #tpu.memory_space<hbm>> -> memref<100x32xf32, #tpu.memory_space<hbm>>
      tpu.wait_dma2 semaphore(%arg18 : memref<!tpu.dma_semaphore, #tpu.memory_space<semaphore_mem>>) src(%dma_wait3A_113 : memref<100x32xf32, #tpu.memory_space<hbm>>) dst(%arg15 : memref<100x32xf32, #tpu.memory_space<vmem>>)
      %dma_wait3A_114 = arith.constant 0 : i32
      %dma_wait3A_115 = arith.constant 0 : i32
      %dma_wait3A_116 = arith.constant 0 : i32
      %dma_wait3A_117 = tpu.memref_slice %arg14[%dma_wait3A_115, %dma_wait3A_116] : memref<100x64xf32, #tpu.memory_space<vmem>> -> memref<50x64xf32, #tpu.memory_space<vmem>>
      %dma_wait3A_118 = arith.constant 0 : i32
      %dma_wait3A_119 = tpu.memref_slice %arg10[%dma_wait3A_114, %dma_wait3A_118] : memref<2x50xi32, #tpu.memory_space<vmem>> -> memref<1x50xi32, #tpu.memory_space<vmem>>
      %dma_wait3A_120 = tpu.memref_squeeze %dma_wait3A_119 : memref<1x50xi32, #tpu.memory_space<vmem>> -> memref<50xi32, #tpu.memory_space<vmem>>
      %dma_wait3A_121 = arith.constant 0 : i32
      %dma_wait3A_122 = arith.constant 0 : i32
      %dma_wait3A_123 = tpu.memref_slice %arg4[%dma_wait3A_121, %dma_wait3A_122] : memref<10000x64xf32, #tpu.memory_space<hbm>> -> memref<10000x64xf32, #tpu.memory_space<hbm>>
      tpu.wait_indirect_dma semaphore(%arg18 : memref<!tpu.dma_semaphore, #tpu.memory_space<semaphore_mem>>) src(%dma_wait3A_123 : memref<10000x64xf32, #tpu.memory_space<hbm>>) dst(%dma_wait3A_117 : memref<50x64xf32, #tpu.memory_space<vmem>>)
      %dma_wait3A_124 = arith.constant 1 : i32
      %dma_wait3A_125 = arith.constant 50 : i32
      %dma_wait3A_126 = arith.constant 0 : i32
      %dma_wait3A_127 = tpu.memref_slice %arg14[%dma_wait3A_125, %dma_wait3A_126] : memref<100x64xf32, #tpu.memory_space<vmem>> -> memref<50x64xf32, #tpu.memory_space<vmem>>
      %dma_wait3A_128 = arith.constant 0 : i32
      %dma_wait3A_129 = tpu.memref_slice %arg10[%dma_wait3A_124, %dma_wait3A_128] : memref<2x50xi32, #tpu.memory_space<vmem>> -> memref<1x50xi32, #tpu.memory_space<vmem>>
      %dma_wait3A_130 = tpu.memref_squeeze %dma_wait3A_129 : memref<1x50xi32, #tpu.memory_space<vmem>> -> memref<50xi32, #tpu.memory_space<vmem>>
      %dma_wait3A_131 = arith.constant 0 : i32
      %dma_wait3A_132 = arith.constant 0 : i32
      %dma_wait3A_133 = tpu.memref_slice %arg4[%dma_wait3A_131, %dma_wait3A_132] : memref<10000x64xf32, #tpu.memory_space<hbm>> -> memref<10000x64xf32, #tpu.memory_space<hbm>>
      tpu.wait_indirect_dma semaphore(%arg18 : memref<!tpu.dma_semaphore, #tpu.memory_space<semaphore_mem>>) src(%dma_wait3A_133 : memref<10000x64xf32, #tpu.memory_space<hbm>>) dst(%dma_wait3A_127 : memref<50x64xf32, #tpu.memory_space<vmem>>)
      %add3A_134 = arith.constant 1 : i32
      %add3A_135 = arith.addi %add3A_106, %add3A_134 : i32
      %lt3A_136 = arith.constant 200 : i32
      %lt3A_137 = arith.cmpi slt, %add3A_135, %lt3A_136 : i32
      %convert_element_type3A_138 = arith.extui %lt3A_137 : i1 to i32
      %cond3A_139 = arith.constant 0 : i32
      %cond3A_140 = arith.cmpi ne, %convert_element_type3A_138, %cond3A_139 : i32
      scf.if %cond3A_140 {
        %add3A_148 = arith.constant 1 : i32
        %add3A_149 = arith.addi %add3A_106, %add3A_148 : i32
        %mul3A_150 = arith.constant 2 : i32
        %mul3A_151 = arith.muli %add3A_149, %mul3A_150 : i32
        %add3A_152 = arith.addi %mul3A_10, %mul3A_151 : i32
        "tpu.region"() ({
          %run_scoped3A_185 = tpu.sem_alloc : memref<!tpu.dma_semaphore, #tpu.memory_space<semaphore_mem>>
          %dma_start3A_186 = arith.constant 0 : i32
          %dma_start3A_187 = tpu.memref_slice %arg2[%add3A_152, %dma_start3A_186] : memref<12800x50xi32, #tpu.memory_space<hbm>> -> memref<2x50xi32, #tpu.memory_space<hbm>>
          %dma_start3A_188 = arith.constant 0 : i32
          %dma_start3A_189 = tpu.memref_slice %arg2[%add3A_152, %dma_start3A_188] : memref<12800x50xi32, #tpu.memory_space<hbm>> -> memref<2x50xi32, #tpu.memory_space<hbm>>
          tpu.enqueue_dma source(%dma_start3A_189 : memref<2x50xi32, #tpu.memory_space<hbm>>) target(%arg8 : memref<2x50xi32, #tpu.memory_space<vmem>>) target_semaphore(%run_scoped3A_185 : memref<!tpu.dma_semaphore, #tpu.memory_space<semaphore_mem>>)
          %dma_wait3A_190 = arith.constant 0 : i32
          %dma_wait3A_191 = tpu.memref_slice %arg2[%add3A_152, %dma_wait3A_190] : memref<12800x50xi32, #tpu.memory_space<hbm>> -> memref<2x50xi32, #tpu.memory_space<hbm>>
          %dma_wait3A_192 = arith.constant 0 : i32
          %dma_wait3A_193 = tpu.memref_slice %arg2[%add3A_152, %dma_wait3A_192] : memref<12800x50xi32, #tpu.memory_space<hbm>> -> memref<2x50xi32, #tpu.memory_space<hbm>>
          tpu.wait_dma2 semaphore(%run_scoped3A_185 : memref<!tpu.dma_semaphore, #tpu.memory_space<semaphore_mem>>) src(%dma_wait3A_193 : memref<2x50xi32, #tpu.memory_space<hbm>>) dst(%arg8 : memref<2x50xi32, #tpu.memory_space<vmem>>)
          tpu.yield
        }) : () -> ()
        %mul3A_153 = arith.constant 2 : i32
        %mul3A_154 = arith.muli %add3A_149, %mul3A_153 : i32
        %add3A_155 = arith.addi %mul3A_10, %mul3A_154 : i32
        "tpu.region"() ({
          %run_scoped3A_185 = tpu.sem_alloc : memref<!tpu.dma_semaphore, #tpu.memory_space<semaphore_mem>>
          %dma_start3A_186 = arith.constant 0 : i32
          %dma_start3A_187 = tpu.memref_slice %arg3[%add3A_155, %dma_start3A_186] : memref<12800x50xi32, #tpu.memory_space<hbm>> -> memref<2x50xi32, #tpu.memory_space<hbm>>
          %dma_start3A_188 = arith.constant 0 : i32
          %dma_start3A_189 = tpu.memref_slice %arg3[%add3A_155, %dma_start3A_188] : memref<12800x50xi32, #tpu.memory_space<hbm>> -> memref<2x50xi32, #tpu.memory_space<hbm>>
          tpu.enqueue_dma source(%dma_start3A_189 : memref<2x50xi32, #tpu.memory_space<hbm>>) target(%arg9 : memref<2x50xi32, #tpu.memory_space<vmem>>) target_semaphore(%run_scoped3A_185 : memref<!tpu.dma_semaphore, #tpu.memory_space<semaphore_mem>>)
          %dma_wait3A_190 = arith.constant 0 : i32
          %dma_wait3A_191 = tpu.memref_slice %arg3[%add3A_155, %dma_wait3A_190] : memref<12800x50xi32, #tpu.memory_space<hbm>> -> memref<2x50xi32, #tpu.memory_space<hbm>>
          %dma_wait3A_192 = arith.constant 0 : i32
          %dma_wait3A_193 = tpu.memref_slice %arg3[%add3A_155, %dma_wait3A_192] : memref<12800x50xi32, #tpu.memory_space<hbm>> -> memref<2x50xi32, #tpu.memory_space<hbm>>
          tpu.wait_dma2 semaphore(%run_scoped3A_185 : memref<!tpu.dma_semaphore, #tpu.memory_space<semaphore_mem>>) src(%dma_wait3A_193 : memref<2x50xi32, #tpu.memory_space<hbm>>) dst(%arg9 : memref<2x50xi32, #tpu.memory_space<vmem>>)
          tpu.yield
        }) : () -> ()
        %add3A_156 = arith.constant 1 : i32
        %add3A_157 = arith.addi %add3A_106, %add3A_156 : i32
        %mul3A_158 = arith.constant 100 : i32
        %mul3A_159 = arith.muli %add3A_157, %mul3A_158 : i32
        %add3A_160 = arith.addi %mul3A_12, %mul3A_159 : i32
        %dma_start3A_161 = arith.constant 0 : i32
        %dma_start3A_162 = tpu.memref_slice %arg5[%add3A_160, %dma_start3A_161] : memref<640000x32xf32, #tpu.memory_space<hbm>> -> memref<100x32xf32, #tpu.memory_space<hbm>>
        %dma_start3A_163 = arith.constant 0 : i32
        %dma_start3A_164 = tpu.memref_slice %arg5[%add3A_160, %dma_start3A_163] : memref<640000x32xf32, #tpu.memory_space<hbm>> -> memref<100x32xf32, #tpu.memory_space<hbm>>
        tpu.enqueue_dma source(%dma_start3A_164 : memref<100x32xf32, #tpu.memory_space<hbm>>) target(%arg13 : memref<100x32xf32, #tpu.memory_space<vmem>>) target_semaphore(%arg18 : memref<!tpu.dma_semaphore, #tpu.memory_space<semaphore_mem>>)
        %dma_start3A_165 = arith.constant 0 : i32
        %dma_start3A_166 = arith.constant 0 : i32
        %dma_start3A_167 = arith.constant 0 : i32
        %dma_start3A_168 = tpu.memref_slice %arg12[%dma_start3A_166, %dma_start3A_167] : memref<100x64xf32, #tpu.memory_space<vmem>> -> memref<50x64xf32, #tpu.memory_space<vmem>>
        %dma_start3A_169 = arith.constant 0 : i32
        %dma_start3A_170 = tpu.memref_slice %arg8[%dma_start3A_165, %dma_start3A_169] : memref<2x50xi32, #tpu.memory_space<vmem>> -> memref<1x50xi32, #tpu.memory_space<vmem>>
        %dma_start3A_171 = tpu.memref_squeeze %dma_start3A_170 : memref<1x50xi32, #tpu.memory_space<vmem>> -> memref<50xi32, #tpu.memory_space<vmem>>
        %dma_start3A_172 = arith.constant 0 : i32
        %dma_start3A_173 = arith.constant 0 : i32
        %dma_start3A_174 = tpu.memref_slice %arg4[%dma_start3A_172, %dma_start3A_173] : memref<10000x64xf32, #tpu.memory_space<hbm>> -> memref<10000x64xf32, #tpu.memory_space<hbm>>
        tpu.enqueue_indirect_dma source(%dma_start3A_174 : memref<10000x64xf32, #tpu.memory_space<hbm>>) target(%dma_start3A_168 : memref<50x64xf32, #tpu.memory_space<vmem>>) offsets(%dma_start3A_171 : memref<50xi32, #tpu.memory_space<vmem>>) semaphore(%arg18 : memref<!tpu.dma_semaphore, #tpu.memory_space<semaphore_mem>>)
        %dma_start3A_175 = arith.constant 1 : i32
        %dma_start3A_176 = arith.constant 50 : i32
        %dma_start3A_177 = arith.constant 0 : i32
        %dma_start3A_178 = tpu.memref_slice %arg12[%dma_start3A_176, %dma_start3A_177] : memref<100x64xf32, #tpu.memory_space<vmem>> -> memref<50x64xf32, #tpu.memory_space<vmem>>
        %dma_start3A_179 = arith.constant 0 : i32
        %dma_start3A_180 = tpu.memref_slice %arg8[%dma_start3A_175, %dma_start3A_179] : memref<2x50xi32, #tpu.memory_space<vmem>> -> memref<1x50xi32, #tpu.memory_space<vmem>>
        %dma_start3A_181 = tpu.memref_squeeze %dma_start3A_180 : memref<1x50xi32, #tpu.memory_space<vmem>> -> memref<50xi32, #tpu.memory_space<vmem>>
        %dma_start3A_182 = arith.constant 0 : i32
        %dma_start3A_183 = arith.constant 0 : i32
        %dma_start3A_184 = tpu.memref_slice %arg4[%dma_start3A_182, %dma_start3A_183] : memref<10000x64xf32, #tpu.memory_space<hbm>> -> memref<10000x64xf32, #tpu.memory_space<hbm>>
        tpu.enqueue_indirect_dma source(%dma_start3A_184 : memref<10000x64xf32, #tpu.memory_space<hbm>>) target(%dma_start3A_178 : memref<50x64xf32, #tpu.memory_space<vmem>>) offsets(%dma_start3A_181 : memref<50xi32, #tpu.memory_space<vmem>>) semaphore(%arg18 : memref<!tpu.dma_semaphore, #tpu.memory_space<semaphore_mem>>)
      } else {
      }
      %scan3A_141 = arith.constant 0 : i32
      %scan3A_142 = arith.constant 100 : i32
      %scan3A_143 = arith.addi %scan3A_141, %scan3A_142 : i32
      %scan3A_144 = arith.constant 1 : i32
      scf.for %scan3A_148 = %scan3A_141 to %scan3A_143 step %scan3A_144  : i32 {
        %mul3A_149 = arith.constant 1 : i32
        %mul3A_150 = arith.muli %scan3A_148, %mul3A_149 : i32
        %add3A_151 = arith.constant 0 : i32
        %add3A_152 = arith.addi %add3A_151, %mul3A_150 : i32
        %get3A = arith.index_cast %add3A_152 : i32 to index
        %get3A_153 = arith.constant 0 : index
        %get3A_154 = tpu.vector_load %arg15[%get3A, %get3A_153] {strides = array<i32>} : memref<100x32xf32, #tpu.memory_space<vmem>>, vector<16xf32>,
        %get3A_155 = arith.index_cast %add3A_152 : i32 to index
        %get3A_156 = arith.constant 16 : index
        %get3A_157 = tpu.vector_load %arg15[%get3A_155, %get3A_156] {strides = array<i32>} : memref<100x32xf32, #tpu.memory_space<vmem>>, vector<16xf32>,
        %get3A_158 = arith.index_cast %add3A_152 : i32 to index
        %get3A_159 = arith.constant 0 : index
        %get3A_160 = tpu.vector_load %arg14[%get3A_158, %get3A_159] {strides = array<i32>} : memref<100x64xf32, #tpu.memory_space<vmem>>, vector<16xf32>,
        %add3A_161 = arith.addf %get3A_160, %get3A_154 : vector<16xf32>
        %get3A_162 = arith.index_cast %add3A_152 : i32 to index
        %get3A_163 = arith.constant 16 : index
        %get3A_164 = tpu.vector_load %arg14[%get3A_162, %get3A_163] {strides = array<i32>} : memref<100x64xf32, #tpu.memory_space<vmem>>, vector<16xf32>,
        %add3A_165 = arith.addf %get3A_164, %get3A_157 : vector<16xf32>
        %get3A_166 = arith.index_cast %add3A_152 : i32 to index
        %get3A_167 = arith.constant 32 : index
        %get3A_168 = tpu.vector_load %arg14[%get3A_166, %get3A_167] {strides = array<i32>} : memref<100x64xf32, #tpu.memory_space<vmem>>, vector<16xf32>,
        %add3A_169 = arith.addf %get3A_168, %get3A_154 : vector<16xf32>
        %get3A_170 = arith.index_cast %add3A_152 : i32 to index
        %get3A_171 = arith.constant 48 : index
        %get3A_172 = tpu.vector_load %arg14[%get3A_170, %get3A_171] {strides = array<i32>} : memref<100x64xf32, #tpu.memory_space<vmem>>, vector<16xf32>,
        %add3A_173 = arith.addf %get3A_172, %get3A_157 : vector<16xf32>
        %exp3A = math.exp %add3A_161 : vector<16xf32>
        %exp3A_174 = math.exp %add3A_165 : vector<16xf32>
        %exp3A_175 = math.exp %add3A_169 : vector<16xf32>
        %exp3A_176 = math.exp %add3A_173 : vector<16xf32>
        %swap3A = arith.index_cast %add3A_152 : i32 to index
        %swap3A_177 = arith.constant 0 : index
        %swap3A_178 = tpu.vector_load %arg16[%swap3A, %swap3A_177] {strides = array<i32>} : memref<100x128xf32, #tpu.memory_space<vmem>>, vector<16xf32>,
        tpu.vector_store %arg16[%swap3A, %swap3A_177], %exp3A {strides = array<i32>} : memref<100x128xf32, #tpu.memory_space<vmem>>, vector<16xf32>,
        %swap3A_179 = arith.index_cast %add3A_152 : i32 to index
        %swap3A_180 = arith.constant 16 : index
        %swap3A_181 = tpu.vector_load %arg16[%swap3A_179, %swap3A_180] {strides = array<i32>} : memref<100x128xf32, #tpu.memory_space<vmem>>, vector<16xf32>,
        tpu.vector_store %arg16[%swap3A_179, %swap3A_180], %exp3A_174 {strides = array<i32>} : memref<100x128xf32, #tpu.memory_space<vmem>>, vector<16xf32>,
        %swap3A_182 = arith.index_cast %add3A_152 : i32 to index
        %swap3A_183 = arith.constant 32 : index
        %swap3A_184 = tpu.vector_load %arg16[%swap3A_182, %swap3A_183] {strides = array<i32>} : memref<100x128xf32, #tpu.memory_space<vmem>>, vector<16xf32>,
        tpu.vector_store %arg16[%swap3A_182, %swap3A_183], %exp3A_175 {strides = array<i32>} : memref<100x128xf32, #tpu.memory_space<vmem>>, vector<16xf32>,
        %swap3A_185 = arith.index_cast %add3A_152 : i32 to index
        %swap3A_186 = arith.constant 48 : index
        %swap3A_187 = tpu.vector_load %arg16[%swap3A_185, %swap3A_186] {strides = array<i32>} : memref<100x128xf32, #tpu.memory_space<vmem>>, vector<16xf32>,
        tpu.vector_store %arg16[%swap3A_185, %swap3A_186], %exp3A_176 {strides = array<i32>} : memref<100x128xf32, #tpu.memory_space<vmem>>, vector<16xf32>,
        %mul3A_188 = arith.mulf %add3A_161, %exp3A : vector<16xf32>
        %swap3A_189 = arith.index_cast %add3A_152 : i32 to index
        %swap3A_190 = arith.constant 64 : index
        %swap3A_191 = tpu.vector_load %arg16[%swap3A_189, %swap3A_190] {strides = array<i32>} : memref<100x128xf32, #tpu.memory_space<vmem>>, vector<16xf32>,
        tpu.vector_store %arg16[%swap3A_189, %swap3A_190], %mul3A_188 {strides = array<i32>} : memref<100x128xf32, #tpu.memory_space<vmem>>, vector<16xf32>,
        %mul3A_192 = arith.mulf %add3A_165, %exp3A_174 : vector<16xf32>
        %swap3A_193 = arith.index_cast %add3A_152 : i32 to index
        %swap3A_194 = arith.constant 80 : index
        %swap3A_195 = tpu.vector_load %arg16[%swap3A_193, %swap3A_194] {strides = array<i32>} : memref<100x128xf32, #tpu.memory_space<vmem>>, vector<16xf32>,
        tpu.vector_store %arg16[%swap3A_193, %swap3A_194], %mul3A_192 {strides = array<i32>} : memref<100x128xf32, #tpu.memory_space<vmem>>, vector<16xf32>,
        %mul3A_196 = arith.mulf %add3A_169, %exp3A_175 : vector<16xf32>
        %swap3A_197 = arith.index_cast %add3A_152 : i32 to index
        %swap3A_198 = arith.constant 96 : index
        %swap3A_199 = tpu.vector_load %arg16[%swap3A_197, %swap3A_198] {strides = array<i32>} : memref<100x128xf32, #tpu.memory_space<vmem>>, vector<16xf32>,
        tpu.vector_store %arg16[%swap3A_197, %swap3A_198], %mul3A_196 {strides = array<i32>} : memref<100x128xf32, #tpu.memory_space<vmem>>, vector<16xf32>,
        %mul3A_200 = arith.mulf %add3A_173, %exp3A_176 : vector<16xf32>
        %swap3A_201 = arith.index_cast %add3A_152 : i32 to index
        %swap3A_202 = arith.constant 112 : index
        %swap3A_203 = tpu.vector_load %arg16[%swap3A_201, %swap3A_202] {strides = array<i32>} : memref<100x128xf32, #tpu.memory_space<vmem>>, vector<16xf32>,
        tpu.vector_store %arg16[%swap3A_201, %swap3A_202], %mul3A_200 {strides = array<i32>} : memref<100x128xf32, #tpu.memory_space<vmem>>, vector<16xf32>,
      }
      %scan3A_145 = arith.constant 100 : i32
      %run_scoped3A_146 = arith.constant 0 : i32
      "tpu.region"() ({
        %run_scoped3A_148 = tpu.sem_alloc : memref<!tpu.dma_semaphore, #tpu.memory_space<semaphore_mem>>
        %dma_start3A_149 = arith.constant 0 : i32
        %dma_start3A_150 = arith.constant 0 : i32
        %dma_start3A_151 = tpu.memref_slice %arg16[%dma_start3A_149, %dma_start3A_150] : memref<100x128xf32, #tpu.memory_space<vmem>> -> memref<50x128xf32, #tpu.memory_space<vmem>>
        %dma_start3A_152 = arith.constant 0 : i32
        %dma_start3A_153 = tpu.memref_slice %arg11[%run_scoped3A_146, %dma_start3A_152] : memref<2x50xi32, #tpu.memory_space<vmem>> -> memref<1x50xi32, #tpu.memory_space<vmem>>
        %dma_start3A_154 = tpu.memref_squeeze %dma_start3A_153 : memref<1x50xi32, #tpu.memory_space<vmem>> -> memref<50xi32, #tpu.memory_space<vmem>>
        %dma_start3A_155 = arith.constant 0 : i32
        %dma_start3A_156 = arith.constant 0 : i32
        %dma_start3A_157 = tpu.memref_slice %arg17[%dma_start3A_155, %dma_start3A_156] : memref<10000x128xf32, #tpu.memory_space<vmem_shared>> -> memref<10000x128xf32, #tpu.memory_space<vmem_shared>>
        tpu.enqueue_indirect_dma source(%dma_start3A_151 : memref<50x128xf32, #tpu.memory_space<vmem>>) target(%dma_start3A_157 : memref<10000x128xf32, #tpu.memory_space<vmem_shared>>) offsets(%dma_start3A_154 : memref<50xi32, #tpu.memory_space<vmem>>) semaphore(%run_scoped3A_148 : memref<!tpu.dma_semaphore, #tpu.memory_space<semaphore_mem>>) {add = true}
        %dma_wait3A_158 = arith.constant 0 : i32
        %dma_wait3A_159 = arith.constant 0 : i32
        %dma_wait3A_160 = tpu.memref_slice %arg16[%dma_wait3A_158, %dma_wait3A_159] : memref<100x128xf32, #tpu.memory_space<vmem>> -> memref<50x128xf32, #tpu.memory_space<vmem>>
        %dma_wait3A_161 = arith.constant 0 : i32
        %dma_wait3A_162 = tpu.memref_slice %arg11[%run_scoped3A_146, %dma_wait3A_161] : memref<2x50xi32, #tpu.memory_space<vmem>> -> memref<1x50xi32, #tpu.memory_space<vmem>>
        %dma_wait3A_163 = tpu.memref_squeeze %dma_wait3A_162 : memref<1x50xi32, #tpu.memory_space<vmem>> -> memref<50xi32, #tpu.memory_space<vmem>>
        %dma_wait3A_164 = arith.constant 0 : i32
        %dma_wait3A_165 = arith.constant 0 : i32
        %dma_wait3A_166 = tpu.memref_slice %arg17[%dma_wait3A_164, %dma_wait3A_165] : memref<10000x128xf32, #tpu.memory_space<vmem_shared>> -> memref<10000x128xf32, #tpu.memory_space<vmem_shared>>
        tpu.wait_indirect_dma semaphore(%run_scoped3A_148 : memref<!tpu.dma_semaphore, #tpu.memory_space<semaphore_mem>>) src(%dma_wait3A_160 : memref<50x128xf32, #tpu.memory_space<vmem>>) dst(%dma_wait3A_166 : memref<10000x128xf32, #tpu.memory_space<vmem_shared>>)
        tpu.yield
      }) : () -> ()
      %run_scoped3A_147 = arith.constant 1 : i32
      "tpu.region"() ({
        %run_scoped3A_148 = tpu.sem_alloc : memref<!tpu.dma_semaphore, #tpu.memory_space<semaphore_mem>>
        %dma_start3A_149 = arith.constant 50 : i32
        %dma_start3A_150 = arith.constant 0 : i32
        %dma_start3A_151 = tpu.memref_slice %arg16[%dma_start3A_149, %dma_start3A_150] : memref<100x128xf32, #tpu.memory_space<vmem>> -> memref<50x128xf32, #tpu.memory_space<vmem>>
        %dma_start3A_152 = arith.constant 0 : i32
        %dma_start3A_153 = tpu.memref_slice %arg11[%run_scoped3A_147, %dma_start3A_152] : memref<2x50xi32, #tpu.memory_space<vmem>> -> memref<1x50xi32, #tpu.memory_space<vmem>>
        %dma_start3A_154 = tpu.memref_squeeze %dma_start3A_153 : memref<1x50xi32, #tpu.memory_space<vmem>> -> memref<50xi32, #tpu.memory_space<vmem>>
        %dma_start3A_155 = arith.constant 0 : i32
        %dma_start3A_156 = arith.constant 0 : i32
        %dma_start3A_157 = tpu.memref_slice %arg17[%dma_start3A_155, %dma_start3A_156] : memref<10000x128xf32, #tpu.memory_space<vmem_shared>> -> memref<10000x128xf32, #tpu.memory_space<vmem_shared>>
        tpu.enqueue_indirect_dma source(%dma_start3A_151 : memref<50x128xf32, #tpu.memory_space<vmem>>) target(%dma_start3A_157 : memref<10000x128xf32, #tpu.memory_space<vmem_shared>>) offsets(%dma_start3A_154 : memref<50xi32, #tpu.memory_space<vmem>>) semaphore(%run_scoped3A_148 : memref<!tpu.dma_semaphore, #tpu.memory_space<semaphore_mem>>) {add = true}
        %dma_wait3A_158 = arith.constant 50 : i32
        %dma_wait3A_159 = arith.constant 0 : i32
        %dma_wait3A_160 = tpu.memref_slice %arg16[%dma_wait3A_158, %dma_wait3A_159] : memref<100x128xf32, #tpu.memory_space<vmem>> -> memref<50x128xf32, #tpu.memory_space<vmem>>
        %dma_wait3A_161 = arith.constant 0 : i32
        %dma_wait3A_162 = tpu.memref_slice %arg11[%run_scoped3A_147, %dma_wait3A_161] : memref<2x50xi32, #tpu.memory_space<vmem>> -> memref<1x50xi32, #tpu.memory_space<vmem>>
        %dma_wait3A_163 = tpu.memref_squeeze %dma_wait3A_162 : memref<1x50xi32, #tpu.memory_space<vmem>> -> memref<50xi32, #tpu.memory_space<vmem>>
        %dma_wait3A_164 = arith.constant 0 : i32
        %dma_wait3A_165 = arith.constant 0 : i32
        %dma_wait3A_166 = tpu.memref_slice %arg17[%dma_wait3A_164, %dma_wait3A_165] : memref<10000x128xf32, #tpu.memory_space<vmem_shared>> -> memref<10000x128xf32, #tpu.memory_space<vmem_shared>>
        tpu.wait_indirect_dma semaphore(%run_scoped3A_148 : memref<!tpu.dma_semaphore, #tpu.memory_space<semaphore_mem>>) src(%dma_wait3A_160 : memref<50x128xf32, #tpu.memory_space<vmem>>) dst(%dma_wait3A_166 : memref<10000x128xf32, #tpu.memory_space<vmem_shared>>)
        tpu.yield
      }) : () -> ()
    }
    %scan3A_45 = arith.constant 100 : i32
    %barrier3A_46 = arith.constant 0 : index
    tpu.barrier barrier_id(%barrier3A_46)
    %mul3A_47 = arith.constant 632 : i32
    %mul3A_48 = arith.muli %arg1, %mul3A_47 : i32
    %lt3A_49 = arith.constant 15 : i32
    %lt3A_50 = arith.cmpi slt, %arg1, %lt3A_49 : i32
    %convert_element_type3A_51 = arith.extui %lt3A_50 : i1 to i32
    %cond3A_52 = arith.constant 0 : i32
    %cond3A_53 = arith.cmpi ne, %convert_element_type3A_51, %cond3A_52 : i32
    scf.if %cond3A_53 {
      %mul3A_59 = arith.constant 10000 : i32
      %mul3A_60 = arith.muli %arg0, %mul3A_59 : i32
      %add3A_61 = arith.addi %mul3A_60, %mul3A_48 : i32
      "tpu.region"() ({
        %run_scoped3A = tpu.sem_alloc : memref<!tpu.dma_semaphore, #tpu.memory_space<semaphore_mem>>
        %dma_start3A_62 = arith.constant 0 : i32
        %dma_start3A_63 = tpu.memref_slice %arg7[%add3A_61, %dma_start3A_62] : memref<20000x128xf32, #tpu.memory_space<hbm>> -> memref<632x128xf32, #tpu.memory_space<hbm>>
        %dma_start3A_64 = arith.constant 0 : i32
        %dma_start3A_65 = tpu.memref_slice %arg17[%mul3A_48, %dma_start3A_64] : memref<10000x128xf32, #tpu.memory_space<vmem_shared>> -> memref<632x128xf32, #tpu.memory_space<vmem_shared>>
        tpu.enqueue_dma source(%dma_start3A_65 : memref<632x128xf32, #tpu.memory_space<vmem_shared>>) target(%dma_start3A_63 : memref<632x128xf32, #tpu.memory_space<hbm>>) target_semaphore(%run_scoped3A : memref<!tpu.dma_semaphore, #tpu.memory_space<semaphore_mem>>)
        %dma_wait3A = arith.constant 0 : i32
        %dma_wait3A_66 = tpu.memref_slice %arg7[%add3A_61, %dma_wait3A] : memref<20000x128xf32, #tpu.memory_space<hbm>> -> memref<632x128xf32, #tpu.memory_space<hbm>>
        %dma_wait3A_67 = arith.constant 0 : i32
        %dma_wait3A_68 = tpu.memref_slice %arg17[%mul3A_48, %dma_wait3A_67] : memref<10000x128xf32, #tpu.memory_space<vmem_shared>> -> memref<632x128xf32, #tpu.memory_space<vmem_shared>>
        tpu.wait_dma2 semaphore(%run_scoped3A : memref<!tpu.dma_semaphore, #tpu.memory_space<semaphore_mem>>) src(%dma_wait3A_68 : memref<632x128xf32, #tpu.memory_space<vmem_shared>>) dst(%dma_wait3A_66 : memref<632x128xf32, #tpu.memory_space<hbm>>)
        tpu.yield
      }) : () -> ()
    } else {
    }
    %eq3A_54 = arith.constant 15 : i32
    %eq3A_55 = arith.cmpi eq, %arg1, %eq3A_54 : i32
    %convert_element_type3A_56 = arith.extui %eq3A_55 : i1 to i32
    %cond3A_57 = arith.constant 0 : i32
    %cond3A_58 = arith.cmpi ne, %convert_element_type3A_56, %cond3A_57 : i32
    scf.if %cond3A_58 {
      %mul3A_59 = arith.constant 10000 : i32
      %mul3A_60 = arith.muli %arg0, %mul3A_59 : i32
      %add3A_61 = arith.constant 9480 : i32
      %add3A_62 = arith.addi %mul3A_60, %add3A_61 : i32
      "tpu.region"() ({
        %run_scoped3A = tpu.sem_alloc : memref<!tpu.dma_semaphore, #tpu.memory_space<semaphore_mem>>
        %dma_start3A_63 = arith.constant 0 : i32
        %dma_start3A_64 = tpu.memref_slice %arg7[%add3A_62, %dma_start3A_63] : memref<20000x128xf32, #tpu.memory_space<hbm>> -> memref<520x128xf32, #tpu.memory_space<hbm>>
        %dma_start3A_65 = arith.constant 9480 : i32
        %dma_start3A_66 = arith.constant 0 : i32
        %dma_start3A_67 = tpu.memref_slice %arg17[%dma_start3A_65, %dma_start3A_66] : memref<10000x128xf32, #tpu.memory_space<vmem_shared>> -> memref<520x128xf32, #tpu.memory_space<vmem_shared>>
        tpu.enqueue_dma source(%dma_start3A_67 : memref<520x128xf32, #tpu.memory_space<vmem_shared>>) target(%dma_start3A_64 : memref<520x128xf32, #tpu.memory_space<hbm>>) target_semaphore(%run_scoped3A : memref<!tpu.dma_semaphore, #tpu.memory_space<semaphore_mem>>)
        %dma_wait3A = arith.constant 0 : i32
        %dma_wait3A_68 = tpu.memref_slice %arg7[%add3A_62, %dma_wait3A] : memref<20000x128xf32, #tpu.memory_space<hbm>> -> memref<520x128xf32, #tpu.memory_space<hbm>>
        %dma_wait3A_69 = arith.constant 9480 : i32
        %dma_wait3A_70 = arith.constant 0 : i32
        %dma_wait3A_71 = tpu.memref_slice %arg17[%dma_wait3A_69, %dma_wait3A_70] : memref<10000x128xf32, #tpu.memory_space<vmem_shared>> -> memref<520x128xf32, #tpu.memory_space<vmem_shared>>
        tpu.wait_dma2 semaphore(%run_scoped3A : memref<!tpu.dma_semaphore, #tpu.memory_space<semaphore_mem>>) src(%dma_wait3A_71 : memref<520x128xf32, #tpu.memory_space<vmem_shared>>) dst(%dma_wait3A_68 : memref<520x128xf32, #tpu.memory_space<hbm>>)
        tpu.yield
      }) : () -> ()
    } else {
    }
    return
  }
}

#map = affine_map<(d0, d1) -> (0, 0)>
#map1 = affine_map<(d0, d1) -> (0)>
module attributes {stable_mosaic.version = 14 : i64} {
  func.func @_sc_pass1_body(%arg0: i32, %arg1: i32, %arg2: memref<12800x50xi32, #tpu.memory_space<hbm>>, %arg3: memref<12800x50xi32, #tpu.memory_space<hbm>>, %arg4: memref<10000x64xf32, #tpu.memory_space<hbm>>, %arg5: memref<64xf32, #tpu.memory_space<hbm>>, %arg6: memref<10000x80xf32, #tpu.memory_space<hbm>>, %arg7: memref<20000x80xf32, #tpu.memory_space<hbm>>, %arg8: memref<4x50xi32, #tpu.memory_space<vmem>>, %arg9: memref<4x50xi32, #tpu.memory_space<vmem>>, %arg10: memref<4x50xi32, #tpu.memory_space<vmem>>, %arg11: memref<4x50xi32, #tpu.memory_space<vmem>>, %arg12: memref<200x64xf32, #tpu.memory_space<vmem>>, %arg13: memref<200x64xf32, #tpu.memory_space<vmem>>, %arg14: memref<200x64xf32, #tpu.memory_space<vmem>>, %arg15: memref<200x64xf32, #tpu.memory_space<vmem>>, %arg16: memref<200x80xf32, #tpu.memory_space<vmem>>, %arg17: memref<64xf32, #tpu.memory_space<vmem>>, %arg18: memref<10000x80xf32, #tpu.memory_space<vmem_shared>>, %arg19: memref<!tpu.dma_semaphore, #tpu.memory_space<semaphore_mem>>) attributes {dimension_semantics = [#tpu.dimension_semantics<core_parallel>, #tpu.dimension_semantics<subcore_parallel>], iteration_bounds = array<i64: 2, 16>, scalar_prefetch = 0 : i64, scratch_operands = 12 : i64, tpu.core_type = #tpu.core_type<sc_vector_subcore>, window_params = [{transform_indices = #map}, {transform_indices = #map}, {transform_indices = #map}, {transform_indices = #map1}, {transform_indices = #map}, {transform_indices = #map}]} {
    %mul3A = arith.constant 16 : i32
    %mul3A_0 = arith.muli %arg0, %mul3A : i32
    %add3A = arith.addi %mul3A_0, %arg1 : i32
    "tpu.region"() ({
      %run_scoped3A = tpu.sem_alloc : memref<!tpu.dma_semaphore, #tpu.memory_space<semaphore_mem>>
      tpu.enqueue_dma source(%arg5 : memref<64xf32, #tpu.memory_space<hbm>>) target(%arg17 : memref<64xf32, #tpu.memory_space<vmem>>) target_semaphore(%run_scoped3A : memref<!tpu.dma_semaphore, #tpu.memory_space<semaphore_mem>>)
      tpu.wait_dma2 semaphore(%run_scoped3A : memref<!tpu.dma_semaphore, #tpu.memory_space<semaphore_mem>>) src(%arg5 : memref<64xf32, #tpu.memory_space<hbm>>) dst(%arg17 : memref<64xf32, #tpu.memory_space<vmem>>)
      tpu.yield
    }) : () -> ()
    %mul3A_1 = arith.constant 632 : i32
    %mul3A_2 = arith.muli %arg1, %mul3A_1 : i32
    %lt3A = arith.constant 15 : i32
    %lt3A_3 = arith.cmpi slt, %arg1, %lt3A : i32
    %convert_element_type3A = arith.extui %lt3A_3 : i1 to i32
    %cond3A = arith.constant 0 : i32
    %cond3A_4 = arith.cmpi ne, %convert_element_type3A, %cond3A : i32
    scf.if %cond3A_4 {
      "tpu.region"() ({
        %run_scoped3A = tpu.sem_alloc : memref<!tpu.dma_semaphore, #tpu.memory_space<semaphore_mem>>
        %dma_start3A_118 = arith.constant 0 : i32
        %dma_start3A_119 = tpu.memref_slice %arg18[%mul3A_2, %dma_start3A_118] : memref<10000x80xf32, #tpu.memory_space<vmem_shared>> -> memref<632x80xf32, #tpu.memory_space<vmem_shared>>
        %dma_start3A_120 = arith.constant 0 : i32
        %dma_start3A_121 = tpu.memref_slice %arg6[%mul3A_2, %dma_start3A_120] : memref<10000x80xf32, #tpu.memory_space<hbm>> -> memref<632x80xf32, #tpu.memory_space<hbm>>
        tpu.enqueue_dma source(%dma_start3A_121 : memref<632x80xf32, #tpu.memory_space<hbm>>) target(%dma_start3A_119 : memref<632x80xf32, #tpu.memory_space<vmem_shared>>) target_semaphore(%run_scoped3A : memref<!tpu.dma_semaphore, #tpu.memory_space<semaphore_mem>>)
        %dma_wait3A = arith.constant 0 : i32
        %dma_wait3A_122 = tpu.memref_slice %arg18[%mul3A_2, %dma_wait3A] : memref<10000x80xf32, #tpu.memory_space<vmem_shared>> -> memref<632x80xf32, #tpu.memory_space<vmem_shared>>
        %dma_wait3A_123 = arith.constant 0 : i32
        %dma_wait3A_124 = tpu.memref_slice %arg6[%mul3A_2, %dma_wait3A_123] : memref<10000x80xf32, #tpu.memory_space<hbm>> -> memref<632x80xf32, #tpu.memory_space<hbm>>
        tpu.wait_dma2 semaphore(%run_scoped3A : memref<!tpu.dma_semaphore, #tpu.memory_space<semaphore_mem>>) src(%dma_wait3A_124 : memref<632x80xf32, #tpu.memory_space<hbm>>) dst(%dma_wait3A_122 : memref<632x80xf32, #tpu.memory_space<vmem_shared>>)
        tpu.yield
      }) : () -> ()
    } else {
    }
    %eq3A = arith.constant 15 : i32
    %eq3A_5 = arith.cmpi eq, %arg1, %eq3A : i32
    %convert_element_type3A_6 = arith.extui %eq3A_5 : i1 to i32
    %cond3A_7 = arith.constant 0 : i32
    %cond3A_8 = arith.cmpi ne, %convert_element_type3A_6, %cond3A_7 : i32
    scf.if %cond3A_8 {
      "tpu.region"() ({
        %run_scoped3A = tpu.sem_alloc : memref<!tpu.dma_semaphore, #tpu.memory_space<semaphore_mem>>
        %dma_start3A_118 = arith.constant 9480 : i32
        %dma_start3A_119 = arith.constant 0 : i32
        %dma_start3A_120 = tpu.memref_slice %arg18[%dma_start3A_118, %dma_start3A_119] : memref<10000x80xf32, #tpu.memory_space<vmem_shared>> -> memref<520x80xf32, #tpu.memory_space<vmem_shared>>
        %dma_start3A_121 = arith.constant 9480 : i32
        %dma_start3A_122 = arith.constant 0 : i32
        %dma_start3A_123 = tpu.memref_slice %arg6[%dma_start3A_121, %dma_start3A_122] : memref<10000x80xf32, #tpu.memory_space<hbm>> -> memref<520x80xf32, #tpu.memory_space<hbm>>
        tpu.enqueue_dma source(%dma_start3A_123 : memref<520x80xf32, #tpu.memory_space<hbm>>) target(%dma_start3A_120 : memref<520x80xf32, #tpu.memory_space<vmem_shared>>) target_semaphore(%run_scoped3A : memref<!tpu.dma_semaphore, #tpu.memory_space<semaphore_mem>>)
        %dma_wait3A = arith.constant 9480 : i32
        %dma_wait3A_124 = arith.constant 0 : i32
        %dma_wait3A_125 = tpu.memref_slice %arg18[%dma_wait3A, %dma_wait3A_124] : memref<10000x80xf32, #tpu.memory_space<vmem_shared>> -> memref<520x80xf32, #tpu.memory_space<vmem_shared>>
        %dma_wait3A_126 = arith.constant 9480 : i32
        %dma_wait3A_127 = arith.constant 0 : i32
        %dma_wait3A_128 = tpu.memref_slice %arg6[%dma_wait3A_126, %dma_wait3A_127] : memref<10000x80xf32, #tpu.memory_space<hbm>> -> memref<520x80xf32, #tpu.memory_space<hbm>>
        tpu.wait_dma2 semaphore(%run_scoped3A : memref<!tpu.dma_semaphore, #tpu.memory_space<semaphore_mem>>) src(%dma_wait3A_128 : memref<520x80xf32, #tpu.memory_space<hbm>>) dst(%dma_wait3A_125 : memref<520x80xf32, #tpu.memory_space<vmem_shared>>)
        tpu.yield
      }) : () -> ()
    } else {
    }
    %barrier3A = arith.constant 0 : index
    tpu.barrier barrier_id(%barrier3A)
    %get3A = arith.constant 0 : index
    %get3A_9 = tpu.vector_load %arg17[%get3A] {strides = array<i32>} : memref<64xf32, #tpu.memory_space<vmem>>, vector<16xf32>,
    %get3A_10 = arith.constant 16 : index
    %get3A_11 = tpu.vector_load %arg17[%get3A_10] {strides = array<i32>} : memref<64xf32, #tpu.memory_space<vmem>>, vector<16xf32>,
    %get3A_12 = arith.constant 32 : index
    %get3A_13 = tpu.vector_load %arg17[%get3A_12] {strides = array<i32>} : memref<64xf32, #tpu.memory_space<vmem>>, vector<16xf32>,
    %get3A_14 = arith.constant 48 : index
    %get3A_15 = tpu.vector_load %arg17[%get3A_14] {strides = array<i32>} : memref<64xf32, #tpu.memory_space<vmem>>, vector<16xf32>,
    %iota3A = tpu.iota {dimensions = array<i32: 0>} : vector<16xi32>
    %mul3A_16 = arith.constant 400 : i32
    %mul3A_17 = arith.muli %add3A, %mul3A_16 : i32
    %add3A_18 = arith.constant 0 : i32
    %add3A_19 = arith.addi %mul3A_17, %add3A_18 : i32
    "tpu.region"() ({
      %run_scoped3A = tpu.sem_alloc : memref<!tpu.dma_semaphore, #tpu.memory_space<semaphore_mem>>
      %dma_start3A_118 = arith.constant 0 : i32
      %dma_start3A_119 = tpu.memref_slice %arg2[%add3A_19, %dma_start3A_118] : memref<12800x50xi32, #tpu.memory_space<hbm>> -> memref<4x50xi32, #tpu.memory_space<hbm>>
      %dma_start3A_120 = arith.constant 0 : i32
      %dma_start3A_121 = tpu.memref_slice %arg2[%add3A_19, %dma_start3A_120] : memref<12800x50xi32, #tpu.memory_space<hbm>> -> memref<4x50xi32, #tpu.memory_space<hbm>>
      tpu.enqueue_dma source(%dma_start3A_121 : memref<4x50xi32, #tpu.memory_space<hbm>>) target(%arg8 : memref<4x50xi32, #tpu.memory_space<vmem>>) target_semaphore(%run_scoped3A : memref<!tpu.dma_semaphore, #tpu.memory_space<semaphore_mem>>)
      %dma_wait3A = arith.constant 0 : i32
      %dma_wait3A_122 = tpu.memref_slice %arg2[%add3A_19, %dma_wait3A] : memref<12800x50xi32, #tpu.memory_space<hbm>> -> memref<4x50xi32, #tpu.memory_space<hbm>>
      %dma_wait3A_123 = arith.constant 0 : i32
      %dma_wait3A_124 = tpu.memref_slice %arg2[%add3A_19, %dma_wait3A_123] : memref<12800x50xi32, #tpu.memory_space<hbm>> -> memref<4x50xi32, #tpu.memory_space<hbm>>
      tpu.wait_dma2 semaphore(%run_scoped3A : memref<!tpu.dma_semaphore, #tpu.memory_space<semaphore_mem>>) src(%dma_wait3A_124 : memref<4x50xi32, #tpu.memory_space<hbm>>) dst(%arg8 : memref<4x50xi32, #tpu.memory_space<vmem>>)
      tpu.yield
    }) : () -> ()
    %add3A_20 = arith.constant 0 : i32
    %add3A_21 = arith.addi %mul3A_17, %add3A_20 : i32
    "tpu.region"() ({
      %run_scoped3A = tpu.sem_alloc : memref<!tpu.dma_semaphore, #tpu.memory_space<semaphore_mem>>
      %dma_start3A_118 = arith.constant 0 : i32
      %dma_start3A_119 = tpu.memref_slice %arg3[%add3A_21, %dma_start3A_118] : memref<12800x50xi32, #tpu.memory_space<hbm>> -> memref<4x50xi32, #tpu.memory_space<hbm>>
      %dma_start3A_120 = arith.constant 0 : i32
      %dma_start3A_121 = tpu.memref_slice %arg3[%add3A_21, %dma_start3A_120] : memref<12800x50xi32, #tpu.memory_space<hbm>> -> memref<4x50xi32, #tpu.memory_space<hbm>>
      tpu.enqueue_dma source(%dma_start3A_121 : memref<4x50xi32, #tpu.memory_space<hbm>>) target(%arg9 : memref<4x50xi32, #tpu.memory_space<vmem>>) target_semaphore(%run_scoped3A : memref<!tpu.dma_semaphore, #tpu.memory_space<semaphore_mem>>)
      %dma_wait3A = arith.constant 0 : i32
      %dma_wait3A_122 = tpu.memref_slice %arg3[%add3A_21, %dma_wait3A] : memref<12800x50xi32, #tpu.memory_space<hbm>> -> memref<4x50xi32, #tpu.memory_space<hbm>>
      %dma_wait3A_123 = arith.constant 0 : i32
      %dma_wait3A_124 = tpu.memref_slice %arg3[%add3A_21, %dma_wait3A_123] : memref<12800x50xi32, #tpu.memory_space<hbm>> -> memref<4x50xi32, #tpu.memory_space<hbm>>
      tpu.wait_dma2 semaphore(%run_scoped3A : memref<!tpu.dma_semaphore, #tpu.memory_space<semaphore_mem>>) src(%dma_wait3A_124 : memref<4x50xi32, #tpu.memory_space<hbm>>) dst(%arg9 : memref<4x50xi32, #tpu.memory_space<vmem>>)
      tpu.yield
    }) : () -> ()
    %dma_start3A = arith.constant 0 : i32
    %dma_start3A_22 = arith.constant 0 : i32
    %dma_start3A_23 = arith.constant 0 : i32
    %dma_start3A_24 = tpu.memref_slice %arg12[%dma_start3A_22, %dma_start3A_23] : memref<200x64xf32, #tpu.memory_space<vmem>> -> memref<50x64xf32, #tpu.memory_space<vmem>>
    %dma_start3A_25 = arith.constant 0 : i32
    %dma_start3A_26 = tpu.memref_slice %arg8[%dma_start3A, %dma_start3A_25] : memref<4x50xi32, #tpu.memory_space<vmem>> -> memref<1x50xi32, #tpu.memory_space<vmem>>
    %dma_start3A_27 = tpu.memref_squeeze %dma_start3A_26 : memref<1x50xi32, #tpu.memory_space<vmem>> -> memref<50xi32, #tpu.memory_space<vmem>>
    %dma_start3A_28 = arith.constant 0 : i32
    %dma_start3A_29 = arith.constant 0 : i32
    %dma_start3A_30 = tpu.memref_slice %arg4[%dma_start3A_28, %dma_start3A_29] : memref<10000x64xf32, #tpu.memory_space<hbm>> -> memref<10000x64xf32, #tpu.memory_space<hbm>>
    tpu.enqueue_indirect_dma source(%dma_start3A_30 : memref<10000x64xf32, #tpu.memory_space<hbm>>) target(%dma_start3A_24 : memref<50x64xf32, #tpu.memory_space<vmem>>) offsets(%dma_start3A_27 : memref<50xi32, #tpu.memory_space<vmem>>) semaphore(%arg19 : memref<!tpu.dma_semaphore, #tpu.memory_space<semaphore_mem>>)
    %dma_start3A_31 = arith.constant 0 : i32
    %dma_start3A_32 = arith.constant 0 : i32
    %dma_start3A_33 = arith.constant 0 : i32
    %dma_start3A_34 = tpu.memref_slice %arg13[%dma_start3A_32, %dma_start3A_33] : memref<200x64xf32, #tpu.memory_space<vmem>> -> memref<50x64xf32, #tpu.memory_space<vmem>>
    %dma_start3A_35 = arith.constant 0 : i32
    %dma_start3A_36 = tpu.memref_slice %arg9[%dma_start3A_31, %dma_start3A_35] : memref<4x50xi32, #tpu.memory_space<vmem>> -> memref<1x50xi32, #tpu.memory_space<vmem>>
    %dma_start3A_37 = tpu.memref_squeeze %dma_start3A_36 : memref<1x50xi32, #tpu.memory_space<vmem>> -> memref<50xi32, #tpu.memory_space<vmem>>
    %dma_start3A_38 = arith.constant 0 : i32
    %dma_start3A_39 = arith.constant 0 : i32
    %dma_start3A_40 = tpu.memref_slice %arg4[%dma_start3A_38, %dma_start3A_39] : memref<10000x64xf32, #tpu.memory_space<hbm>> -> memref<10000x64xf32, #tpu.memory_space<hbm>>
    tpu.enqueue_indirect_dma source(%dma_start3A_40 : memref<10000x64xf32, #tpu.memory_space<hbm>>) target(%dma_start3A_34 : memref<50x64xf32, #tpu.memory_space<vmem>>) offsets(%dma_start3A_37 : memref<50xi32, #tpu.memory_space<vmem>>) semaphore(%arg19 : memref<!tpu.dma_semaphore, #tpu.memory_space<semaphore_mem>>)
    %dma_start3A_41 = arith.constant 1 : i32
    %dma_start3A_42 = arith.constant 50 : i32
    %dma_start3A_43 = arith.constant 0 : i32
    %dma_start3A_44 = tpu.memref_slice %arg12[%dma_start3A_42, %dma_start3A_43] : memref<200x64xf32, #tpu.memory_space<vmem>> -> memref<50x64xf32, #tpu.memory_space<vmem>>
    %dma_start3A_45 = arith.constant 0 : i32
    %dma_start3A_46 = tpu.memref_slice %arg8[%dma_start3A_41, %dma_start3A_45] : memref<4x50xi32, #tpu.memory_space<vmem>> -> memref<1x50xi32, #tpu.memory_space<vmem>>
    %dma_start3A_47 = tpu.memref_squeeze %dma_start3A_46 : memref<1x50xi32, #tpu.memory_space<vmem>> -> memref<50xi32, #tpu.memory_space<vmem>>
    %dma_start3A_48 = arith.constant 0 : i32
    %dma_start3A_49 = arith.constant 0 : i32
    %dma_start3A_50 = tpu.memref_slice %arg4[%dma_start3A_48, %dma_start3A_49] : memref<10000x64xf32, #tpu.memory_space<hbm>> -> memref<10000x64xf32, #tpu.memory_space<hbm>>
    tpu.enqueue_indirect_dma source(%dma_start3A_50 : memref<10000x64xf32, #tpu.memory_space<hbm>>) target(%dma_start3A_44 : memref<50x64xf32, #tpu.memory_space<vmem>>) offsets(%dma_start3A_47 : memref<50xi32, #tpu.memory_space<vmem>>) semaphore(%arg19 : memref<!tpu.dma_semaphore, #tpu.memory_space<semaphore_mem>>)
    %dma_start3A_51 = arith.constant 1 : i32
    %dma_start3A_52 = arith.constant 50 : i32
    %dma_start3A_53 = arith.constant 0 : i32
    %dma_start3A_54 = tpu.memref_slice %arg13[%dma_start3A_52, %dma_start3A_53] : memref<200x64xf32, #tpu.memory_space<vmem>> -> memref<50x64xf32, #tpu.memory_space<vmem>>
    %dma_start3A_55 = arith.constant 0 : i32
    %dma_start3A_56 = tpu.memref_slice %arg9[%dma_start3A_51, %dma_start3A_55] : memref<4x50xi32, #tpu.memory_space<vmem>> -> memref<1x50xi32, #tpu.memory_space<vmem>>
    %dma_start3A_57 = tpu.memref_squeeze %dma_start3A_56 : memref<1x50xi32, #tpu.memory_space<vmem>> -> memref<50xi32, #tpu.memory_space<vmem>>
    %dma_start3A_58 = arith.constant 0 : i32
    %dma_start3A_59 = arith.constant 0 : i32
    %dma_start3A_60 = tpu.memref_slice %arg4[%dma_start3A_58, %dma_start3A_59] : memref<10000x64xf32, #tpu.memory_space<hbm>> -> memref<10000x64xf32, #tpu.memory_space<hbm>>
    tpu.enqueue_indirect_dma source(%dma_start3A_60 : memref<10000x64xf32, #tpu.memory_space<hbm>>) target(%dma_start3A_54 : memref<50x64xf32, #tpu.memory_space<vmem>>) offsets(%dma_start3A_57 : memref<50xi32, #tpu.memory_space<vmem>>) semaphore(%arg19 : memref<!tpu.dma_semaphore, #tpu.memory_space<semaphore_mem>>)
    %dma_start3A_61 = arith.constant 2 : i32
    %dma_start3A_62 = arith.constant 100 : i32
    %dma_start3A_63 = arith.constant 0 : i32
    %dma_start3A_64 = tpu.memref_slice %arg12[%dma_start3A_62, %dma_start3A_63] : memref<200x64xf32, #tpu.memory_space<vmem>> -> memref<50x64xf32, #tpu.memory_space<vmem>>
    %dma_start3A_65 = arith.constant 0 : i32
    %dma_start3A_66 = tpu.memref_slice %arg8[%dma_start3A_61, %dma_start3A_65] : memref<4x50xi32, #tpu.memory_space<vmem>> -> memref<1x50xi32, #tpu.memory_space<vmem>>
    %dma_start3A_67 = tpu.memref_squeeze %dma_start3A_66 : memref<1x50xi32, #tpu.memory_space<vmem>> -> memref<50xi32, #tpu.memory_space<vmem>>
    %dma_start3A_68 = arith.constant 0 : i32
    %dma_start3A_69 = arith.constant 0 : i32
    %dma_start3A_70 = tpu.memref_slice %arg4[%dma_start3A_68, %dma_start3A_69] : memref<10000x64xf32, #tpu.memory_space<hbm>> -> memref<10000x64xf32, #tpu.memory_space<hbm>>
    tpu.enqueue_indirect_dma source(%dma_start3A_70 : memref<10000x64xf32, #tpu.memory_space<hbm>>) target(%dma_start3A_64 : memref<50x64xf32, #tpu.memory_space<vmem>>) offsets(%dma_start3A_67 : memref<50xi32, #tpu.memory_space<vmem>>) semaphore(%arg19 : memref<!tpu.dma_semaphore, #tpu.memory_space<semaphore_mem>>)
    %dma_start3A_71 = arith.constant 2 : i32
    %dma_start3A_72 = arith.constant 100 : i32
    %dma_start3A_73 = arith.constant 0 : i32
    %dma_start3A_74 = tpu.memref_slice %arg13[%dma_start3A_72, %dma_start3A_73] : memref<200x64xf32, #tpu.memory_space<vmem>> -> memref<50x64xf32, #tpu.memory_space<vmem>>
    %dma_start3A_75 = arith.constant 0 : i32
    %dma_start3A_76 = tpu.memref_slice %arg9[%dma_start3A_71, %dma_start3A_75] : memref<4x50xi32, #tpu.memory_space<vmem>> -> memref<1x50xi32, #tpu.memory_space<vmem>>
    %dma_start3A_77 = tpu.memref_squeeze %dma_start3A_76 : memref<1x50xi32, #tpu.memory_space<vmem>> -> memref<50xi32, #tpu.memory_space<vmem>>
    %dma_start3A_78 = arith.constant 0 : i32
    %dma_start3A_79 = arith.constant 0 : i32
    %dma_start3A_80 = tpu.memref_slice %arg4[%dma_start3A_78, %dma_start3A_79] : memref<10000x64xf32, #tpu.memory_space<hbm>> -> memref<10000x64xf32, #tpu.memory_space<hbm>>
    tpu.enqueue_indirect_dma source(%dma_start3A_80 : memref<10000x64xf32, #tpu.memory_space<hbm>>) target(%dma_start3A_74 : memref<50x64xf32, #tpu.memory_space<vmem>>) offsets(%dma_start3A_77 : memref<50xi32, #tpu.memory_space<vmem>>) semaphore(%arg19 : memref<!tpu.dma_semaphore, #tpu.memory_space<semaphore_mem>>)
    %dma_start3A_81 = arith.constant 3 : i32
    %dma_start3A_82 = arith.constant 150 : i32
    %dma_start3A_83 = arith.constant 0 : i32
    %dma_start3A_84 = tpu.memref_slice %arg12[%dma_start3A_82, %dma_start3A_83] : memref<200x64xf32, #tpu.memory_space<vmem>> -> memref<50x64xf32, #tpu.memory_space<vmem>>
    %dma_start3A_85 = arith.constant 0 : i32
    %dma_start3A_86 = tpu.memref_slice %arg8[%dma_start3A_81, %dma_start3A_85] : memref<4x50xi32, #tpu.memory_space<vmem>> -> memref<1x50xi32, #tpu.memory_space<vmem>>
    %dma_start3A_87 = tpu.memref_squeeze %dma_start3A_86 : memref<1x50xi32, #tpu.memory_space<vmem>> -> memref<50xi32, #tpu.memory_space<vmem>>
    %dma_start3A_88 = arith.constant 0 : i32
    %dma_start3A_89 = arith.constant 0 : i32
    %dma_start3A_90 = tpu.memref_slice %arg4[%dma_start3A_88, %dma_start3A_89] : memref<10000x64xf32, #tpu.memory_space<hbm>> -> memref<10000x64xf32, #tpu.memory_space<hbm>>
    tpu.enqueue_indirect_dma source(%dma_start3A_90 : memref<10000x64xf32, #tpu.memory_space<hbm>>) target(%dma_start3A_84 : memref<50x64xf32, #tpu.memory_space<vmem>>) offsets(%dma_start3A_87 : memref<50xi32, #tpu.memory_space<vmem>>) semaphore(%arg19 : memref<!tpu.dma_semaphore, #tpu.memory_space<semaphore_mem>>)
    %dma_start3A_91 = arith.constant 3 : i32
    %dma_start3A_92 = arith.constant 150 : i32
    %dma_start3A_93 = arith.constant 0 : i32
    %dma_start3A_94 = tpu.memref_slice %arg13[%dma_start3A_92, %dma_start3A_93] : memref<200x64xf32, #tpu.memory_space<vmem>> -> memref<50x64xf32, #tpu.memory_space<vmem>>
    %dma_start3A_95 = arith.constant 0 : i32
    %dma_start3A_96 = tpu.memref_slice %arg9[%dma_start3A_91, %dma_start3A_95] : memref<4x50xi32, #tpu.memory_space<vmem>> -> memref<1x50xi32, #tpu.memory_space<vmem>>
    %dma_start3A_97 = tpu.memref_squeeze %dma_start3A_96 : memref<1x50xi32, #tpu.memory_space<vmem>> -> memref<50xi32, #tpu.memory_space<vmem>>
    %dma_start3A_98 = arith.constant 0 : i32
    %dma_start3A_99 = arith.constant 0 : i32
    %dma_start3A_100 = tpu.memref_slice %arg4[%dma_start3A_98, %dma_start3A_99] : memref<10000x64xf32, #tpu.memory_space<hbm>> -> memref<10000x64xf32, #tpu.memory_space<hbm>>
    tpu.enqueue_indirect_dma source(%dma_start3A_100 : memref<10000x64xf32, #tpu.memory_space<hbm>>) target(%dma_start3A_94 : memref<50x64xf32, #tpu.memory_space<vmem>>) offsets(%dma_start3A_97 : memref<50xi32, #tpu.memory_space<vmem>>) semaphore(%arg19 : memref<!tpu.dma_semaphore, #tpu.memory_space<semaphore_mem>>)
    %scan3A = arith.constant 0 : i32
    %scan3A_101 = arith.constant 50 : i32
    %scan3A_102 = arith.addi %scan3A, %scan3A_101 : i32
    %scan3A_103 = arith.constant 1 : i32
    scf.for %scan3A_118 = %scan3A to %scan3A_102 step %scan3A_103  : i32 {
      %mul3A_119 = arith.constant 2 : i32
      %mul3A_120 = arith.muli %scan3A_118, %mul3A_119 : i32
      %add3A_121 = arith.constant 0 : i32
      %add3A_122 = arith.addi %add3A_121, %mul3A_120 : i32
      %add3A_123 = arith.constant 0 : i32
      %add3A_124 = arith.addi %add3A_122, %add3A_123 : i32
      %dma_wait3A = arith.constant 0 : i32
      %dma_wait3A_125 = arith.constant 0 : i32
      %dma_wait3A_126 = arith.constant 0 : i32
      %dma_wait3A_127 = tpu.memref_slice %arg12[%dma_wait3A_125, %dma_wait3A_126] : memref<200x64xf32, #tpu.memory_space<vmem>> -> memref<50x64xf32, #tpu.memory_space<vmem>>
      %dma_wait3A_128 = arith.constant 0 : i32
      %dma_wait3A_129 = tpu.memref_slice %arg8[%dma_wait3A, %dma_wait3A_128] : memref<4x50xi32, #tpu.memory_space<vmem>> -> memref<1x50xi32, #tpu.memory_space<vmem>>
      %dma_wait3A_130 = tpu.memref_squeeze %dma_wait3A_129 : memref<1x50xi32, #tpu.memory_space<vmem>> -> memref<50xi32, #tpu.memory_space<vmem>>
      %dma_wait3A_131 = arith.constant 0 : i32
      %dma_wait3A_132 = arith.constant 0 : i32
      %dma_wait3A_133 = tpu.memref_slice %arg4[%dma_wait3A_131, %dma_wait3A_132] : memref<10000x64xf32, #tpu.memory_space<hbm>> -> memref<10000x64xf32, #tpu.memory_space<hbm>>
      tpu.wait_indirect_dma semaphore(%arg19 : memref<!tpu.dma_semaphore, #tpu.memory_space<semaphore_mem>>) src(%dma_wait3A_133 : memref<10000x64xf32, #tpu.memory_space<hbm>>) dst(%dma_wait3A_127 : memref<50x64xf32, #tpu.memory_space<vmem>>)
      %dma_wait3A_134 = arith.constant 0 : i32
      %dma_wait3A_135 = arith.constant 0 : i32
      %dma_wait3A_136 = arith.constant 0 : i32
      %dma_wait3A_137 = tpu.memref_slice %arg13[%dma_wait3A_135, %dma_wait3A_136] : memref<200x64xf32, #tpu.memory_space<vmem>> -> memref<50x64xf32, #tpu.memory_space<vmem>>
      %dma_wait3A_138 = arith.constant 0 : i32
      %dma_wait3A_139 = tpu.memref_slice %arg9[%dma_wait3A_134, %dma_wait3A_138] : memref<4x50xi32, #tpu.memory_space<vmem>> -> memref<1x50xi32, #tpu.memory_space<vmem>>
      %dma_wait3A_140 = tpu.memref_squeeze %dma_wait3A_139 : memref<1x50xi32, #tpu.memory_space<vmem>> -> memref<50xi32, #tpu.memory_space<vmem>>
      %dma_wait3A_141 = arith.constant 0 : i32
      %dma_wait3A_142 = arith.constant 0 : i32
      %dma_wait3A_143 = tpu.memref_slice %arg4[%dma_wait3A_141, %dma_wait3A_142] : memref<10000x64xf32, #tpu.memory_space<hbm>> -> memref<10000x64xf32, #tpu.memory_space<hbm>>
      tpu.wait_indirect_dma semaphore(%arg19 : memref<!tpu.dma_semaphore, #tpu.memory_space<semaphore_mem>>) src(%dma_wait3A_143 : memref<10000x64xf32, #tpu.memory_space<hbm>>) dst(%dma_wait3A_137 : memref<50x64xf32, #tpu.memory_space<vmem>>)
      %dma_wait3A_144 = arith.constant 1 : i32
      %dma_wait3A_145 = arith.constant 50 : i32
      %dma_wait3A_146 = arith.constant 0 : i32
      %dma_wait3A_147 = tpu.memref_slice %arg12[%dma_wait3A_145, %dma_wait3A_146] : memref<200x64xf32, #tpu.memory_space<vmem>> -> memref<50x64xf32, #tpu.memory_space<vmem>>
      %dma_wait3A_148 = arith.constant 0 : i32
      %dma_wait3A_149 = tpu.memref_slice %arg8[%dma_wait3A_144, %dma_wait3A_148] : memref<4x50xi32, #tpu.memory_space<vmem>> -> memref<1x50xi32, #tpu.memory_space<vmem>>
      %dma_wait3A_150 = tpu.memref_squeeze %dma_wait3A_149 : memref<1x50xi32, #tpu.memory_space<vmem>> -> memref<50xi32, #tpu.memory_space<vmem>>
      %dma_wait3A_151 = arith.constant 0 : i32
      %dma_wait3A_152 = arith.constant 0 : i32
      %dma_wait3A_153 = tpu.memref_slice %arg4[%dma_wait3A_151, %dma_wait3A_152] : memref<10000x64xf32, #tpu.memory_space<hbm>> -> memref<10000x64xf32, #tpu.memory_space<hbm>>
      tpu.wait_indirect_dma semaphore(%arg19 : memref<!tpu.dma_semaphore, #tpu.memory_space<semaphore_mem>>) src(%dma_wait3A_153 : memref<10000x64xf32, #tpu.memory_space<hbm>>) dst(%dma_wait3A_147 : memref<50x64xf32, #tpu.memory_space<vmem>>)
      %dma_wait3A_154 = arith.constant 1 : i32
      %dma_wait3A_155 = arith.constant 50 : i32
      %dma_wait3A_156 = arith.constant 0 : i32
      %dma_wait3A_157 = tpu.memref_slice %arg13[%dma_wait3A_155, %dma_wait3A_156] : memref<200x64xf32, #tpu.memory_space<vmem>> -> memref<50x64xf32, #tpu.memory_space<vmem>>
      %dma_wait3A_158 = arith.constant 0 : i32
      %dma_wait3A_159 = tpu.memref_slice %arg9[%dma_wait3A_154, %dma_wait3A_158] : memref<4x50xi32, #tpu.memory_space<vmem>> -> memref<1x50xi32, #tpu.memory_space<vmem>>
      %dma_wait3A_160 = tpu.memref_squeeze %dma_wait3A_159 : memref<1x50xi32, #tpu.memory_space<vmem>> -> memref<50xi32, #tpu.memory_space<vmem>>
      %dma_wait3A_161 = arith.constant 0 : i32
      %dma_wait3A_162 = arith.constant 0 : i32
      %dma_wait3A_163 = tpu.memref_slice %arg4[%dma_wait3A_161, %dma_wait3A_162] : memref<10000x64xf32, #tpu.memory_space<hbm>> -> memref<10000x64xf32, #tpu.memory_space<hbm>>
      tpu.wait_indirect_dma semaphore(%arg19 : memref<!tpu.dma_semaphore, #tpu.memory_space<semaphore_mem>>) src(%dma_wait3A_163 : memref<10000x64xf32, #tpu.memory_space<hbm>>) dst(%dma_wait3A_157 : memref<50x64xf32, #tpu.memory_space<vmem>>)
      %dma_wait3A_164 = arith.constant 2 : i32
      %dma_wait3A_165 = arith.constant 100 : i32
      %dma_wait3A_166 = arith.constant 0 : i32
      %dma_wait3A_167 = tpu.memref_slice %arg12[%dma_wait3A_165, %dma_wait3A_166] : memref<200x64xf32, #tpu.memory_space<vmem>> -> memref<50x64xf32, #tpu.memory_space<vmem>>
      %dma_wait3A_168 = arith.constant 0 : i32
      %dma_wait3A_169 = tpu.memref_slice %arg8[%dma_wait3A_164, %dma_wait3A_168] : memref<4x50xi32, #tpu.memory_space<vmem>> -> memref<1x50xi32, #tpu.memory_space<vmem>>
      %dma_wait3A_170 = tpu.memref_squeeze %dma_wait3A_169 : memref<1x50xi32, #tpu.memory_space<vmem>> -> memref<50xi32, #tpu.memory_space<vmem>>
      %dma_wait3A_171 = arith.constant 0 : i32
      %dma_wait3A_172 = arith.constant 0 : i32
      %dma_wait3A_173 = tpu.memref_slice %arg4[%dma_wait3A_171, %dma_wait3A_172] : memref<10000x64xf32, #tpu.memory_space<hbm>> -> memref<10000x64xf32, #tpu.memory_space<hbm>>
      tpu.wait_indirect_dma semaphore(%arg19 : memref<!tpu.dma_semaphore, #tpu.memory_space<semaphore_mem>>) src(%dma_wait3A_173 : memref<10000x64xf32, #tpu.memory_space<hbm>>) dst(%dma_wait3A_167 : memref<50x64xf32, #tpu.memory_space<vmem>>)
      %dma_wait3A_174 = arith.constant 2 : i32
      %dma_wait3A_175 = arith.constant 100 : i32
      %dma_wait3A_176 = arith.constant 0 : i32
      %dma_wait3A_177 = tpu.memref_slice %arg13[%dma_wait3A_175, %dma_wait3A_176] : memref<200x64xf32, #tpu.memory_space<vmem>> -> memref<50x64xf32, #tpu.memory_space<vmem>>
      %dma_wait3A_178 = arith.constant 0 : i32
      %dma_wait3A_179 = tpu.memref_slice %arg9[%dma_wait3A_174, %dma_wait3A_178] : memref<4x50xi32, #tpu.memory_space<vmem>> -> memref<1x50xi32, #tpu.memory_space<vmem>>
      %dma_wait3A_180 = tpu.memref_squeeze %dma_wait3A_179 : memref<1x50xi32, #tpu.memory_space<vmem>> -> memref<50xi32, #tpu.memory_space<vmem>>
      %dma_wait3A_181 = arith.constant 0 : i32
      %dma_wait3A_182 = arith.constant 0 : i32
      %dma_wait3A_183 = tpu.memref_slice %arg4[%dma_wait3A_181, %dma_wait3A_182] : memref<10000x64xf32, #tpu.memory_space<hbm>> -> memref<10000x64xf32, #tpu.memory_space<hbm>>
      tpu.wait_indirect_dma semaphore(%arg19 : memref<!tpu.dma_semaphore, #tpu.memory_space<semaphore_mem>>) src(%dma_wait3A_183 : memref<10000x64xf32, #tpu.memory_space<hbm>>) dst(%dma_wait3A_177 : memref<50x64xf32, #tpu.memory_space<vmem>>)
      %dma_wait3A_184 = arith.constant 3 : i32
      %dma_wait3A_185 = arith.constant 150 : i32
      %dma_wait3A_186 = arith.constant 0 : i32
      %dma_wait3A_187 = tpu.memref_slice %arg12[%dma_wait3A_185, %dma_wait3A_186] : memref<200x64xf32, #tpu.memory_space<vmem>> -> memref<50x64xf32, #tpu.memory_space<vmem>>
      %dma_wait3A_188 = arith.constant 0 : i32
      %dma_wait3A_189 = tpu.memref_slice %arg8[%dma_wait3A_184, %dma_wait3A_188] : memref<4x50xi32, #tpu.memory_space<vmem>> -> memref<1x50xi32, #tpu.memory_space<vmem>>
      %dma_wait3A_190 = tpu.memref_squeeze %dma_wait3A_189 : memref<1x50xi32, #tpu.memory_space<vmem>> -> memref<50xi32, #tpu.memory_space<vmem>>
      %dma_wait3A_191 = arith.constant 0 : i32
      %dma_wait3A_192 = arith.constant 0 : i32
      %dma_wait3A_193 = tpu.memref_slice %arg4[%dma_wait3A_191, %dma_wait3A_192] : memref<10000x64xf32, #tpu.memory_space<hbm>> -> memref<10000x64xf32, #tpu.memory_space<hbm>>
      tpu.wait_indirect_dma semaphore(%arg19 : memref<!tpu.dma_semaphore, #tpu.memory_space<semaphore_mem>>) src(%dma_wait3A_193 : memref<10000x64xf32, #tpu.memory_space<hbm>>) dst(%dma_wait3A_187 : memref<50x64xf32, #tpu.memory_space<vmem>>)
      %dma_wait3A_194 = arith.constant 3 : i32
      %dma_wait3A_195 = arith.constant 150 : i32
      %dma_wait3A_196 = arith.constant 0 : i32
      %dma_wait3A_197 = tpu.memref_slice %arg13[%dma_wait3A_195, %dma_wait3A_196] : memref<200x64xf32, #tpu.memory_space<vmem>> -> memref<50x64xf32, #tpu.memory_space<vmem>>
      %dma_wait3A_198 = arith.constant 0 : i32
      %dma_wait3A_199 = tpu.memref_slice %arg9[%dma_wait3A_194, %dma_wait3A_198] : memref<4x50xi32, #tpu.memory_space<vmem>> -> memref<1x50xi32, #tpu.memory_space<vmem>>
      %dma_wait3A_200 = tpu.memref_squeeze %dma_wait3A_199 : memref<1x50xi32, #tpu.memory_space<vmem>> -> memref<50xi32, #tpu.memory_space<vmem>>
      %dma_wait3A_201 = arith.constant 0 : i32
      %dma_wait3A_202 = arith.constant 0 : i32
      %dma_wait3A_203 = tpu.memref_slice %arg4[%dma_wait3A_201, %dma_wait3A_202] : memref<10000x64xf32, #tpu.memory_space<hbm>> -> memref<10000x64xf32, #tpu.memory_space<hbm>>
      tpu.wait_indirect_dma semaphore(%arg19 : memref<!tpu.dma_semaphore, #tpu.memory_space<semaphore_mem>>) src(%dma_wait3A_203 : memref<10000x64xf32, #tpu.memory_space<hbm>>) dst(%dma_wait3A_197 : memref<50x64xf32, #tpu.memory_space<vmem>>)
      %add3A_204 = arith.constant 1 : i32
      %add3A_205 = arith.addi %add3A_124, %add3A_204 : i32
      %lt3A_206 = arith.constant 100 : i32
      %lt3A_207 = arith.cmpi slt, %add3A_205, %lt3A_206 : i32
      %convert_element_type3A_208 = arith.extui %lt3A_207 : i1 to i32
      %cond3A_209 = arith.constant 0 : i32
      %cond3A_210 = arith.cmpi ne, %convert_element_type3A_208, %cond3A_209 : i32
      scf.if %cond3A_210 {
        %add3A_317 = arith.constant 1 : i32
        %add3A_318 = arith.addi %add3A_124, %add3A_317 : i32
        %mul3A_319 = arith.constant 4 : i32
        %mul3A_320 = arith.muli %add3A_318, %mul3A_319 : i32
        %add3A_321 = arith.addi %mul3A_17, %mul3A_320 : i32
        "tpu.region"() ({
          %run_scoped3A_405 = tpu.sem_alloc : memref<!tpu.dma_semaphore, #tpu.memory_space<semaphore_mem>>
          %dma_start3A_406 = arith.constant 0 : i32
          %dma_start3A_407 = tpu.memref_slice %arg2[%add3A_321, %dma_start3A_406] : memref<12800x50xi32, #tpu.memory_space<hbm>> -> memref<4x50xi32, #tpu.memory_space<hbm>>
          %dma_start3A_408 = arith.constant 0 : i32
          %dma_start3A_409 = tpu.memref_slice %arg2[%add3A_321, %dma_start3A_408] : memref<12800x50xi32, #tpu.memory_space<hbm>> -> memref<4x50xi32, #tpu.memory_space<hbm>>
          tpu.enqueue_dma source(%dma_start3A_409 : memref<4x50xi32, #tpu.memory_space<hbm>>) target(%arg10 : memref<4x50xi32, #tpu.memory_space<vmem>>) target_semaphore(%run_scoped3A_405 : memref<!tpu.dma_semaphore, #tpu.memory_space<semaphore_mem>>)
          %dma_wait3A_410 = arith.constant 0 : i32
          %dma_wait3A_411 = tpu.memref_slice %arg2[%add3A_321, %dma_wait3A_410] : memref<12800x50xi32, #tpu.memory_space<hbm>> -> memref<4x50xi32, #tpu.memory_space<hbm>>
          %dma_wait3A_412 = arith.constant 0 : i32
          %dma_wait3A_413 = tpu.memref_slice %arg2[%add3A_321, %dma_wait3A_412] : memref<12800x50xi32, #tpu.memory_space<hbm>> -> memref<4x50xi32, #tpu.memory_space<hbm>>
          tpu.wait_dma2 semaphore(%run_scoped3A_405 : memref<!tpu.dma_semaphore, #tpu.memory_space<semaphore_mem>>) src(%dma_wait3A_413 : memref<4x50xi32, #tpu.memory_space<hbm>>) dst(%arg10 : memref<4x50xi32, #tpu.memory_space<vmem>>)
          tpu.yield
        }) : () -> ()
        %mul3A_322 = arith.constant 4 : i32
        %mul3A_323 = arith.muli %add3A_318, %mul3A_322 : i32
        %add3A_324 = arith.addi %mul3A_17, %mul3A_323 : i32
        "tpu.region"() ({
          %run_scoped3A_405 = tpu.sem_alloc : memref<!tpu.dma_semaphore, #tpu.memory_space<semaphore_mem>>
          %dma_start3A_406 = arith.constant 0 : i32
          %dma_start3A_407 = tpu.memref_slice %arg3[%add3A_324, %dma_start3A_406] : memref<12800x50xi32, #tpu.memory_space<hbm>> -> memref<4x50xi32, #tpu.memory_space<hbm>>
          %dma_start3A_408 = arith.constant 0 : i32
          %dma_start3A_409 = tpu.memref_slice %arg3[%add3A_324, %dma_start3A_408] : memref<12800x50xi32, #tpu.memory_space<hbm>> -> memref<4x50xi32, #tpu.memory_space<hbm>>
          tpu.enqueue_dma source(%dma_start3A_409 : memref<4x50xi32, #tpu.memory_space<hbm>>) target(%arg11 : memref<4x50xi32, #tpu.memory_space<vmem>>) target_semaphore(%run_scoped3A_405 : memref<!tpu.dma_semaphore, #tpu.memory_space<semaphore_mem>>)
          %dma_wait3A_410 = arith.constant 0 : i32
          %dma_wait3A_411 = tpu.memref_slice %arg3[%add3A_324, %dma_wait3A_410] : memref<12800x50xi32, #tpu.memory_space<hbm>> -> memref<4x50xi32, #tpu.memory_space<hbm>>
          %dma_wait3A_412 = arith.constant 0 : i32
          %dma_wait3A_413 = tpu.memref_slice %arg3[%add3A_324, %dma_wait3A_412] : memref<12800x50xi32, #tpu.memory_space<hbm>> -> memref<4x50xi32, #tpu.memory_space<hbm>>
          tpu.wait_dma2 semaphore(%run_scoped3A_405 : memref<!tpu.dma_semaphore, #tpu.memory_space<semaphore_mem>>) src(%dma_wait3A_413 : memref<4x50xi32, #tpu.memory_space<hbm>>) dst(%arg11 : memref<4x50xi32, #tpu.memory_space<vmem>>)
          tpu.yield
        }) : () -> ()
        %dma_start3A_325 = arith.constant 0 : i32
        %dma_start3A_326 = arith.constant 0 : i32
        %dma_start3A_327 = arith.constant 0 : i32
        %dma_start3A_328 = tpu.memref_slice %arg14[%dma_start3A_326, %dma_start3A_327] : memref<200x64xf32, #tpu.memory_space<vmem>> -> memref<50x64xf32, #tpu.memory_space<vmem>>
        %dma_start3A_329 = arith.constant 0 : i32
        %dma_start3A_330 = tpu.memref_slice %arg10[%dma_start3A_325, %dma_start3A_329] : memref<4x50xi32, #tpu.memory_space<vmem>> -> memref<1x50xi32, #tpu.memory_space<vmem>>
        %dma_start3A_331 = tpu.memref_squeeze %dma_start3A_330 : memref<1x50xi32, #tpu.memory_space<vmem>> -> memref<50xi32, #tpu.memory_space<vmem>>
        %dma_start3A_332 = arith.constant 0 : i32
        %dma_start3A_333 = arith.constant 0 : i32
        %dma_start3A_334 = tpu.memref_slice %arg4[%dma_start3A_332, %dma_start3A_333] : memref<10000x64xf32, #tpu.memory_space<hbm>> -> memref<10000x64xf32, #tpu.memory_space<hbm>>
        tpu.enqueue_indirect_dma source(%dma_start3A_334 : memref<10000x64xf32, #tpu.memory_space<hbm>>) target(%dma_start3A_328 : memref<50x64xf32, #tpu.memory_space<vmem>>) offsets(%dma_start3A_331 : memref<50xi32, #tpu.memory_space<vmem>>) semaphore(%arg19 : memref<!tpu.dma_semaphore, #tpu.memory_space<semaphore_mem>>)
        %dma_start3A_335 = arith.constant 0 : i32
        %dma_start3A_336 = arith.constant 0 : i32
        %dma_start3A_337 = arith.constant 0 : i32
        %dma_start3A_338 = tpu.memref_slice %arg15[%dma_start3A_336, %dma_start3A_337] : memref<200x64xf32, #tpu.memory_space<vmem>> -> memref<50x64xf32, #tpu.memory_space<vmem>>
        %dma_start3A_339 = arith.constant 0 : i32
        %dma_start3A_340 = tpu.memref_slice %arg11[%dma_start3A_335, %dma_start3A_339] : memref<4x50xi32, #tpu.memory_space<vmem>> -> memref<1x50xi32, #tpu.memory_space<vmem>>
        %dma_start3A_341 = tpu.memref_squeeze %dma_start3A_340 : memref<1x50xi32, #tpu.memory_space<vmem>> -> memref<50xi32, #tpu.memory_space<vmem>>
        %dma_start3A_342 = arith.constant 0 : i32
        %dma_start3A_343 = arith.constant 0 : i32
        %dma_start3A_344 = tpu.memref_slice %arg4[%dma_start3A_342, %dma_start3A_343] : memref<10000x64xf32, #tpu.memory_space<hbm>> -> memref<10000x64xf32, #tpu.memory_space<hbm>>
        tpu.enqueue_indirect_dma source(%dma_start3A_344 : memref<10000x64xf32, #tpu.memory_space<hbm>>) target(%dma_start3A_338 : memref<50x64xf32, #tpu.memory_space<vmem>>) offsets(%dma_start3A_341 : memref<50xi32, #tpu.memory_space<vmem>>) semaphore(%arg19 : memref<!tpu.dma_semaphore, #tpu.memory_space<semaphore_mem>>)
        %dma_start3A_345 = arith.constant 1 : i32
        %dma_start3A_346 = arith.constant 50 : i32
        %dma_start3A_347 = arith.constant 0 : i32
        %dma_start3A_348 = tpu.memref_slice %arg14[%dma_start3A_346, %dma_start3A_347] : memref<200x64xf32, #tpu.memory_space<vmem>> -> memref<50x64xf32, #tpu.memory_space<vmem>>
        %dma_start3A_349 = arith.constant 0 : i32
        %dma_start3A_350 = tpu.memref_slice %arg10[%dma_start3A_345, %dma_start3A_349] : memref<4x50xi32, #tpu.memory_space<vmem>> -> memref<1x50xi32, #tpu.memory_space<vmem>>
        %dma_start3A_351 = tpu.memref_squeeze %dma_start3A_350 : memref<1x50xi32, #tpu.memory_space<vmem>> -> memref<50xi32, #tpu.memory_space<vmem>>
        %dma_start3A_352 = arith.constant 0 : i32
        %dma_start3A_353 = arith.constant 0 : i32
        %dma_start3A_354 = tpu.memref_slice %arg4[%dma_start3A_352, %dma_start3A_353] : memref<10000x64xf32, #tpu.memory_space<hbm>> -> memref<10000x64xf32, #tpu.memory_space<hbm>>
        tpu.enqueue_indirect_dma source(%dma_start3A_354 : memref<10000x64xf32, #tpu.memory_space<hbm>>) target(%dma_start3A_348 : memref<50x64xf32, #tpu.memory_space<vmem>>) offsets(%dma_start3A_351 : memref<50xi32, #tpu.memory_space<vmem>>) semaphore(%arg19 : memref<!tpu.dma_semaphore, #tpu.memory_space<semaphore_mem>>)
        %dma_start3A_355 = arith.constant 1 : i32
        %dma_start3A_356 = arith.constant 50 : i32
        %dma_start3A_357 = arith.constant 0 : i32
        %dma_start3A_358 = tpu.memref_slice %arg15[%dma_start3A_356, %dma_start3A_357] : memref<200x64xf32, #tpu.memory_space<vmem>> -> memref<50x64xf32, #tpu.memory_space<vmem>>
        %dma_start3A_359 = arith.constant 0 : i32
        %dma_start3A_360 = tpu.memref_slice %arg11[%dma_start3A_355, %dma_start3A_359] : memref<4x50xi32, #tpu.memory_space<vmem>> -> memref<1x50xi32, #tpu.memory_space<vmem>>
        %dma_start3A_361 = tpu.memref_squeeze %dma_start3A_360 : memref<1x50xi32, #tpu.memory_space<vmem>> -> memref<50xi32, #tpu.memory_space<vmem>>
        %dma_start3A_362 = arith.constant 0 : i32
        %dma_start3A_363 = arith.constant 0 : i32
        %dma_start3A_364 = tpu.memref_slice %arg4[%dma_start3A_362, %dma_start3A_363] : memref<10000x64xf32, #tpu.memory_space<hbm>> -> memref<10000x64xf32, #tpu.memory_space<hbm>>
        tpu.enqueue_indirect_dma source(%dma_start3A_364 : memref<10000x64xf32, #tpu.memory_space<hbm>>) target(%dma_start3A_358 : memref<50x64xf32, #tpu.memory_space<vmem>>) offsets(%dma_start3A_361 : memref<50xi32, #tpu.memory_space<vmem>>) semaphore(%arg19 : memref<!tpu.dma_semaphore, #tpu.memory_space<semaphore_mem>>)
        %dma_start3A_365 = arith.constant 2 : i32
        %dma_start3A_366 = arith.constant 100 : i32
        %dma_start3A_367 = arith.constant 0 : i32
        %dma_start3A_368 = tpu.memref_slice %arg14[%dma_start3A_366, %dma_start3A_367] : memref<200x64xf32, #tpu.memory_space<vmem>> -> memref<50x64xf32, #tpu.memory_space<vmem>>
        %dma_start3A_369 = arith.constant 0 : i32
        %dma_start3A_370 = tpu.memref_slice %arg10[%dma_start3A_365, %dma_start3A_369] : memref<4x50xi32, #tpu.memory_space<vmem>> -> memref<1x50xi32, #tpu.memory_space<vmem>>
        %dma_start3A_371 = tpu.memref_squeeze %dma_start3A_370 : memref<1x50xi32, #tpu.memory_space<vmem>> -> memref<50xi32, #tpu.memory_space<vmem>>
        %dma_start3A_372 = arith.constant 0 : i32
        %dma_start3A_373 = arith.constant 0 : i32
        %dma_start3A_374 = tpu.memref_slice %arg4[%dma_start3A_372, %dma_start3A_373] : memref<10000x64xf32, #tpu.memory_space<hbm>> -> memref<10000x64xf32, #tpu.memory_space<hbm>>
        tpu.enqueue_indirect_dma source(%dma_start3A_374 : memref<10000x64xf32, #tpu.memory_space<hbm>>) target(%dma_start3A_368 : memref<50x64xf32, #tpu.memory_space<vmem>>) offsets(%dma_start3A_371 : memref<50xi32, #tpu.memory_space<vmem>>) semaphore(%arg19 : memref<!tpu.dma_semaphore, #tpu.memory_space<semaphore_mem>>)
        %dma_start3A_375 = arith.constant 2 : i32
        %dma_start3A_376 = arith.constant 100 : i32
        %dma_start3A_377 = arith.constant 0 : i32
        %dma_start3A_378 = tpu.memref_slice %arg15[%dma_start3A_376, %dma_start3A_377] : memref<200x64xf32, #tpu.memory_space<vmem>> -> memref<50x64xf32, #tpu.memory_space<vmem>>
        %dma_start3A_379 = arith.constant 0 : i32
        %dma_start3A_380 = tpu.memref_slice %arg11[%dma_start3A_375, %dma_start3A_379] : memref<4x50xi32, #tpu.memory_space<vmem>> -> memref<1x50xi32, #tpu.memory_space<vmem>>
        %dma_start3A_381 = tpu.memref_squeeze %dma_start3A_380 : memref<1x50xi32, #tpu.memory_space<vmem>> -> memref<50xi32, #tpu.memory_space<vmem>>
        %dma_start3A_382 = arith.constant 0 : i32
        %dma_start3A_383 = arith.constant 0 : i32
        %dma_start3A_384 = tpu.memref_slice %arg4[%dma_start3A_382, %dma_start3A_383] : memref<10000x64xf32, #tpu.memory_space<hbm>> -> memref<10000x64xf32, #tpu.memory_space<hbm>>
        tpu.enqueue_indirect_dma source(%dma_start3A_384 : memref<10000x64xf32, #tpu.memory_space<hbm>>) target(%dma_start3A_378 : memref<50x64xf32, #tpu.memory_space<vmem>>) offsets(%dma_start3A_381 : memref<50xi32, #tpu.memory_space<vmem>>) semaphore(%arg19 : memref<!tpu.dma_semaphore, #tpu.memory_space<semaphore_mem>>)
        %dma_start3A_385 = arith.constant 3 : i32
        %dma_start3A_386 = arith.constant 150 : i32
        %dma_start3A_387 = arith.constant 0 : i32
        %dma_start3A_388 = tpu.memref_slice %arg14[%dma_start3A_386, %dma_start3A_387] : memref<200x64xf32, #tpu.memory_space<vmem>> -> memref<50x64xf32, #tpu.memory_space<vmem>>
        %dma_start3A_389 = arith.constant 0 : i32
        %dma_start3A_390 = tpu.memref_slice %arg10[%dma_start3A_385, %dma_start3A_389] : memref<4x50xi32, #tpu.memory_space<vmem>> -> memref<1x50xi32, #tpu.memory_space<vmem>>
        %dma_start3A_391 = tpu.memref_squeeze %dma_start3A_390 : memref<1x50xi32, #tpu.memory_space<vmem>> -> memref<50xi32, #tpu.memory_space<vmem>>
        %dma_start3A_392 = arith.constant 0 : i32
        %dma_start3A_393 = arith.constant 0 : i32
        %dma_start3A_394 = tpu.memref_slice %arg4[%dma_start3A_392, %dma_start3A_393] : memref<10000x64xf32, #tpu.memory_space<hbm>> -> memref<10000x64xf32, #tpu.memory_space<hbm>>
        tpu.enqueue_indirect_dma source(%dma_start3A_394 : memref<10000x64xf32, #tpu.memory_space<hbm>>) target(%dma_start3A_388 : memref<50x64xf32, #tpu.memory_space<vmem>>) offsets(%dma_start3A_391 : memref<50xi32, #tpu.memory_space<vmem>>) semaphore(%arg19 : memref<!tpu.dma_semaphore, #tpu.memory_space<semaphore_mem>>)
        %dma_start3A_395 = arith.constant 3 : i32
        %dma_start3A_396 = arith.constant 150 : i32
        %dma_start3A_397 = arith.constant 0 : i32
        %dma_start3A_398 = tpu.memref_slice %arg15[%dma_start3A_396, %dma_start3A_397] : memref<200x64xf32, #tpu.memory_space<vmem>> -> memref<50x64xf32, #tpu.memory_space<vmem>>
        %dma_start3A_399 = arith.constant 0 : i32
        %dma_start3A_400 = tpu.memref_slice %arg11[%dma_start3A_395, %dma_start3A_399] : memref<4x50xi32, #tpu.memory_space<vmem>> -> memref<1x50xi32, #tpu.memory_space<vmem>>
        %dma_start3A_401 = tpu.memref_squeeze %dma_start3A_400 : memref<1x50xi32, #tpu.memory_space<vmem>> -> memref<50xi32, #tpu.memory_space<vmem>>
        %dma_start3A_402 = arith.constant 0 : i32
        %dma_start3A_403 = arith.constant 0 : i32
        %dma_start3A_404 = tpu.memref_slice %arg4[%dma_start3A_402, %dma_start3A_403] : memref<10000x64xf32, #tpu.memory_space<hbm>> -> memref<10000x64xf32, #tpu.memory_space<hbm>>
        tpu.enqueue_indirect_dma source(%dma_start3A_404 : memref<10000x64xf32, #tpu.memory_space<hbm>>) target(%dma_start3A_398 : memref<50x64xf32, #tpu.memory_space<vmem>>) offsets(%dma_start3A_401 : memref<50xi32, #tpu.memory_space<vmem>>) semaphore(%arg19 : memref<!tpu.dma_semaphore, #tpu.memory_space<semaphore_mem>>)
      } else {
      }
      %scan3A_211 = arith.constant 0 : i32
      %scan3A_212 = arith.constant 200 : i32
      %scan3A_213 = arith.addi %scan3A_211, %scan3A_212 : i32
      %scan3A_214 = arith.constant 1 : i32
      scf.for %scan3A_317 = %scan3A_211 to %scan3A_213 step %scan3A_214  : i32 {
        %mul3A_318 = arith.constant 1 : i32
        %mul3A_319 = arith.muli %scan3A_317, %mul3A_318 : i32
        %add3A_320 = arith.constant 0 : i32
        %add3A_321 = arith.addi %add3A_320, %mul3A_319 : i32
        %get3A_322 = arith.index_cast %add3A_321 : i32 to index
        %get3A_323 = arith.constant 0 : index
        %get3A_324 = tpu.vector_load %arg12[%get3A_322, %get3A_323] {strides = array<i32>} : memref<200x64xf32, #tpu.memory_space<vmem>>, vector<16xf32>,
        %get3A_325 = arith.index_cast %add3A_321 : i32 to index
        %get3A_326 = arith.constant 16 : index
        %get3A_327 = tpu.vector_load %arg12[%get3A_325, %get3A_326] {strides = array<i32>} : memref<200x64xf32, #tpu.memory_space<vmem>>, vector<16xf32>,
        %get3A_328 = arith.index_cast %add3A_321 : i32 to index
        %get3A_329 = arith.constant 32 : index
        %get3A_330 = tpu.vector_load %arg12[%get3A_328, %get3A_329] {strides = array<i32>} : memref<200x64xf32, #tpu.memory_space<vmem>>, vector<16xf32>,
        %get3A_331 = arith.index_cast %add3A_321 : i32 to index
        %get3A_332 = arith.constant 48 : index
        %get3A_333 = tpu.vector_load %arg12[%get3A_331, %get3A_332] {strides = array<i32>} : memref<200x64xf32, #tpu.memory_space<vmem>>, vector<16xf32>,
        %get3A_334 = arith.index_cast %add3A_321 : i32 to index
        %get3A_335 = arith.constant 0 : index
        %get3A_336 = tpu.vector_load %arg13[%get3A_334, %get3A_335] {strides = array<i32>} : memref<200x64xf32, #tpu.memory_space<vmem>>, vector<16xf32>,
        %add3A_337 = arith.addf %get3A_324, %get3A_336 : vector<16xf32>
        %get3A_338 = arith.index_cast %add3A_321 : i32 to index
        %get3A_339 = arith.constant 16 : index
        %get3A_340 = tpu.vector_load %arg13[%get3A_338, %get3A_339] {strides = array<i32>} : memref<200x64xf32, #tpu.memory_space<vmem>>, vector<16xf32>,
        %add3A_341 = arith.addf %get3A_327, %get3A_340 : vector<16xf32>
        %get3A_342 = arith.index_cast %add3A_321 : i32 to index
        %get3A_343 = arith.constant 32 : index
        %get3A_344 = tpu.vector_load %arg13[%get3A_342, %get3A_343] {strides = array<i32>} : memref<200x64xf32, #tpu.memory_space<vmem>>, vector<16xf32>,
        %add3A_345 = arith.addf %get3A_330, %get3A_344 : vector<16xf32>
        %get3A_346 = arith.index_cast %add3A_321 : i32 to index
        %get3A_347 = arith.constant 48 : index
        %get3A_348 = tpu.vector_load %arg13[%get3A_346, %get3A_347] {strides = array<i32>} : memref<200x64xf32, #tpu.memory_space<vmem>>, vector<16xf32>,
        %add3A_349 = arith.addf %get3A_333, %get3A_348 : vector<16xf32>
        %mul3A_350 = arith.constant 2.000000e-01 : f32
        %mul3A_351 = vector.broadcast %mul3A_350 : f32 to vector<16xf32>
        %mul3A_352 = arith.mulf %add3A_337, %mul3A_351 : vector<16xf32>
        %max3A = arith.maximumf %add3A_337, %mul3A_352 : vector<16xf32>
        %mul3A_353 = arith.constant 2.000000e-01 : f32
        %mul3A_354 = vector.broadcast %mul3A_353 : f32 to vector<16xf32>
        %mul3A_355 = arith.mulf %add3A_341, %mul3A_354 : vector<16xf32>
        %max3A_356 = arith.maximumf %add3A_341, %mul3A_355 : vector<16xf32>
        %mul3A_357 = arith.constant 2.000000e-01 : f32
        %mul3A_358 = vector.broadcast %mul3A_357 : f32 to vector<16xf32>
        %mul3A_359 = arith.mulf %add3A_345, %mul3A_358 : vector<16xf32>
        %max3A_360 = arith.maximumf %add3A_345, %mul3A_359 : vector<16xf32>
        %mul3A_361 = arith.constant 2.000000e-01 : f32
        %mul3A_362 = vector.broadcast %mul3A_361 : f32 to vector<16xf32>
        %mul3A_363 = arith.mulf %add3A_349, %mul3A_362 : vector<16xf32>
        %max3A_364 = arith.maximumf %add3A_349, %mul3A_363 : vector<16xf32>
        %mul3A_365 = arith.mulf %max3A, %get3A_9 : vector<16xf32>
        %mul3A_366 = arith.mulf %max3A_356, %get3A_11 : vector<16xf32>
        %add3A_367 = arith.addf %mul3A_365, %mul3A_366 : vector<16xf32>
        %mul3A_368 = arith.mulf %max3A_360, %get3A_13 : vector<16xf32>
        %mul3A_369 = arith.mulf %max3A_364, %get3A_15 : vector<16xf32>
        %add3A_370 = arith.addf %mul3A_368, %mul3A_369 : vector<16xf32>
        %reduce_sum3A = arith.constant true
        %reduce_sum3A_371 = vector.broadcast %reduce_sum3A : i1 to vector<16xi1>
        %reduce_sum3A_372 = tpu.scan <sum>, %add3A_367 masked %reduce_sum3A_371 : vector<16xf32>, vector<16xi1> -> vector<16xf32>
        %reduce_sum3A_373 = vector.extract %reduce_sum3A_372[15] : f32 from vector<16xf32>
        %broadcast_in_dim3A = vector.broadcast %reduce_sum3A_373 : f32 to vector<16xf32>
        %exp3A = math.exp %broadcast_in_dim3A : vector<16xf32>
        %reduce_sum3A_374 = arith.constant true
        %reduce_sum3A_375 = vector.broadcast %reduce_sum3A_374 : i1 to vector<16xi1>
        %reduce_sum3A_376 = tpu.scan <sum>, %add3A_370 masked %reduce_sum3A_375 : vector<16xf32>, vector<16xi1> -> vector<16xf32>
        %reduce_sum3A_377 = vector.extract %reduce_sum3A_376[15] : f32 from vector<16xf32>
        %broadcast_in_dim3A_378 = vector.broadcast %reduce_sum3A_377 : f32 to vector<16xf32>
        %exp3A_379 = math.exp %broadcast_in_dim3A_378 : vector<16xf32>
        %mul3A_380 = arith.mulf %get3A_324, %exp3A : vector<16xf32>
        %swap3A = arith.index_cast %add3A_321 : i32 to index
        %swap3A_381 = arith.constant 0 : index
        %swap3A_382 = tpu.vector_load %arg16[%swap3A, %swap3A_381] {strides = array<i32>} : memref<200x80xf32, #tpu.memory_space<vmem>>, vector<16xf32>,
        tpu.vector_store %arg16[%swap3A, %swap3A_381], %mul3A_380 {strides = array<i32>} : memref<200x80xf32, #tpu.memory_space<vmem>>, vector<16xf32>,
        %mul3A_383 = arith.mulf %get3A_327, %exp3A : vector<16xf32>
        %swap3A_384 = arith.index_cast %add3A_321 : i32 to index
        %swap3A_385 = arith.constant 16 : index
        %swap3A_386 = tpu.vector_load %arg16[%swap3A_384, %swap3A_385] {strides = array<i32>} : memref<200x80xf32, #tpu.memory_space<vmem>>, vector<16xf32>,
        tpu.vector_store %arg16[%swap3A_384, %swap3A_385], %mul3A_383 {strides = array<i32>} : memref<200x80xf32, #tpu.memory_space<vmem>>, vector<16xf32>,
        %mul3A_387 = arith.mulf %get3A_330, %exp3A_379 : vector<16xf32>
        %swap3A_388 = arith.index_cast %add3A_321 : i32 to index
        %swap3A_389 = arith.constant 32 : index
        %swap3A_390 = tpu.vector_load %arg16[%swap3A_388, %swap3A_389] {strides = array<i32>} : memref<200x80xf32, #tpu.memory_space<vmem>>, vector<16xf32>,
        tpu.vector_store %arg16[%swap3A_388, %swap3A_389], %mul3A_387 {strides = array<i32>} : memref<200x80xf32, #tpu.memory_space<vmem>>, vector<16xf32>,
        %mul3A_391 = arith.mulf %get3A_333, %exp3A_379 : vector<16xf32>
        %swap3A_392 = arith.index_cast %add3A_321 : i32 to index
        %swap3A_393 = arith.constant 48 : index
        %swap3A_394 = tpu.vector_load %arg16[%swap3A_392, %swap3A_393] {strides = array<i32>} : memref<200x80xf32, #tpu.memory_space<vmem>>, vector<16xf32>,
        tpu.vector_store %arg16[%swap3A_392, %swap3A_393], %mul3A_391 {strides = array<i32>} : memref<200x80xf32, #tpu.memory_space<vmem>>, vector<16xf32>,
        %eq3A_395 = arith.constant 0 : i32
        %eq3A_396 = vector.broadcast %eq3A_395 : i32 to vector<16xi32>
        %eq3A_397 = arith.cmpi eq, %iota3A, %eq3A_396 : vector<16xi32>
        %eq3A_398 = arith.constant 1 : i32
        %eq3A_399 = vector.broadcast %eq3A_398 : i32 to vector<16xi32>
        %eq3A_400 = arith.cmpi eq, %iota3A, %eq3A_399 : vector<16xi32>
        %jit3A = arith.constant 0.000000e+00 : f32
        %broadcast_in_dim3A_401 = vector.broadcast %jit3A : f32 to vector<16xf32>
        %select_n3A = arith.select %eq3A_400, %exp3A_379, %broadcast_in_dim3A_401 : vector<16xi1>, vector<16xf32>
        %select_n3A_402 = arith.select %eq3A_397, %exp3A, %select_n3A : vector<16xi1>, vector<16xf32>
        %swap3A_403 = arith.index_cast %add3A_321 : i32 to index
        %swap3A_404 = arith.constant 64 : index
        %swap3A_405 = tpu.vector_load %arg16[%swap3A_403, %swap3A_404] {strides = array<i32>} : memref<200x80xf32, #tpu.memory_space<vmem>>, vector<16xf32>,
        tpu.vector_store %arg16[%swap3A_403, %swap3A_404], %select_n3A_402 {strides = array<i32>} : memref<200x80xf32, #tpu.memory_space<vmem>>, vector<16xf32>,
      }
      %scan3A_215 = arith.constant 200 : i32
      %run_scoped3A = arith.constant 0 : i32
      "tpu.region"() ({
        %run_scoped3A_317 = tpu.sem_alloc : memref<!tpu.dma_semaphore, #tpu.memory_space<semaphore_mem>>
        %dma_start3A_318 = arith.constant 0 : i32
        %dma_start3A_319 = arith.constant 0 : i32
        %dma_start3A_320 = tpu.memref_slice %arg16[%dma_start3A_318, %dma_start3A_319] : memref<200x80xf32, #tpu.memory_space<vmem>> -> memref<50x80xf32, #tpu.memory_space<vmem>>
        %dma_start3A_321 = arith.constant 0 : i32
        %dma_start3A_322 = tpu.memref_slice %arg9[%run_scoped3A, %dma_start3A_321] : memref<4x50xi32, #tpu.memory_space<vmem>> -> memref<1x50xi32, #tpu.memory_space<vmem>>
        %dma_start3A_323 = tpu.memref_squeeze %dma_start3A_322 : memref<1x50xi32, #tpu.memory_space<vmem>> -> memref<50xi32, #tpu.memory_space<vmem>>
        %dma_start3A_324 = arith.constant 0 : i32
        %dma_start3A_325 = arith.constant 0 : i32
        %dma_start3A_326 = tpu.memref_slice %arg18[%dma_start3A_324, %dma_start3A_325] : memref<10000x80xf32, #tpu.memory_space<vmem_shared>> -> memref<10000x80xf32, #tpu.memory_space<vmem_shared>>
        tpu.enqueue_indirect_dma source(%dma_start3A_320 : memref<50x80xf32, #tpu.memory_space<vmem>>) target(%dma_start3A_326 : memref<10000x80xf32, #tpu.memory_space<vmem_shared>>) offsets(%dma_start3A_323 : memref<50xi32, #tpu.memory_space<vmem>>) semaphore(%run_scoped3A_317 : memref<!tpu.dma_semaphore, #tpu.memory_space<semaphore_mem>>) {add = true}
        %dma_wait3A_327 = arith.constant 0 : i32
        %dma_wait3A_328 = arith.constant 0 : i32
        %dma_wait3A_329 = tpu.memref_slice %arg16[%dma_wait3A_327, %dma_wait3A_328] : memref<200x80xf32, #tpu.memory_space<vmem>> -> memref<50x80xf32, #tpu.memory_space<vmem>>
        %dma_wait3A_330 = arith.constant 0 : i32
        %dma_wait3A_331 = tpu.memref_slice %arg9[%run_scoped3A, %dma_wait3A_330] : memref<4x50xi32, #tpu.memory_space<vmem>> -> memref<1x50xi32, #tpu.memory_space<vmem>>
        %dma_wait3A_332 = tpu.memref_squeeze %dma_wait3A_331 : memref<1x50xi32, #tpu.memory_space<vmem>> -> memref<50xi32, #tpu.memory_space<vmem>>
        %dma_wait3A_333 = arith.constant 0 : i32
        %dma_wait3A_334 = arith.constant 0 : i32
        %dma_wait3A_335 = tpu.memref_slice %arg18[%dma_wait3A_333, %dma_wait3A_334] : memref<10000x80xf32, #tpu.memory_space<vmem_shared>> -> memref<10000x80xf32, #tpu.memory_space<vmem_shared>>
        tpu.wait_indirect_dma semaphore(%run_scoped3A_317 : memref<!tpu.dma_semaphore, #tpu.memory_space<semaphore_mem>>) src(%dma_wait3A_329 : memref<50x80xf32, #tpu.memory_space<vmem>>) dst(%dma_wait3A_335 : memref<10000x80xf32, #tpu.memory_space<vmem_shared>>)
        tpu.yield
      }) : () -> ()
      %run_scoped3A_216 = arith.constant 1 : i32
      "tpu.region"() ({
        %run_scoped3A_317 = tpu.sem_alloc : memref<!tpu.dma_semaphore, #tpu.memory_space<semaphore_mem>>
        %dma_start3A_318 = arith.constant 50 : i32
        %dma_start3A_319 = arith.constant 0 : i32
        %dma_start3A_320 = tpu.memref_slice %arg16[%dma_start3A_318, %dma_start3A_319] : memref<200x80xf32, #tpu.memory_space<vmem>> -> memref<50x80xf32, #tpu.memory_space<vmem>>
        %dma_start3A_321 = arith.constant 0 : i32
        %dma_start3A_322 = tpu.memref_slice %arg9[%run_scoped3A_216, %dma_start3A_321] : memref<4x50xi32, #tpu.memory_space<vmem>> -> memref<1x50xi32, #tpu.memory_space<vmem>>
        %dma_start3A_323 = tpu.memref_squeeze %dma_start3A_322 : memref<1x50xi32, #tpu.memory_space<vmem>> -> memref<50xi32, #tpu.memory_space<vmem>>
        %dma_start3A_324 = arith.constant 0 : i32
        %dma_start3A_325 = arith.constant 0 : i32
        %dma_start3A_326 = tpu.memref_slice %arg18[%dma_start3A_324, %dma_start3A_325] : memref<10000x80xf32, #tpu.memory_space<vmem_shared>> -> memref<10000x80xf32, #tpu.memory_space<vmem_shared>>
        tpu.enqueue_indirect_dma source(%dma_start3A_320 : memref<50x80xf32, #tpu.memory_space<vmem>>) target(%dma_start3A_326 : memref<10000x80xf32, #tpu.memory_space<vmem_shared>>) offsets(%dma_start3A_323 : memref<50xi32, #tpu.memory_space<vmem>>) semaphore(%run_scoped3A_317 : memref<!tpu.dma_semaphore, #tpu.memory_space<semaphore_mem>>) {add = true}
        %dma_wait3A_327 = arith.constant 50 : i32
        %dma_wait3A_328 = arith.constant 0 : i32
        %dma_wait3A_329 = tpu.memref_slice %arg16[%dma_wait3A_327, %dma_wait3A_328] : memref<200x80xf32, #tpu.memory_space<vmem>> -> memref<50x80xf32, #tpu.memory_space<vmem>>
        %dma_wait3A_330 = arith.constant 0 : i32
        %dma_wait3A_331 = tpu.memref_slice %arg9[%run_scoped3A_216, %dma_wait3A_330] : memref<4x50xi32, #tpu.memory_space<vmem>> -> memref<1x50xi32, #tpu.memory_space<vmem>>
        %dma_wait3A_332 = tpu.memref_squeeze %dma_wait3A_331 : memref<1x50xi32, #tpu.memory_space<vmem>> -> memref<50xi32, #tpu.memory_space<vmem>>
        %dma_wait3A_333 = arith.constant 0 : i32
        %dma_wait3A_334 = arith.constant 0 : i32
        %dma_wait3A_335 = tpu.memref_slice %arg18[%dma_wait3A_333, %dma_wait3A_334] : memref<10000x80xf32, #tpu.memory_space<vmem_shared>> -> memref<10000x80xf32, #tpu.memory_space<vmem_shared>>
        tpu.wait_indirect_dma semaphore(%run_scoped3A_317 : memref<!tpu.dma_semaphore, #tpu.memory_space<semaphore_mem>>) src(%dma_wait3A_329 : memref<50x80xf32, #tpu.memory_space<vmem>>) dst(%dma_wait3A_335 : memref<10000x80xf32, #tpu.memory_space<vmem_shared>>)
        tpu.yield
      }) : () -> ()
      %run_scoped3A_217 = arith.constant 2 : i32
      "tpu.region"() ({
        %run_scoped3A_317 = tpu.sem_alloc : memref<!tpu.dma_semaphore, #tpu.memory_space<semaphore_mem>>
        %dma_start3A_318 = arith.constant 100 : i32
        %dma_start3A_319 = arith.constant 0 : i32
        %dma_start3A_320 = tpu.memref_slice %arg16[%dma_start3A_318, %dma_start3A_319] : memref<200x80xf32, #tpu.memory_space<vmem>> -> memref<50x80xf32, #tpu.memory_space<vmem>>
        %dma_start3A_321 = arith.constant 0 : i32
        %dma_start3A_322 = tpu.memref_slice %arg9[%run_scoped3A_217, %dma_start3A_321] : memref<4x50xi32, #tpu.memory_space<vmem>> -> memref<1x50xi32, #tpu.memory_space<vmem>>
        %dma_start3A_323 = tpu.memref_squeeze %dma_start3A_322 : memref<1x50xi32, #tpu.memory_space<vmem>> -> memref<50xi32, #tpu.memory_space<vmem>>
        %dma_start3A_324 = arith.constant 0 : i32
        %dma_start3A_325 = arith.constant 0 : i32
        %dma_start3A_326 = tpu.memref_slice %arg18[%dma_start3A_324, %dma_start3A_325] : memref<10000x80xf32, #tpu.memory_space<vmem_shared>> -> memref<10000x80xf32, #tpu.memory_space<vmem_shared>>
        tpu.enqueue_indirect_dma source(%dma_start3A_320 : memref<50x80xf32, #tpu.memory_space<vmem>>) target(%dma_start3A_326 : memref<10000x80xf32, #tpu.memory_space<vmem_shared>>) offsets(%dma_start3A_323 : memref<50xi32, #tpu.memory_space<vmem>>) semaphore(%run_scoped3A_317 : memref<!tpu.dma_semaphore, #tpu.memory_space<semaphore_mem>>) {add = true}
        %dma_wait3A_327 = arith.constant 100 : i32
        %dma_wait3A_328 = arith.constant 0 : i32
        %dma_wait3A_329 = tpu.memref_slice %arg16[%dma_wait3A_327, %dma_wait3A_328] : memref<200x80xf32, #tpu.memory_space<vmem>> -> memref<50x80xf32, #tpu.memory_space<vmem>>
        %dma_wait3A_330 = arith.constant 0 : i32
        %dma_wait3A_331 = tpu.memref_slice %arg9[%run_scoped3A_217, %dma_wait3A_330] : memref<4x50xi32, #tpu.memory_space<vmem>> -> memref<1x50xi32, #tpu.memory_space<vmem>>
        %dma_wait3A_332 = tpu.memref_squeeze %dma_wait3A_331 : memref<1x50xi32, #tpu.memory_space<vmem>> -> memref<50xi32, #tpu.memory_space<vmem>>
        %dma_wait3A_333 = arith.constant 0 : i32
        %dma_wait3A_334 = arith.constant 0 : i32
        %dma_wait3A_335 = tpu.memref_slice %arg18[%dma_wait3A_333, %dma_wait3A_334] : memref<10000x80xf32, #tpu.memory_space<vmem_shared>> -> memref<10000x80xf32, #tpu.memory_space<vmem_shared>>
        tpu.wait_indirect_dma semaphore(%run_scoped3A_317 : memref<!tpu.dma_semaphore, #tpu.memory_space<semaphore_mem>>) src(%dma_wait3A_329 : memref<50x80xf32, #tpu.memory_space<vmem>>) dst(%dma_wait3A_335 : memref<10000x80xf32, #tpu.memory_space<vmem_shared>>)
        tpu.yield
      }) : () -> ()
      %run_scoped3A_218 = arith.constant 3 : i32
      "tpu.region"() ({
        %run_scoped3A_317 = tpu.sem_alloc : memref<!tpu.dma_semaphore, #tpu.memory_space<semaphore_mem>>
        %dma_start3A_318 = arith.constant 150 : i32
        %dma_start3A_319 = arith.constant 0 : i32
        %dma_start3A_320 = tpu.memref_slice %arg16[%dma_start3A_318, %dma_start3A_319] : memref<200x80xf32, #tpu.memory_space<vmem>> -> memref<50x80xf32, #tpu.memory_space<vmem>>
        %dma_start3A_321 = arith.constant 0 : i32
        %dma_start3A_322 = tpu.memref_slice %arg9[%run_scoped3A_218, %dma_start3A_321] : memref<4x50xi32, #tpu.memory_space<vmem>> -> memref<1x50xi32, #tpu.memory_space<vmem>>
        %dma_start3A_323 = tpu.memref_squeeze %dma_start3A_322 : memref<1x50xi32, #tpu.memory_space<vmem>> -> memref<50xi32, #tpu.memory_space<vmem>>
        %dma_start3A_324 = arith.constant 0 : i32
        %dma_start3A_325 = arith.constant 0 : i32
        %dma_start3A_326 = tpu.memref_slice %arg18[%dma_start3A_324, %dma_start3A_325] : memref<10000x80xf32, #tpu.memory_space<vmem_shared>> -> memref<10000x80xf32, #tpu.memory_space<vmem_shared>>
        tpu.enqueue_indirect_dma source(%dma_start3A_320 : memref<50x80xf32, #tpu.memory_space<vmem>>) target(%dma_start3A_326 : memref<10000x80xf32, #tpu.memory_space<vmem_shared>>) offsets(%dma_start3A_323 : memref<50xi32, #tpu.memory_space<vmem>>) semaphore(%run_scoped3A_317 : memref<!tpu.dma_semaphore, #tpu.memory_space<semaphore_mem>>) {add = true}
        %dma_wait3A_327 = arith.constant 150 : i32
        %dma_wait3A_328 = arith.constant 0 : i32
        %dma_wait3A_329 = tpu.memref_slice %arg16[%dma_wait3A_327, %dma_wait3A_328] : memref<200x80xf32, #tpu.memory_space<vmem>> -> memref<50x80xf32, #tpu.memory_space<vmem>>
        %dma_wait3A_330 = arith.constant 0 : i32
        %dma_wait3A_331 = tpu.memref_slice %arg9[%run_scoped3A_218, %dma_wait3A_330] : memref<4x50xi32, #tpu.memory_space<vmem>> -> memref<1x50xi32, #tpu.memory_space<vmem>>
        %dma_wait3A_332 = tpu.memref_squeeze %dma_wait3A_331 : memref<1x50xi32, #tpu.memory_space<vmem>> -> memref<50xi32, #tpu.memory_space<vmem>>
        %dma_wait3A_333 = arith.constant 0 : i32
        %dma_wait3A_334 = arith.constant 0 : i32
        %dma_wait3A_335 = tpu.memref_slice %arg18[%dma_wait3A_333, %dma_wait3A_334] : memref<10000x80xf32, #tpu.memory_space<vmem_shared>> -> memref<10000x80xf32, #tpu.memory_space<vmem_shared>>
        tpu.wait_indirect_dma semaphore(%run_scoped3A_317 : memref<!tpu.dma_semaphore, #tpu.memory_space<semaphore_mem>>) src(%dma_wait3A_329 : memref<50x80xf32, #tpu.memory_space<vmem>>) dst(%dma_wait3A_335 : memref<10000x80xf32, #tpu.memory_space<vmem_shared>>)
        tpu.yield
      }) : () -> ()
      %add3A_219 = arith.constant 1 : i32
      %add3A_220 = arith.addi %add3A_122, %add3A_219 : i32
      %dma_wait3A_221 = arith.constant 0 : i32
      %dma_wait3A_222 = arith.constant 0 : i32
      %dma_wait3A_223 = arith.constant 0 : i32
      %dma_wait3A_224 = tpu.memref_slice %arg14[%dma_wait3A_222, %dma_wait3A_223] : memref<200x64xf32, #tpu.memory_space<vmem>> -> memref<50x64xf32, #tpu.memory_space<vmem>>
      %dma_wait3A_225 = arith.constant 0 : i32
      %dma_wait3A_226 = tpu.memref_slice %arg10[%dma_wait3A_221, %dma_wait3A_225] : memref<4x50xi32, #tpu.memory_space<vmem>> -> memref<1x50xi32, #tpu.memory_space<vmem>>
      %dma_wait3A_227 = tpu.memref_squeeze %dma_wait3A_226 : memref<1x50xi32, #tpu.memory_space<vmem>> -> memref<50xi32, #tpu.memory_space<vmem>>
      %dma_wait3A_228 = arith.constant 0 : i32
      %dma_wait3A_229 = arith.constant 0 : i32
      %dma_wait3A_230 = tpu.memref_slice %arg4[%dma_wait3A_228, %dma_wait3A_229] : memref<10000x64xf32, #tpu.memory_space<hbm>> -> memref<10000x64xf32, #tpu.memory_space<hbm>>
      tpu.wait_indirect_dma semaphore(%arg19 : memref<!tpu.dma_semaphore, #tpu.memory_space<semaphore_mem>>) src(%dma_wait3A_230 : memref<10000x64xf32, #tpu.memory_space<hbm>>) dst(%dma_wait3A_224 : memref<50x64xf32, #tpu.memory_space<vmem>>)
      %dma_wait3A_231 = arith.constant 0 : i32
      %dma_wait3A_232 = arith.constant 0 : i32
      %dma_wait3A_233 = arith.constant 0 : i32
      %dma_wait3A_234 = tpu.memref_slice %arg15[%dma_wait3A_232, %dma_wait3A_233] : memref<200x64xf32, #tpu.memory_space<vmem>> -> memref<50x64xf32, #tpu.memory_space<vmem>>
      %dma_wait3A_235 = arith.constant 0 : i32
      %dma_wait3A_236 = tpu.memref_slice %arg11[%dma_wait3A_231, %dma_wait3A_235] : memref<4x50xi32, #tpu.memory_space<vmem>> -> memref<1x50xi32, #tpu.memory_space<vmem>>
      %dma_wait3A_237 = tpu.memref_squeeze %dma_wait3A_236 : memref<1x50xi32, #tpu.memory_space<vmem>> -> memref<50xi32, #tpu.memory_space<vmem>>
      %dma_wait3A_238 = arith.constant 0 : i32
      %dma_wait3A_239 = arith.constant 0 : i32
      %dma_wait3A_240 = tpu.memref_slice %arg4[%dma_wait3A_238, %dma_wait3A_239] : memref<10000x64xf32, #tpu.memory_space<hbm>> -> memref<10000x64xf32, #tpu.memory_space<hbm>>
      tpu.wait_indirect_dma semaphore(%arg19 : memref<!tpu.dma_semaphore, #tpu.memory_space<semaphore_mem>>) src(%dma_wait3A_240 : memref<10000x64xf32, #tpu.memory_space<hbm>>) dst(%dma_wait3A_234 : memref<50x64xf32, #tpu.memory_space<vmem>>)
      %dma_wait3A_241 = arith.constant 1 : i32
      %dma_wait3A_242 = arith.constant 50 : i32
      %dma_wait3A_243 = arith.constant 0 : i32
      %dma_wait3A_244 = tpu.memref_slice %arg14[%dma_wait3A_242, %dma_wait3A_243] : memref<200x64xf32, #tpu.memory_space<vmem>> -> memref<50x64xf32, #tpu.memory_space<vmem>>
      %dma_wait3A_245 = arith.constant 0 : i32
      %dma_wait3A_246 = tpu.memref_slice %arg10[%dma_wait3A_241, %dma_wait3A_245] : memref<4x50xi32, #tpu.memory_space<vmem>> -> memref<1x50xi32, #tpu.memory_space<vmem>>
      %dma_wait3A_247 = tpu.memref_squeeze %dma_wait3A_246 : memref<1x50xi32, #tpu.memory_space<vmem>> -> memref<50xi32, #tpu.memory_space<vmem>>
      %dma_wait3A_248 = arith.constant 0 : i32
      %dma_wait3A_249 = arith.constant 0 : i32
      %dma_wait3A_250 = tpu.memref_slice %arg4[%dma_wait3A_248, %dma_wait3A_249] : memref<10000x64xf32, #tpu.memory_space<hbm>> -> memref<10000x64xf32, #tpu.memory_space<hbm>>
      tpu.wait_indirect_dma semaphore(%arg19 : memref<!tpu.dma_semaphore, #tpu.memory_space<semaphore_mem>>) src(%dma_wait3A_250 : memref<10000x64xf32, #tpu.memory_space<hbm>>) dst(%dma_wait3A_244 : memref<50x64xf32, #tpu.memory_space<vmem>>)
      %dma_wait3A_251 = arith.constant 1 : i32
      %dma_wait3A_252 = arith.constant 50 : i32
      %dma_wait3A_253 = arith.constant 0 : i32
      %dma_wait3A_254 = tpu.memref_slice %arg15[%dma_wait3A_252, %dma_wait3A_253] : memref<200x64xf32, #tpu.memory_space<vmem>> -> memref<50x64xf32, #tpu.memory_space<vmem>>
      %dma_wait3A_255 = arith.constant 0 : i32
      %dma_wait3A_256 = tpu.memref_slice %arg11[%dma_wait3A_251, %dma_wait3A_255] : memref<4x50xi32, #tpu.memory_space<vmem>> -> memref<1x50xi32, #tpu.memory_space<vmem>>
      %dma_wait3A_257 = tpu.memref_squeeze %dma_wait3A_256 : memref<1x50xi32, #tpu.memory_space<vmem>> -> memref<50xi32, #tpu.memory_space<vmem>>
      %dma_wait3A_258 = arith.constant 0 : i32
      %dma_wait3A_259 = arith.constant 0 : i32
      %dma_wait3A_260 = tpu.memref_slice %arg4[%dma_wait3A_258, %dma_wait3A_259] : memref<10000x64xf32, #tpu.memory_space<hbm>> -> memref<10000x64xf32, #tpu.memory_space<hbm>>
      tpu.wait_indirect_dma semaphore(%arg19 : memref<!tpu.dma_semaphore, #tpu.memory_space<semaphore_mem>>) src(%dma_wait3A_260 : memref<10000x64xf32, #tpu.memory_space<hbm>>) dst(%dma_wait3A_254 : memref<50x64xf32, #tpu.memory_space<vmem>>)
      %dma_wait3A_261 = arith.constant 2 : i32
      %dma_wait3A_262 = arith.constant 100 : i32
      %dma_wait3A_263 = arith.constant 0 : i32
      %dma_wait3A_264 = tpu.memref_slice %arg14[%dma_wait3A_262, %dma_wait3A_263] : memref<200x64xf32, #tpu.memory_space<vmem>> -> memref<50x64xf32, #tpu.memory_space<vmem>>
      %dma_wait3A_265 = arith.constant 0 : i32
      %dma_wait3A_266 = tpu.memref_slice %arg10[%dma_wait3A_261, %dma_wait3A_265] : memref<4x50xi32, #tpu.memory_space<vmem>> -> memref<1x50xi32, #tpu.memory_space<vmem>>
      %dma_wait3A_267 = tpu.memref_squeeze %dma_wait3A_266 : memref<1x50xi32, #tpu.memory_space<vmem>> -> memref<50xi32, #tpu.memory_space<vmem>>
      %dma_wait3A_268 = arith.constant 0 : i32
      %dma_wait3A_269 = arith.constant 0 : i32
      %dma_wait3A_270 = tpu.memref_slice %arg4[%dma_wait3A_268, %dma_wait3A_269] : memref<10000x64xf32, #tpu.memory_space<hbm>> -> memref<10000x64xf32, #tpu.memory_space<hbm>>
      tpu.wait_indirect_dma semaphore(%arg19 : memref<!tpu.dma_semaphore, #tpu.memory_space<semaphore_mem>>) src(%dma_wait3A_270 : memref<10000x64xf32, #tpu.memory_space<hbm>>) dst(%dma_wait3A_264 : memref<50x64xf32, #tpu.memory_space<vmem>>)
      %dma_wait3A_271 = arith.constant 2 : i32
      %dma_wait3A_272 = arith.constant 100 : i32
      %dma_wait3A_273 = arith.constant 0 : i32
      %dma_wait3A_274 = tpu.memref_slice %arg15[%dma_wait3A_272, %dma_wait3A_273] : memref<200x64xf32, #tpu.memory_space<vmem>> -> memref<50x64xf32, #tpu.memory_space<vmem>>
      %dma_wait3A_275 = arith.constant 0 : i32
      %dma_wait3A_276 = tpu.memref_slice %arg11[%dma_wait3A_271, %dma_wait3A_275] : memref<4x50xi32, #tpu.memory_space<vmem>> -> memref<1x50xi32, #tpu.memory_space<vmem>>
      %dma_wait3A_277 = tpu.memref_squeeze %dma_wait3A_276 : memref<1x50xi32, #tpu.memory_space<vmem>> -> memref<50xi32, #tpu.memory_space<vmem>>
      %dma_wait3A_278 = arith.constant 0 : i32
      %dma_wait3A_279 = arith.constant 0 : i32
      %dma_wait3A_280 = tpu.memref_slice %arg4[%dma_wait3A_278, %dma_wait3A_279] : memref<10000x64xf32, #tpu.memory_space<hbm>> -> memref<10000x64xf32, #tpu.memory_space<hbm>>
      tpu.wait_indirect_dma semaphore(%arg19 : memref<!tpu.dma_semaphore, #tpu.memory_space<semaphore_mem>>) src(%dma_wait3A_280 : memref<10000x64xf32, #tpu.memory_space<hbm>>) dst(%dma_wait3A_274 : memref<50x64xf32, #tpu.memory_space<vmem>>)
      %dma_wait3A_281 = arith.constant 3 : i32
      %dma_wait3A_282 = arith.constant 150 : i32
      %dma_wait3A_283 = arith.constant 0 : i32
      %dma_wait3A_284 = tpu.memref_slice %arg14[%dma_wait3A_282, %dma_wait3A_283] : memref<200x64xf32, #tpu.memory_space<vmem>> -> memref<50x64xf32, #tpu.memory_space<vmem>>
      %dma_wait3A_285 = arith.constant 0 : i32
      %dma_wait3A_286 = tpu.memref_slice %arg10[%dma_wait3A_281, %dma_wait3A_285] : memref<4x50xi32, #tpu.memory_space<vmem>> -> memref<1x50xi32, #tpu.memory_space<vmem>>
      %dma_wait3A_287 = tpu.memref_squeeze %dma_wait3A_286 : memref<1x50xi32, #tpu.memory_space<vmem>> -> memref<50xi32, #tpu.memory_space<vmem>>
      %dma_wait3A_288 = arith.constant 0 : i32
      %dma_wait3A_289 = arith.constant 0 : i32
      %dma_wait3A_290 = tpu.memref_slice %arg4[%dma_wait3A_288, %dma_wait3A_289] : memref<10000x64xf32, #tpu.memory_space<hbm>> -> memref<10000x64xf32, #tpu.memory_space<hbm>>
      tpu.wait_indirect_dma semaphore(%arg19 : memref<!tpu.dma_semaphore, #tpu.memory_space<semaphore_mem>>) src(%dma_wait3A_290 : memref<10000x64xf32, #tpu.memory_space<hbm>>) dst(%dma_wait3A_284 : memref<50x64xf32, #tpu.memory_space<vmem>>)
      %dma_wait3A_291 = arith.constant 3 : i32
      %dma_wait3A_292 = arith.constant 150 : i32
      %dma_wait3A_293 = arith.constant 0 : i32
      %dma_wait3A_294 = tpu.memref_slice %arg15[%dma_wait3A_292, %dma_wait3A_293] : memref<200x64xf32, #tpu.memory_space<vmem>> -> memref<50x64xf32, #tpu.memory_space<vmem>>
      %dma_wait3A_295 = arith.constant 0 : i32
      %dma_wait3A_296 = tpu.memref_slice %arg11[%dma_wait3A_291, %dma_wait3A_295] : memref<4x50xi32, #tpu.memory_space<vmem>> -> memref<1x50xi32, #tpu.memory_space<vmem>>
      %dma_wait3A_297 = tpu.memref_squeeze %dma_wait3A_296 : memref<1x50xi32, #tpu.memory_space<vmem>> -> memref<50xi32, #tpu.memory_space<vmem>>
      %dma_wait3A_298 = arith.constant 0 : i32
      %dma_wait3A_299 = arith.constant 0 : i32
      %dma_wait3A_300 = tpu.memref_slice %arg4[%dma_wait3A_298, %dma_wait3A_299] : memref<10000x64xf32, #tpu.memory_space<hbm>> -> memref<10000x64xf32, #tpu.memory_space<hbm>>
      tpu.wait_indirect_dma semaphore(%arg19 : memref<!tpu.dma_semaphore, #tpu.memory_space<semaphore_mem>>) src(%dma_wait3A_300 : memref<10000x64xf32, #tpu.memory_space<hbm>>) dst(%dma_wait3A_294 : memref<50x64xf32, #tpu.memory_space<vmem>>)
      %add3A_301 = arith.constant 1 : i32
      %add3A_302 = arith.addi %add3A_220, %add3A_301 : i32
      %lt3A_303 = arith.constant 100 : i32
      %lt3A_304 = arith.cmpi slt, %add3A_302, %lt3A_303 : i32
      %convert_element_type3A_305 = arith.extui %lt3A_304 : i1 to i32
      %cond3A_306 = arith.constant 0 : i32
      %cond3A_307 = arith.cmpi ne, %convert_element_type3A_305, %cond3A_306 : i32
      scf.if %cond3A_307 {
        %add3A_317 = arith.constant 1 : i32
        %add3A_318 = arith.addi %add3A_220, %add3A_317 : i32
        %mul3A_319 = arith.constant 4 : i32
        %mul3A_320 = arith.muli %add3A_318, %mul3A_319 : i32
        %add3A_321 = arith.addi %mul3A_17, %mul3A_320 : i32
        "tpu.region"() ({
          %run_scoped3A_405 = tpu.sem_alloc : memref<!tpu.dma_semaphore, #tpu.memory_space<semaphore_mem>>
          %dma_start3A_406 = arith.constant 0 : i32
          %dma_start3A_407 = tpu.memref_slice %arg2[%add3A_321, %dma_start3A_406] : memref<12800x50xi32, #tpu.memory_space<hbm>> -> memref<4x50xi32, #tpu.memory_space<hbm>>
          %dma_start3A_408 = arith.constant 0 : i32
          %dma_start3A_409 = tpu.memref_slice %arg2[%add3A_321, %dma_start3A_408] : memref<12800x50xi32, #tpu.memory_space<hbm>> -> memref<4x50xi32, #tpu.memory_space<hbm>>
          tpu.enqueue_dma source(%dma_start3A_409 : memref<4x50xi32, #tpu.memory_space<hbm>>) target(%arg8 : memref<4x50xi32, #tpu.memory_space<vmem>>) target_semaphore(%run_scoped3A_405 : memref<!tpu.dma_semaphore, #tpu.memory_space<semaphore_mem>>)
          %dma_wait3A_410 = arith.constant 0 : i32
          %dma_wait3A_411 = tpu.memref_slice %arg2[%add3A_321, %dma_wait3A_410] : memref<12800x50xi32, #tpu.memory_space<hbm>> -> memref<4x50xi32, #tpu.memory_space<hbm>>
          %dma_wait3A_412 = arith.constant 0 : i32
          %dma_wait3A_413 = tpu.memref_slice %arg2[%add3A_321, %dma_wait3A_412] : memref<12800x50xi32, #tpu.memory_space<hbm>> -> memref<4x50xi32, #tpu.memory_space<hbm>>
          tpu.wait_dma2 semaphore(%run_scoped3A_405 : memref<!tpu.dma_semaphore, #tpu.memory_space<semaphore_mem>>) src(%dma_wait3A_413 : memref<4x50xi32, #tpu.memory_space<hbm>>) dst(%arg8 : memref<4x50xi32, #tpu.memory_space<vmem>>)
          tpu.yield
        }) : () -> ()
        %mul3A_322 = arith.constant 4 : i32
        %mul3A_323 = arith.muli %add3A_318, %mul3A_322 : i32
        %add3A_324 = arith.addi %mul3A_17, %mul3A_323 : i32
        "tpu.region"() ({
          %run_scoped3A_405 = tpu.sem_alloc : memref<!tpu.dma_semaphore, #tpu.memory_space<semaphore_mem>>
          %dma_start3A_406 = arith.constant 0 : i32
          %dma_start3A_407 = tpu.memref_slice %arg3[%add3A_324, %dma_start3A_406] : memref<12800x50xi32, #tpu.memory_space<hbm>> -> memref<4x50xi32, #tpu.memory_space<hbm>>
          %dma_start3A_408 = arith.constant 0 : i32
          %dma_start3A_409 = tpu.memref_slice %arg3[%add3A_324, %dma_start3A_408] : memref<12800x50xi32, #tpu.memory_space<hbm>> -> memref<4x50xi32, #tpu.memory_space<hbm>>
          tpu.enqueue_dma source(%dma_start3A_409 : memref<4x50xi32, #tpu.memory_space<hbm>>) target(%arg9 : memref<4x50xi32, #tpu.memory_space<vmem>>) target_semaphore(%run_scoped3A_405 : memref<!tpu.dma_semaphore, #tpu.memory_space<semaphore_mem>>)
          %dma_wait3A_410 = arith.constant 0 : i32
          %dma_wait3A_411 = tpu.memref_slice %arg3[%add3A_324, %dma_wait3A_410] : memref<12800x50xi32, #tpu.memory_space<hbm>> -> memref<4x50xi32, #tpu.memory_space<hbm>>
          %dma_wait3A_412 = arith.constant 0 : i32
          %dma_wait3A_413 = tpu.memref_slice %arg3[%add3A_324, %dma_wait3A_412] : memref<12800x50xi32, #tpu.memory_space<hbm>> -> memref<4x50xi32, #tpu.memory_space<hbm>>
          tpu.wait_dma2 semaphore(%run_scoped3A_405 : memref<!tpu.dma_semaphore, #tpu.memory_space<semaphore_mem>>) src(%dma_wait3A_413 : memref<4x50xi32, #tpu.memory_space<hbm>>) dst(%arg9 : memref<4x50xi32, #tpu.memory_space<vmem>>)
          tpu.yield
        }) : () -> ()
        %dma_start3A_325 = arith.constant 0 : i32
        %dma_start3A_326 = arith.constant 0 : i32
        %dma_start3A_327 = arith.constant 0 : i32
        %dma_start3A_328 = tpu.memref_slice %arg12[%dma_start3A_326, %dma_start3A_327] : memref<200x64xf32, #tpu.memory_space<vmem>> -> memref<50x64xf32, #tpu.memory_space<vmem>>
        %dma_start3A_329 = arith.constant 0 : i32
        %dma_start3A_330 = tpu.memref_slice %arg8[%dma_start3A_325, %dma_start3A_329] : memref<4x50xi32, #tpu.memory_space<vmem>> -> memref<1x50xi32, #tpu.memory_space<vmem>>
        %dma_start3A_331 = tpu.memref_squeeze %dma_start3A_330 : memref<1x50xi32, #tpu.memory_space<vmem>> -> memref<50xi32, #tpu.memory_space<vmem>>
        %dma_start3A_332 = arith.constant 0 : i32
        %dma_start3A_333 = arith.constant 0 : i32
        %dma_start3A_334 = tpu.memref_slice %arg4[%dma_start3A_332, %dma_start3A_333] : memref<10000x64xf32, #tpu.memory_space<hbm>> -> memref<10000x64xf32, #tpu.memory_space<hbm>>
        tpu.enqueue_indirect_dma source(%dma_start3A_334 : memref<10000x64xf32, #tpu.memory_space<hbm>>) target(%dma_start3A_328 : memref<50x64xf32, #tpu.memory_space<vmem>>) offsets(%dma_start3A_331 : memref<50xi32, #tpu.memory_space<vmem>>) semaphore(%arg19 : memref<!tpu.dma_semaphore, #tpu.memory_space<semaphore_mem>>)
        %dma_start3A_335 = arith.constant 0 : i32
        %dma_start3A_336 = arith.constant 0 : i32
        %dma_start3A_337 = arith.constant 0 : i32
        %dma_start3A_338 = tpu.memref_slice %arg13[%dma_start3A_336, %dma_start3A_337] : memref<200x64xf32, #tpu.memory_space<vmem>> -> memref<50x64xf32, #tpu.memory_space<vmem>>
        %dma_start3A_339 = arith.constant 0 : i32
        %dma_start3A_340 = tpu.memref_slice %arg9[%dma_start3A_335, %dma_start3A_339] : memref<4x50xi32, #tpu.memory_space<vmem>> -> memref<1x50xi32, #tpu.memory_space<vmem>>
        %dma_start3A_341 = tpu.memref_squeeze %dma_start3A_340 : memref<1x50xi32, #tpu.memory_space<vmem>> -> memref<50xi32, #tpu.memory_space<vmem>>
        %dma_start3A_342 = arith.constant 0 : i32
        %dma_start3A_343 = arith.constant 0 : i32
        %dma_start3A_344 = tpu.memref_slice %arg4[%dma_start3A_342, %dma_start3A_343] : memref<10000x64xf32, #tpu.memory_space<hbm>> -> memref<10000x64xf32, #tpu.memory_space<hbm>>
        tpu.enqueue_indirect_dma source(%dma_start3A_344 : memref<10000x64xf32, #tpu.memory_space<hbm>>) target(%dma_start3A_338 : memref<50x64xf32, #tpu.memory_space<vmem>>) offsets(%dma_start3A_341 : memref<50xi32, #tpu.memory_space<vmem>>) semaphore(%arg19 : memref<!tpu.dma_semaphore, #tpu.memory_space<semaphore_mem>>)
        %dma_start3A_345 = arith.constant 1 : i32
        %dma_start3A_346 = arith.constant 50 : i32
        %dma_start3A_347 = arith.constant 0 : i32
        %dma_start3A_348 = tpu.memref_slice %arg12[%dma_start3A_346, %dma_start3A_347] : memref<200x64xf32, #tpu.memory_space<vmem>> -> memref<50x64xf32, #tpu.memory_space<vmem>>
        %dma_start3A_349 = arith.constant 0 : i32
        %dma_start3A_350 = tpu.memref_slice %arg8[%dma_start3A_345, %dma_start3A_349] : memref<4x50xi32, #tpu.memory_space<vmem>> -> memref<1x50xi32, #tpu.memory_space<vmem>>
        %dma_start3A_351 = tpu.memref_squeeze %dma_start3A_350 : memref<1x50xi32, #tpu.memory_space<vmem>> -> memref<50xi32, #tpu.memory_space<vmem>>
        %dma_start3A_352 = arith.constant 0 : i32
        %dma_start3A_353 = arith.constant 0 : i32
        %dma_start3A_354 = tpu.memref_slice %arg4[%dma_start3A_352, %dma_start3A_353] : memref<10000x64xf32, #tpu.memory_space<hbm>> -> memref<10000x64xf32, #tpu.memory_space<hbm>>
        tpu.enqueue_indirect_dma source(%dma_start3A_354 : memref<10000x64xf32, #tpu.memory_space<hbm>>) target(%dma_start3A_348 : memref<50x64xf32, #tpu.memory_space<vmem>>) offsets(%dma_start3A_351 : memref<50xi32, #tpu.memory_space<vmem>>) semaphore(%arg19 : memref<!tpu.dma_semaphore, #tpu.memory_space<semaphore_mem>>)
        %dma_start3A_355 = arith.constant 1 : i32
        %dma_start3A_356 = arith.constant 50 : i32
        %dma_start3A_357 = arith.constant 0 : i32
        %dma_start3A_358 = tpu.memref_slice %arg13[%dma_start3A_356, %dma_start3A_357] : memref<200x64xf32, #tpu.memory_space<vmem>> -> memref<50x64xf32, #tpu.memory_space<vmem>>
        %dma_start3A_359 = arith.constant 0 : i32
        %dma_start3A_360 = tpu.memref_slice %arg9[%dma_start3A_355, %dma_start3A_359] : memref<4x50xi32, #tpu.memory_space<vmem>> -> memref<1x50xi32, #tpu.memory_space<vmem>>
        %dma_start3A_361 = tpu.memref_squeeze %dma_start3A_360 : memref<1x50xi32, #tpu.memory_space<vmem>> -> memref<50xi32, #tpu.memory_space<vmem>>
        %dma_start3A_362 = arith.constant 0 : i32
        %dma_start3A_363 = arith.constant 0 : i32
        %dma_start3A_364 = tpu.memref_slice %arg4[%dma_start3A_362, %dma_start3A_363] : memref<10000x64xf32, #tpu.memory_space<hbm>> -> memref<10000x64xf32, #tpu.memory_space<hbm>>
        tpu.enqueue_indirect_dma source(%dma_start3A_364 : memref<10000x64xf32, #tpu.memory_space<hbm>>) target(%dma_start3A_358 : memref<50x64xf32, #tpu.memory_space<vmem>>) offsets(%dma_start3A_361 : memref<50xi32, #tpu.memory_space<vmem>>) semaphore(%arg19 : memref<!tpu.dma_semaphore, #tpu.memory_space<semaphore_mem>>)
        %dma_start3A_365 = arith.constant 2 : i32
        %dma_start3A_366 = arith.constant 100 : i32
        %dma_start3A_367 = arith.constant 0 : i32
        %dma_start3A_368 = tpu.memref_slice %arg12[%dma_start3A_366, %dma_start3A_367] : memref<200x64xf32, #tpu.memory_space<vmem>> -> memref<50x64xf32, #tpu.memory_space<vmem>>
        %dma_start3A_369 = arith.constant 0 : i32
        %dma_start3A_370 = tpu.memref_slice %arg8[%dma_start3A_365, %dma_start3A_369] : memref<4x50xi32, #tpu.memory_space<vmem>> -> memref<1x50xi32, #tpu.memory_space<vmem>>
        %dma_start3A_371 = tpu.memref_squeeze %dma_start3A_370 : memref<1x50xi32, #tpu.memory_space<vmem>> -> memref<50xi32, #tpu.memory_space<vmem>>
        %dma_start3A_372 = arith.constant 0 : i32
        %dma_start3A_373 = arith.constant 0 : i32
        %dma_start3A_374 = tpu.memref_slice %arg4[%dma_start3A_372, %dma_start3A_373] : memref<10000x64xf32, #tpu.memory_space<hbm>> -> memref<10000x64xf32, #tpu.memory_space<hbm>>
        tpu.enqueue_indirect_dma source(%dma_start3A_374 : memref<10000x64xf32, #tpu.memory_space<hbm>>) target(%dma_start3A_368 : memref<50x64xf32, #tpu.memory_space<vmem>>) offsets(%dma_start3A_371 : memref<50xi32, #tpu.memory_space<vmem>>) semaphore(%arg19 : memref<!tpu.dma_semaphore, #tpu.memory_space<semaphore_mem>>)
        %dma_start3A_375 = arith.constant 2 : i32
        %dma_start3A_376 = arith.constant 100 : i32
        %dma_start3A_377 = arith.constant 0 : i32
        %dma_start3A_378 = tpu.memref_slice %arg13[%dma_start3A_376, %dma_start3A_377] : memref<200x64xf32, #tpu.memory_space<vmem>> -> memref<50x64xf32, #tpu.memory_space<vmem>>
        %dma_start3A_379 = arith.constant 0 : i32
        %dma_start3A_380 = tpu.memref_slice %arg9[%dma_start3A_375, %dma_start3A_379] : memref<4x50xi32, #tpu.memory_space<vmem>> -> memref<1x50xi32, #tpu.memory_space<vmem>>
        %dma_start3A_381 = tpu.memref_squeeze %dma_start3A_380 : memref<1x50xi32, #tpu.memory_space<vmem>> -> memref<50xi32, #tpu.memory_space<vmem>>
        %dma_start3A_382 = arith.constant 0 : i32
        %dma_start3A_383 = arith.constant 0 : i32
        %dma_start3A_384 = tpu.memref_slice %arg4[%dma_start3A_382, %dma_start3A_383] : memref<10000x64xf32, #tpu.memory_space<hbm>> -> memref<10000x64xf32, #tpu.memory_space<hbm>>
        tpu.enqueue_indirect_dma source(%dma_start3A_384 : memref<10000x64xf32, #tpu.memory_space<hbm>>) target(%dma_start3A_378 : memref<50x64xf32, #tpu.memory_space<vmem>>) offsets(%dma_start3A_381 : memref<50xi32, #tpu.memory_space<vmem>>) semaphore(%arg19 : memref<!tpu.dma_semaphore, #tpu.memory_space<semaphore_mem>>)
        %dma_start3A_385 = arith.constant 3 : i32
        %dma_start3A_386 = arith.constant 150 : i32
        %dma_start3A_387 = arith.constant 0 : i32
        %dma_start3A_388 = tpu.memref_slice %arg12[%dma_start3A_386, %dma_start3A_387] : memref<200x64xf32, #tpu.memory_space<vmem>> -> memref<50x64xf32, #tpu.memory_space<vmem>>
        %dma_start3A_389 = arith.constant 0 : i32
        %dma_start3A_390 = tpu.memref_slice %arg8[%dma_start3A_385, %dma_start3A_389] : memref<4x50xi32, #tpu.memory_space<vmem>> -> memref<1x50xi32, #tpu.memory_space<vmem>>
        %dma_start3A_391 = tpu.memref_squeeze %dma_start3A_390 : memref<1x50xi32, #tpu.memory_space<vmem>> -> memref<50xi32, #tpu.memory_space<vmem>>
        %dma_start3A_392 = arith.constant 0 : i32
        %dma_start3A_393 = arith.constant 0 : i32
        %dma_start3A_394 = tpu.memref_slice %arg4[%dma_start3A_392, %dma_start3A_393] : memref<10000x64xf32, #tpu.memory_space<hbm>> -> memref<10000x64xf32, #tpu.memory_space<hbm>>
        tpu.enqueue_indirect_dma source(%dma_start3A_394 : memref<10000x64xf32, #tpu.memory_space<hbm>>) target(%dma_start3A_388 : memref<50x64xf32, #tpu.memory_space<vmem>>) offsets(%dma_start3A_391 : memref<50xi32, #tpu.memory_space<vmem>>) semaphore(%arg19 : memref<!tpu.dma_semaphore, #tpu.memory_space<semaphore_mem>>)
        %dma_start3A_395 = arith.constant 3 : i32
        %dma_start3A_396 = arith.constant 150 : i32
        %dma_start3A_397 = arith.constant 0 : i32
        %dma_start3A_398 = tpu.memref_slice %arg13[%dma_start3A_396, %dma_start3A_397] : memref<200x64xf32, #tpu.memory_space<vmem>> -> memref<50x64xf32, #tpu.memory_space<vmem>>
        %dma_start3A_399 = arith.constant 0 : i32
        %dma_start3A_400 = tpu.memref_slice %arg9[%dma_start3A_395, %dma_start3A_399] : memref<4x50xi32, #tpu.memory_space<vmem>> -> memref<1x50xi32, #tpu.memory_space<vmem>>
        %dma_start3A_401 = tpu.memref_squeeze %dma_start3A_400 : memref<1x50xi32, #tpu.memory_space<vmem>> -> memref<50xi32, #tpu.memory_space<vmem>>
        %dma_start3A_402 = arith.constant 0 : i32
        %dma_start3A_403 = arith.constant 0 : i32
        %dma_start3A_404 = tpu.memref_slice %arg4[%dma_start3A_402, %dma_start3A_403] : memref<10000x64xf32, #tpu.memory_space<hbm>> -> memref<10000x64xf32, #tpu.memory_space<hbm>>
        tpu.enqueue_indirect_dma source(%dma_start3A_404 : memref<10000x64xf32, #tpu.memory_space<hbm>>) target(%dma_start3A_398 : memref<50x64xf32, #tpu.memory_space<vmem>>) offsets(%dma_start3A_401 : memref<50xi32, #tpu.memory_space<vmem>>) semaphore(%arg19 : memref<!tpu.dma_semaphore, #tpu.memory_space<semaphore_mem>>)
      } else {
      }
      %scan3A_308 = arith.constant 0 : i32
      %scan3A_309 = arith.constant 200 : i32
      %scan3A_310 = arith.addi %scan3A_308, %scan3A_309 : i32
      %scan3A_311 = arith.constant 1 : i32
      scf.for %scan3A_317 = %scan3A_308 to %scan3A_310 step %scan3A_311  : i32 {
        %mul3A_318 = arith.constant 1 : i32
        %mul3A_319 = arith.muli %scan3A_317, %mul3A_318 : i32
        %add3A_320 = arith.constant 0 : i32
        %add3A_321 = arith.addi %add3A_320, %mul3A_319 : i32
        %get3A_322 = arith.index_cast %add3A_321 : i32 to index
        %get3A_323 = arith.constant 0 : index
        %get3A_324 = tpu.vector_load %arg14[%get3A_322, %get3A_323] {strides = array<i32>} : memref<200x64xf32, #tpu.memory_space<vmem>>, vector<16xf32>,
        %get3A_325 = arith.index_cast %add3A_321 : i32 to index
        %get3A_326 = arith.constant 16 : index
        %get3A_327 = tpu.vector_load %arg14[%get3A_325, %get3A_326] {strides = array<i32>} : memref<200x64xf32, #tpu.memory_space<vmem>>, vector<16xf32>,
        %get3A_328 = arith.index_cast %add3A_321 : i32 to index
        %get3A_329 = arith.constant 32 : index
        %get3A_330 = tpu.vector_load %arg14[%get3A_328, %get3A_329] {strides = array<i32>} : memref<200x64xf32, #tpu.memory_space<vmem>>, vector<16xf32>,
        %get3A_331 = arith.index_cast %add3A_321 : i32 to index
        %get3A_332 = arith.constant 48 : index
        %get3A_333 = tpu.vector_load %arg14[%get3A_331, %get3A_332] {strides = array<i32>} : memref<200x64xf32, #tpu.memory_space<vmem>>, vector<16xf32>,
        %get3A_334 = arith.index_cast %add3A_321 : i32 to index
        %get3A_335 = arith.constant 0 : index
        %get3A_336 = tpu.vector_load %arg15[%get3A_334, %get3A_335] {strides = array<i32>} : memref<200x64xf32, #tpu.memory_space<vmem>>, vector<16xf32>,
        %add3A_337 = arith.addf %get3A_324, %get3A_336 : vector<16xf32>
        %get3A_338 = arith.index_cast %add3A_321 : i32 to index
        %get3A_339 = arith.constant 16 : index
        %get3A_340 = tpu.vector_load %arg15[%get3A_338, %get3A_339] {strides = array<i32>} : memref<200x64xf32, #tpu.memory_space<vmem>>, vector<16xf32>,
        %add3A_341 = arith.addf %get3A_327, %get3A_340 : vector<16xf32>
        %get3A_342 = arith.index_cast %add3A_321 : i32 to index
        %get3A_343 = arith.constant 32 : index
        %get3A_344 = tpu.vector_load %arg15[%get3A_342, %get3A_343] {strides = array<i32>} : memref<200x64xf32, #tpu.memory_space<vmem>>, vector<16xf32>,
        %add3A_345 = arith.addf %get3A_330, %get3A_344 : vector<16xf32>
        %get3A_346 = arith.index_cast %add3A_321 : i32 to index
        %get3A_347 = arith.constant 48 : index
        %get3A_348 = tpu.vector_load %arg15[%get3A_346, %get3A_347] {strides = array<i32>} : memref<200x64xf32, #tpu.memory_space<vmem>>, vector<16xf32>,
        %add3A_349 = arith.addf %get3A_333, %get3A_348 : vector<16xf32>
        %mul3A_350 = arith.constant 2.000000e-01 : f32
        %mul3A_351 = vector.broadcast %mul3A_350 : f32 to vector<16xf32>
        %mul3A_352 = arith.mulf %add3A_337, %mul3A_351 : vector<16xf32>
        %max3A = arith.maximumf %add3A_337, %mul3A_352 : vector<16xf32>
        %mul3A_353 = arith.constant 2.000000e-01 : f32
        %mul3A_354 = vector.broadcast %mul3A_353 : f32 to vector<16xf32>
        %mul3A_355 = arith.mulf %add3A_341, %mul3A_354 : vector<16xf32>
        %max3A_356 = arith.maximumf %add3A_341, %mul3A_355 : vector<16xf32>
        %mul3A_357 = arith.constant 2.000000e-01 : f32
        %mul3A_358 = vector.broadcast %mul3A_357 : f32 to vector<16xf32>
        %mul3A_359 = arith.mulf %add3A_345, %mul3A_358 : vector<16xf32>
        %max3A_360 = arith.maximumf %add3A_345, %mul3A_359 : vector<16xf32>
        %mul3A_361 = arith.constant 2.000000e-01 : f32
        %mul3A_362 = vector.broadcast %mul3A_361 : f32 to vector<16xf32>
        %mul3A_363 = arith.mulf %add3A_349, %mul3A_362 : vector<16xf32>
        %max3A_364 = arith.maximumf %add3A_349, %mul3A_363 : vector<16xf32>
        %mul3A_365 = arith.mulf %max3A, %get3A_9 : vector<16xf32>
        %mul3A_366 = arith.mulf %max3A_356, %get3A_11 : vector<16xf32>
        %add3A_367 = arith.addf %mul3A_365, %mul3A_366 : vector<16xf32>
        %mul3A_368 = arith.mulf %max3A_360, %get3A_13 : vector<16xf32>
        %mul3A_369 = arith.mulf %max3A_364, %get3A_15 : vector<16xf32>
        %add3A_370 = arith.addf %mul3A_368, %mul3A_369 : vector<16xf32>
        %reduce_sum3A = arith.constant true
        %reduce_sum3A_371 = vector.broadcast %reduce_sum3A : i1 to vector<16xi1>
        %reduce_sum3A_372 = tpu.scan <sum>, %add3A_367 masked %reduce_sum3A_371 : vector<16xf32>, vector<16xi1> -> vector<16xf32>
        %reduce_sum3A_373 = vector.extract %reduce_sum3A_372[15] : f32 from vector<16xf32>
        %broadcast_in_dim3A = vector.broadcast %reduce_sum3A_373 : f32 to vector<16xf32>
        %exp3A = math.exp %broadcast_in_dim3A : vector<16xf32>
        %reduce_sum3A_374 = arith.constant true
        %reduce_sum3A_375 = vector.broadcast %reduce_sum3A_374 : i1 to vector<16xi1>
        %reduce_sum3A_376 = tpu.scan <sum>, %add3A_370 masked %reduce_sum3A_375 : vector<16xf32>, vector<16xi1> -> vector<16xf32>
        %reduce_sum3A_377 = vector.extract %reduce_sum3A_376[15] : f32 from vector<16xf32>
        %broadcast_in_dim3A_378 = vector.broadcast %reduce_sum3A_377 : f32 to vector<16xf32>
        %exp3A_379 = math.exp %broadcast_in_dim3A_378 : vector<16xf32>
        %mul3A_380 = arith.mulf %get3A_324, %exp3A : vector<16xf32>
        %swap3A = arith.index_cast %add3A_321 : i32 to index
        %swap3A_381 = arith.constant 0 : index
        %swap3A_382 = tpu.vector_load %arg16[%swap3A, %swap3A_381] {strides = array<i32>} : memref<200x80xf32, #tpu.memory_space<vmem>>, vector<16xf32>,
        tpu.vector_store %arg16[%swap3A, %swap3A_381], %mul3A_380 {strides = array<i32>} : memref<200x80xf32, #tpu.memory_space<vmem>>, vector<16xf32>,
        %mul3A_383 = arith.mulf %get3A_327, %exp3A : vector<16xf32>
        %swap3A_384 = arith.index_cast %add3A_321 : i32 to index
        %swap3A_385 = arith.constant 16 : index
        %swap3A_386 = tpu.vector_load %arg16[%swap3A_384, %swap3A_385] {strides = array<i32>} : memref<200x80xf32, #tpu.memory_space<vmem>>, vector<16xf32>,
        tpu.vector_store %arg16[%swap3A_384, %swap3A_385], %mul3A_383 {strides = array<i32>} : memref<200x80xf32, #tpu.memory_space<vmem>>, vector<16xf32>,
        %mul3A_387 = arith.mulf %get3A_330, %exp3A_379 : vector<16xf32>
        %swap3A_388 = arith.index_cast %add3A_321 : i32 to index
        %swap3A_389 = arith.constant 32 : index
        %swap3A_390 = tpu.vector_load %arg16[%swap3A_388, %swap3A_389] {strides = array<i32>} : memref<200x80xf32, #tpu.memory_space<vmem>>, vector<16xf32>,
        tpu.vector_store %arg16[%swap3A_388, %swap3A_389], %mul3A_387 {strides = array<i32>} : memref<200x80xf32, #tpu.memory_space<vmem>>, vector<16xf32>,
        %mul3A_391 = arith.mulf %get3A_333, %exp3A_379 : vector<16xf32>
        %swap3A_392 = arith.index_cast %add3A_321 : i32 to index
        %swap3A_393 = arith.constant 48 : index
        %swap3A_394 = tpu.vector_load %arg16[%swap3A_392, %swap3A_393] {strides = array<i32>} : memref<200x80xf32, #tpu.memory_space<vmem>>, vector<16xf32>,
        tpu.vector_store %arg16[%swap3A_392, %swap3A_393], %mul3A_391 {strides = array<i32>} : memref<200x80xf32, #tpu.memory_space<vmem>>, vector<16xf32>,
        %eq3A_395 = arith.constant 0 : i32
        %eq3A_396 = vector.broadcast %eq3A_395 : i32 to vector<16xi32>
        %eq3A_397 = arith.cmpi eq, %iota3A, %eq3A_396 : vector<16xi32>
        %eq3A_398 = arith.constant 1 : i32
        %eq3A_399 = vector.broadcast %eq3A_398 : i32 to vector<16xi32>
        %eq3A_400 = arith.cmpi eq, %iota3A, %eq3A_399 : vector<16xi32>
        %jit3A = arith.constant 0.000000e+00 : f32
        %broadcast_in_dim3A_401 = vector.broadcast %jit3A : f32 to vector<16xf32>
        %select_n3A = arith.select %eq3A_400, %exp3A_379, %broadcast_in_dim3A_401 : vector<16xi1>, vector<16xf32>
        %select_n3A_402 = arith.select %eq3A_397, %exp3A, %select_n3A : vector<16xi1>, vector<16xf32>
        %swap3A_403 = arith.index_cast %add3A_321 : i32 to index
        %swap3A_404 = arith.constant 64 : index
        %swap3A_405 = tpu.vector_load %arg16[%swap3A_403, %swap3A_404] {strides = array<i32>} : memref<200x80xf32, #tpu.memory_space<vmem>>, vector<16xf32>,
        tpu.vector_store %arg16[%swap3A_403, %swap3A_404], %select_n3A_402 {strides = array<i32>} : memref<200x80xf32, #tpu.memory_space<vmem>>, vector<16xf32>,
      }
      %scan3A_312 = arith.constant 200 : i32
      %run_scoped3A_313 = arith.constant 0 : i32
      "tpu.region"() ({
        %run_scoped3A_317 = tpu.sem_alloc : memref<!tpu.dma_semaphore, #tpu.memory_space<semaphore_mem>>
        %dma_start3A_318 = arith.constant 0 : i32
        %dma_start3A_319 = arith.constant 0 : i32
        %dma_start3A_320 = tpu.memref_slice %arg16[%dma_start3A_318, %dma_start3A_319] : memref<200x80xf32, #tpu.memory_space<vmem>> -> memref<50x80xf32, #tpu.memory_space<vmem>>
        %dma_start3A_321 = arith.constant 0 : i32
        %dma_start3A_322 = tpu.memref_slice %arg11[%run_scoped3A_313, %dma_start3A_321] : memref<4x50xi32, #tpu.memory_space<vmem>> -> memref<1x50xi32, #tpu.memory_space<vmem>>
        %dma_start3A_323 = tpu.memref_squeeze %dma_start3A_322 : memref<1x50xi32, #tpu.memory_space<vmem>> -> memref<50xi32, #tpu.memory_space<vmem>>
        %dma_start3A_324 = arith.constant 0 : i32
        %dma_start3A_325 = arith.constant 0 : i32
        %dma_start3A_326 = tpu.memref_slice %arg18[%dma_start3A_324, %dma_start3A_325] : memref<10000x80xf32, #tpu.memory_space<vmem_shared>> -> memref<10000x80xf32, #tpu.memory_space<vmem_shared>>
        tpu.enqueue_indirect_dma source(%dma_start3A_320 : memref<50x80xf32, #tpu.memory_space<vmem>>) target(%dma_start3A_326 : memref<10000x80xf32, #tpu.memory_space<vmem_shared>>) offsets(%dma_start3A_323 : memref<50xi32, #tpu.memory_space<vmem>>) semaphore(%run_scoped3A_317 : memref<!tpu.dma_semaphore, #tpu.memory_space<semaphore_mem>>) {add = true}
        %dma_wait3A_327 = arith.constant 0 : i32
        %dma_wait3A_328 = arith.constant 0 : i32
        %dma_wait3A_329 = tpu.memref_slice %arg16[%dma_wait3A_327, %dma_wait3A_328] : memref<200x80xf32, #tpu.memory_space<vmem>> -> memref<50x80xf32, #tpu.memory_space<vmem>>
        %dma_wait3A_330 = arith.constant 0 : i32
        %dma_wait3A_331 = tpu.memref_slice %arg11[%run_scoped3A_313, %dma_wait3A_330] : memref<4x50xi32, #tpu.memory_space<vmem>> -> memref<1x50xi32, #tpu.memory_space<vmem>>
        %dma_wait3A_332 = tpu.memref_squeeze %dma_wait3A_331 : memref<1x50xi32, #tpu.memory_space<vmem>> -> memref<50xi32, #tpu.memory_space<vmem>>
        %dma_wait3A_333 = arith.constant 0 : i32
        %dma_wait3A_334 = arith.constant 0 : i32
        %dma_wait3A_335 = tpu.memref_slice %arg18[%dma_wait3A_333, %dma_wait3A_334] : memref<10000x80xf32, #tpu.memory_space<vmem_shared>> -> memref<10000x80xf32, #tpu.memory_space<vmem_shared>>
        tpu.wait_indirect_dma semaphore(%run_scoped3A_317 : memref<!tpu.dma_semaphore, #tpu.memory_space<semaphore_mem>>) src(%dma_wait3A_329 : memref<50x80xf32, #tpu.memory_space<vmem>>) dst(%dma_wait3A_335 : memref<10000x80xf32, #tpu.memory_space<vmem_shared>>)
        tpu.yield
      }) : () -> ()
      %run_scoped3A_314 = arith.constant 1 : i32
      "tpu.region"() ({
        %run_scoped3A_317 = tpu.sem_alloc : memref<!tpu.dma_semaphore, #tpu.memory_space<semaphore_mem>>
        %dma_start3A_318 = arith.constant 50 : i32
        %dma_start3A_319 = arith.constant 0 : i32
        %dma_start3A_320 = tpu.memref_slice %arg16[%dma_start3A_318, %dma_start3A_319] : memref<200x80xf32, #tpu.memory_space<vmem>> -> memref<50x80xf32, #tpu.memory_space<vmem>>
        %dma_start3A_321 = arith.constant 0 : i32
        %dma_start3A_322 = tpu.memref_slice %arg11[%run_scoped3A_314, %dma_start3A_321] : memref<4x50xi32, #tpu.memory_space<vmem>> -> memref<1x50xi32, #tpu.memory_space<vmem>>
        %dma_start3A_323 = tpu.memref_squeeze %dma_start3A_322 : memref<1x50xi32, #tpu.memory_space<vmem>> -> memref<50xi32, #tpu.memory_space<vmem>>
        %dma_start3A_324 = arith.constant 0 : i32
        %dma_start3A_325 = arith.constant 0 : i32
        %dma_start3A_326 = tpu.memref_slice %arg18[%dma_start3A_324, %dma_start3A_325] : memref<10000x80xf32, #tpu.memory_space<vmem_shared>> -> memref<10000x80xf32, #tpu.memory_space<vmem_shared>>
        tpu.enqueue_indirect_dma source(%dma_start3A_320 : memref<50x80xf32, #tpu.memory_space<vmem>>) target(%dma_start3A_326 : memref<10000x80xf32, #tpu.memory_space<vmem_shared>>) offsets(%dma_start3A_323 : memref<50xi32, #tpu.memory_space<vmem>>) semaphore(%run_scoped3A_317 : memref<!tpu.dma_semaphore, #tpu.memory_space<semaphore_mem>>) {add = true}
        %dma_wait3A_327 = arith.constant 50 : i32
        %dma_wait3A_328 = arith.constant 0 : i32
        %dma_wait3A_329 = tpu.memref_slice %arg16[%dma_wait3A_327, %dma_wait3A_328] : memref<200x80xf32, #tpu.memory_space<vmem>> -> memref<50x80xf32, #tpu.memory_space<vmem>>
        %dma_wait3A_330 = arith.constant 0 : i32
        %dma_wait3A_331 = tpu.memref_slice %arg11[%run_scoped3A_314, %dma_wait3A_330] : memref<4x50xi32, #tpu.memory_space<vmem>> -> memref<1x50xi32, #tpu.memory_space<vmem>>
        %dma_wait3A_332 = tpu.memref_squeeze %dma_wait3A_331 : memref<1x50xi32, #tpu.memory_space<vmem>> -> memref<50xi32, #tpu.memory_space<vmem>>
        %dma_wait3A_333 = arith.constant 0 : i32
        %dma_wait3A_334 = arith.constant 0 : i32
        %dma_wait3A_335 = tpu.memref_slice %arg18[%dma_wait3A_333, %dma_wait3A_334] : memref<10000x80xf32, #tpu.memory_space<vmem_shared>> -> memref<10000x80xf32, #tpu.memory_space<vmem_shared>>
        tpu.wait_indirect_dma semaphore(%run_scoped3A_317 : memref<!tpu.dma_semaphore, #tpu.memory_space<semaphore_mem>>) src(%dma_wait3A_329 : memref<50x80xf32, #tpu.memory_space<vmem>>) dst(%dma_wait3A_335 : memref<10000x80xf32, #tpu.memory_space<vmem_shared>>)
        tpu.yield
      }) : () -> ()
      %run_scoped3A_315 = arith.constant 2 : i32
      "tpu.region"() ({
        %run_scoped3A_317 = tpu.sem_alloc : memref<!tpu.dma_semaphore, #tpu.memory_space<semaphore_mem>>
        %dma_start3A_318 = arith.constant 100 : i32
        %dma_start3A_319 = arith.constant 0 : i32
        %dma_start3A_320 = tpu.memref_slice %arg16[%dma_start3A_318, %dma_start3A_319] : memref<200x80xf32, #tpu.memory_space<vmem>> -> memref<50x80xf32, #tpu.memory_space<vmem>>
        %dma_start3A_321 = arith.constant 0 : i32
        %dma_start3A_322 = tpu.memref_slice %arg11[%run_scoped3A_315, %dma_start3A_321] : memref<4x50xi32, #tpu.memory_space<vmem>> -> memref<1x50xi32, #tpu.memory_space<vmem>>
        %dma_start3A_323 = tpu.memref_squeeze %dma_start3A_322 : memref<1x50xi32, #tpu.memory_space<vmem>> -> memref<50xi32, #tpu.memory_space<vmem>>
        %dma_start3A_324 = arith.constant 0 : i32
        %dma_start3A_325 = arith.constant 0 : i32
        %dma_start3A_326 = tpu.memref_slice %arg18[%dma_start3A_324, %dma_start3A_325] : memref<10000x80xf32, #tpu.memory_space<vmem_shared>> -> memref<10000x80xf32, #tpu.memory_space<vmem_shared>>
        tpu.enqueue_indirect_dma source(%dma_start3A_320 : memref<50x80xf32, #tpu.memory_space<vmem>>) target(%dma_start3A_326 : memref<10000x80xf32, #tpu.memory_space<vmem_shared>>) offsets(%dma_start3A_323 : memref<50xi32, #tpu.memory_space<vmem>>) semaphore(%run_scoped3A_317 : memref<!tpu.dma_semaphore, #tpu.memory_space<semaphore_mem>>) {add = true}
        %dma_wait3A_327 = arith.constant 100 : i32
        %dma_wait3A_328 = arith.constant 0 : i32
        %dma_wait3A_329 = tpu.memref_slice %arg16[%dma_wait3A_327, %dma_wait3A_328] : memref<200x80xf32, #tpu.memory_space<vmem>> -> memref<50x80xf32, #tpu.memory_space<vmem>>
        %dma_wait3A_330 = arith.constant 0 : i32
        %dma_wait3A_331 = tpu.memref_slice %arg11[%run_scoped3A_315, %dma_wait3A_330] : memref<4x50xi32, #tpu.memory_space<vmem>> -> memref<1x50xi32, #tpu.memory_space<vmem>>
        %dma_wait3A_332 = tpu.memref_squeeze %dma_wait3A_331 : memref<1x50xi32, #tpu.memory_space<vmem>> -> memref<50xi32, #tpu.memory_space<vmem>>
        %dma_wait3A_333 = arith.constant 0 : i32
        %dma_wait3A_334 = arith.constant 0 : i32
        %dma_wait3A_335 = tpu.memref_slice %arg18[%dma_wait3A_333, %dma_wait3A_334] : memref<10000x80xf32, #tpu.memory_space<vmem_shared>> -> memref<10000x80xf32, #tpu.memory_space<vmem_shared>>
        tpu.wait_indirect_dma semaphore(%run_scoped3A_317 : memref<!tpu.dma_semaphore, #tpu.memory_space<semaphore_mem>>) src(%dma_wait3A_329 : memref<50x80xf32, #tpu.memory_space<vmem>>) dst(%dma_wait3A_335 : memref<10000x80xf32, #tpu.memory_space<vmem_shared>>)
        tpu.yield
      }) : () -> ()
      %run_scoped3A_316 = arith.constant 3 : i32
      "tpu.region"() ({
        %run_scoped3A_317 = tpu.sem_alloc : memref<!tpu.dma_semaphore, #tpu.memory_space<semaphore_mem>>
        %dma_start3A_318 = arith.constant 150 : i32
        %dma_start3A_319 = arith.constant 0 : i32
        %dma_start3A_320 = tpu.memref_slice %arg16[%dma_start3A_318, %dma_start3A_319] : memref<200x80xf32, #tpu.memory_space<vmem>> -> memref<50x80xf32, #tpu.memory_space<vmem>>
        %dma_start3A_321 = arith.constant 0 : i32
        %dma_start3A_322 = tpu.memref_slice %arg11[%run_scoped3A_316, %dma_start3A_321] : memref<4x50xi32, #tpu.memory_space<vmem>> -> memref<1x50xi32, #tpu.memory_space<vmem>>
        %dma_start3A_323 = tpu.memref_squeeze %dma_start3A_322 : memref<1x50xi32, #tpu.memory_space<vmem>> -> memref<50xi32, #tpu.memory_space<vmem>>
        %dma_start3A_324 = arith.constant 0 : i32
        %dma_start3A_325 = arith.constant 0 : i32
        %dma_start3A_326 = tpu.memref_slice %arg18[%dma_start3A_324, %dma_start3A_325] : memref<10000x80xf32, #tpu.memory_space<vmem_shared>> -> memref<10000x80xf32, #tpu.memory_space<vmem_shared>>
        tpu.enqueue_indirect_dma source(%dma_start3A_320 : memref<50x80xf32, #tpu.memory_space<vmem>>) target(%dma_start3A_326 : memref<10000x80xf32, #tpu.memory_space<vmem_shared>>) offsets(%dma_start3A_323 : memref<50xi32, #tpu.memory_space<vmem>>) semaphore(%run_scoped3A_317 : memref<!tpu.dma_semaphore, #tpu.memory_space<semaphore_mem>>) {add = true}
        %dma_wait3A_327 = arith.constant 150 : i32
        %dma_wait3A_328 = arith.constant 0 : i32
        %dma_wait3A_329 = tpu.memref_slice %arg16[%dma_wait3A_327, %dma_wait3A_328] : memref<200x80xf32, #tpu.memory_space<vmem>> -> memref<50x80xf32, #tpu.memory_space<vmem>>
        %dma_wait3A_330 = arith.constant 0 : i32
        %dma_wait3A_331 = tpu.memref_slice %arg11[%run_scoped3A_316, %dma_wait3A_330] : memref<4x50xi32, #tpu.memory_space<vmem>> -> memref<1x50xi32, #tpu.memory_space<vmem>>
        %dma_wait3A_332 = tpu.memref_squeeze %dma_wait3A_331 : memref<1x50xi32, #tpu.memory_space<vmem>> -> memref<50xi32, #tpu.memory_space<vmem>>
        %dma_wait3A_333 = arith.constant 0 : i32
        %dma_wait3A_334 = arith.constant 0 : i32
        %dma_wait3A_335 = tpu.memref_slice %arg18[%dma_wait3A_333, %dma_wait3A_334] : memref<10000x80xf32, #tpu.memory_space<vmem_shared>> -> memref<10000x80xf32, #tpu.memory_space<vmem_shared>>
        tpu.wait_indirect_dma semaphore(%run_scoped3A_317 : memref<!tpu.dma_semaphore, #tpu.memory_space<semaphore_mem>>) src(%dma_wait3A_329 : memref<50x80xf32, #tpu.memory_space<vmem>>) dst(%dma_wait3A_335 : memref<10000x80xf32, #tpu.memory_space<vmem_shared>>)
        tpu.yield
      }) : () -> ()
    }
    %scan3A_104 = arith.constant 50 : i32
    %barrier3A_105 = arith.constant 0 : index
    tpu.barrier barrier_id(%barrier3A_105)
    %mul3A_106 = arith.constant 632 : i32
    %mul3A_107 = arith.muli %arg1, %mul3A_106 : i32
    %lt3A_108 = arith.constant 15 : i32
    %lt3A_109 = arith.cmpi slt, %arg1, %lt3A_108 : i32
    %convert_element_type3A_110 = arith.extui %lt3A_109 : i1 to i32
    %cond3A_111 = arith.constant 0 : i32
    %cond3A_112 = arith.cmpi ne, %convert_element_type3A_110, %cond3A_111 : i32
    scf.if %cond3A_112 {
      %mul3A_118 = arith.constant 10000 : i32
      %mul3A_119 = arith.muli %arg0, %mul3A_118 : i32
      %add3A_120 = arith.addi %mul3A_119, %mul3A_107 : i32
      "tpu.region"() ({
        %run_scoped3A = tpu.sem_alloc : memref<!tpu.dma_semaphore, #tpu.memory_space<semaphore_mem>>
        %dma_start3A_121 = arith.constant 0 : i32
        %dma_start3A_122 = tpu.memref_slice %arg7[%add3A_120, %dma_start3A_121] : memref<20000x80xf32, #tpu.memory_space<hbm>> -> memref<632x80xf32, #tpu.memory_space<hbm>>
        %dma_start3A_123 = arith.constant 0 : i32
        %dma_start3A_124 = tpu.memref_slice %arg18[%mul3A_107, %dma_start3A_123] : memref<10000x80xf32, #tpu.memory_space<vmem_shared>> -> memref<632x80xf32, #tpu.memory_space<vmem_shared>>
        tpu.enqueue_dma source(%dma_start3A_124 : memref<632x80xf32, #tpu.memory_space<vmem_shared>>) target(%dma_start3A_122 : memref<632x80xf32, #tpu.memory_space<hbm>>) target_semaphore(%run_scoped3A : memref<!tpu.dma_semaphore, #tpu.memory_space<semaphore_mem>>)
        %dma_wait3A = arith.constant 0 : i32
        %dma_wait3A_125 = tpu.memref_slice %arg7[%add3A_120, %dma_wait3A] : memref<20000x80xf32, #tpu.memory_space<hbm>> -> memref<632x80xf32, #tpu.memory_space<hbm>>
        %dma_wait3A_126 = arith.constant 0 : i32
        %dma_wait3A_127 = tpu.memref_slice %arg18[%mul3A_107, %dma_wait3A_126] : memref<10000x80xf32, #tpu.memory_space<vmem_shared>> -> memref<632x80xf32, #tpu.memory_space<vmem_shared>>
        tpu.wait_dma2 semaphore(%run_scoped3A : memref<!tpu.dma_semaphore, #tpu.memory_space<semaphore_mem>>) src(%dma_wait3A_127 : memref<632x80xf32, #tpu.memory_space<vmem_shared>>) dst(%dma_wait3A_125 : memref<632x80xf32, #tpu.memory_space<hbm>>)
        tpu.yield
      }) : () -> ()
    } else {
    }
    %eq3A_113 = arith.constant 15 : i32
    %eq3A_114 = arith.cmpi eq, %arg1, %eq3A_113 : i32
    %convert_element_type3A_115 = arith.extui %eq3A_114 : i1 to i32
    %cond3A_116 = arith.constant 0 : i32
    %cond3A_117 = arith.cmpi ne, %convert_element_type3A_115, %cond3A_116 : i32
    scf.if %cond3A_117 {
      %mul3A_118 = arith.constant 10000 : i32
      %mul3A_119 = arith.muli %arg0, %mul3A_118 : i32
      %add3A_120 = arith.constant 9480 : i32
      %add3A_121 = arith.addi %mul3A_119, %add3A_120 : i32
      "tpu.region"() ({
        %run_scoped3A = tpu.sem_alloc : memref<!tpu.dma_semaphore, #tpu.memory_space<semaphore_mem>>
        %dma_start3A_122 = arith.constant 0 : i32
        %dma_start3A_123 = tpu.memref_slice %arg7[%add3A_121, %dma_start3A_122] : memref<20000x80xf32, #tpu.memory_space<hbm>> -> memref<520x80xf32, #tpu.memory_space<hbm>>
        %dma_start3A_124 = arith.constant 9480 : i32
        %dma_start3A_125 = arith.constant 0 : i32
        %dma_start3A_126 = tpu.memref_slice %arg18[%dma_start3A_124, %dma_start3A_125] : memref<10000x80xf32, #tpu.memory_space<vmem_shared>> -> memref<520x80xf32, #tpu.memory_space<vmem_shared>>
        tpu.enqueue_dma source(%dma_start3A_126 : memref<520x80xf32, #tpu.memory_space<vmem_shared>>) target(%dma_start3A_123 : memref<520x80xf32, #tpu.memory_space<hbm>>) target_semaphore(%run_scoped3A : memref<!tpu.dma_semaphore, #tpu.memory_space<semaphore_mem>>)
        %dma_wait3A = arith.constant 0 : i32
        %dma_wait3A_127 = tpu.memref_slice %arg7[%add3A_121, %dma_wait3A] : memref<20000x80xf32, #tpu.memory_space<hbm>> -> memref<520x80xf32, #tpu.memory_space<hbm>>
        %dma_wait3A_128 = arith.constant 9480 : i32
        %dma_wait3A_129 = arith.constant 0 : i32
        %dma_wait3A_130 = tpu.memref_slice %arg18[%dma_wait3A_128, %dma_wait3A_129] : memref<10000x80xf32, #tpu.memory_space<vmem_shared>> -> memref<520x80xf32, #tpu.memory_space<vmem_shared>>
        tpu.wait_dma2 semaphore(%run_scoped3A : memref<!tpu.dma_semaphore, #tpu.memory_space<semaphore_mem>>) src(%dma_wait3A_130 : memref<520x80xf32, #tpu.memory_space<vmem_shared>>) dst(%dma_wait3A_127 : memref<520x80xf32, #tpu.memory_space<hbm>>)
        tpu.yield
      }) : () -> ()
    } else {
    }
    return
  }
}

module attributes {stable_mosaic.version = 14 : i64} {
  func.func @_matmul_body(%arg0: i32, %arg1: memref<1000x128xf32, #tpu.memory_space<vmem>>, %arg2: memref<128x128xf32, #tpu.memory_space<vmem>>, %arg3: memref<1x128xf32, #tpu.memory_space<vmem>>, %arg4: memref<1000x128xf32, #tpu.memory_space<vmem>>) attributes {dimension_semantics = [#tpu.dimension_semantics<arbitrary>], iteration_bounds = array<i64: 10>, scalar_prefetch = 0 : i64, scratch_operands = 0 : i64, tpu.core_type = #tpu.core_type<tc>, window_params = [{transform_indices = @transform_0, window_bounds = array<i64: 1000, 128>}, {pipeline_mode = #tpu.pipeline_mode<synchronous>, transform_indices = @transform_1, window_bounds = array<i64: 128, 128>}, {pipeline_mode = #tpu.pipeline_mode<synchronous>, transform_indices = @transform_2, window_bounds = array<i64: 1, 128>}, {transform_indices = @transform_3, window_bounds = array<i64: 1000, 128>}]} {
    %get3A = arith.constant 0 : index
    %get3A_0 = arith.constant 0 : index
    %get3A_1 = vector.load %arg1[%get3A, %get3A_0] : memref<1000x128xf32, #tpu.memory_space<vmem>>, vector<1000x128xf32>
    %get3A_2 = arith.constant 0 : index
    %get3A_3 = arith.constant 0 : index
    %get3A_4 = vector.load %arg2[%get3A_2, %get3A_3] : memref<128x128xf32, #tpu.memory_space<vmem>>, vector<128x128xf32>
    %dot_general3A = arith.constant dense<0.000000e+00> : vector<1000x128xf32>
    %dot_general3A_5 = tpu.matmul %get3A_1, %get3A_4, %dot_general3A {dimension_numbers = #tpu.dot_dimension_numbers<[1], [0], [0], [1], [0, 0, 1, 1], [], []>, transpose_lhs_hint = false} : vector<1000x128xf32>, vector<128x128xf32>, vector<1000x128xf32> -> vector<1000x128xf32>
    %get3A_6 = arith.constant 0 : index
    %get3A_7 = arith.constant 0 : index
    %get3A_8 = vector.load %arg3[%get3A_6, %get3A_7] : memref<1x128xf32, #tpu.memory_space<vmem>>, vector<1x128xf32>
    %add3A = vector.broadcast %get3A_8 : vector<1x128xf32> to vector<1000x128xf32>
    %add3A_9 = arith.addf %dot_general3A_5, %add3A : vector<1000x128xf32>
    %swap3A = arith.constant 0 : index
    %swap3A_10 = arith.constant 0 : index
    %swap3A_11 = vector.load %arg4[%swap3A, %swap3A_10] : memref<1000x128xf32, #tpu.memory_space<vmem>>, vector<1000x128xf32>
    tpu.vector_store %arg4[%swap3A, %swap3A_10], %add3A_9 {strides = array<i32>} : memref<1000x128xf32, #tpu.memory_space<vmem>>, vector<1000x128xf32>,
    return
  }
  func.func @transform_0(%arg0: i32) -> (i32, i32) {
    %c0_i32 = arith.constant 0 : i32
    %c0_i32_0 = arith.constant 0 : i32
    return %arg0, %c0_i32 : i32, i32
  }
  func.func @transform_1(%arg0: i32) -> (i32, i32) {
    %c0_i32 = arith.constant 0 : i32
    %c0_i32_0 = arith.constant 0 : i32
    %c0_i32_1 = arith.constant 0 : i32
    return %c0_i32, %c0_i32_0 : i32, i32
  }
  func.func @transform_2(%arg0: i32) -> (i32, i32) {
    %c0_i32 = arith.constant 0 : i32
    %c0_i32_0 = arith.constant 0 : i32
    %c0_i32_1 = arith.constant 0 : i32
    return %c0_i32, %c0_i32_0 : i32, i32
  }
  func.func @transform_3(%arg0: i32) -> (i32, i32) {
    %c0_i32 = arith.constant 0 : i32
    %c0_i32_0 = arith.constant 0 : i32
    return %arg0, %c0_i32 : i32, i32
  }
}

module attributes {stable_mosaic.version = 14 : i64} {
  func.func @_matmul_body(%arg0: i32, %arg1: memref<10000x16xf32, #tpu.memory_space<vmem>>, %arg2: memref<16x32xf32, #tpu.memory_space<vmem>>, %arg3: memref<1x32xf32, #tpu.memory_space<vmem>>, %arg4: memref<10000x32xf32, #tpu.memory_space<vmem>>) attributes {dimension_semantics = [#tpu.dimension_semantics<arbitrary>], iteration_bounds = array<i64: 64>, scalar_prefetch = 0 : i64, scratch_operands = 0 : i64, tpu.core_type = #tpu.core_type<tc>, window_params = [{transform_indices = @transform_0, window_bounds = array<i64: 10000, 16>}, {pipeline_mode = #tpu.pipeline_mode<synchronous>, transform_indices = @transform_1, window_bounds = array<i64: 16, 32>}, {pipeline_mode = #tpu.pipeline_mode<synchronous>, transform_indices = @transform_2, window_bounds = array<i64: 1, 32>}, {transform_indices = @transform_3, window_bounds = array<i64: 10000, 32>}]} {
    %get3A = arith.constant 0 : index
    %get3A_0 = arith.constant 0 : index
    %get3A_1 = vector.load %arg1[%get3A, %get3A_0] : memref<10000x16xf32, #tpu.memory_space<vmem>>, vector<10000x16xf32>
    %get3A_2 = arith.constant 0 : index
    %get3A_3 = arith.constant 0 : index
    %get3A_4 = vector.load %arg2[%get3A_2, %get3A_3] : memref<16x32xf32, #tpu.memory_space<vmem>>, vector<16x32xf32>
    %dot_general3A = arith.constant dense<0.000000e+00> : vector<10000x32xf32>
    %dot_general3A_5 = tpu.matmul %get3A_1, %get3A_4, %dot_general3A {dimension_numbers = #tpu.dot_dimension_numbers<[1], [0], [0], [1], [0, 0, 1, 1], [], []>, transpose_lhs_hint = false} : vector<10000x16xf32>, vector<16x32xf32>, vector<10000x32xf32> -> vector<10000x32xf32>
    %get3A_6 = arith.constant 0 : index
    %get3A_7 = arith.constant 0 : index
    %get3A_8 = vector.load %arg3[%get3A_6, %get3A_7] : memref<1x32xf32, #tpu.memory_space<vmem>>, vector<1x32xf32>
    %add3A = vector.broadcast %get3A_8 : vector<1x32xf32> to vector<10000x32xf32>
    %add3A_9 = arith.addf %dot_general3A_5, %add3A : vector<10000x32xf32>
    %swap3A = arith.constant 0 : index
    %swap3A_10 = arith.constant 0 : index
    %swap3A_11 = vector.load %arg4[%swap3A, %swap3A_10] : memref<10000x32xf32, #tpu.memory_space<vmem>>, vector<10000x32xf32>
    tpu.vector_store %arg4[%swap3A, %swap3A_10], %add3A_9 {strides = array<i32>} : memref<10000x32xf32, #tpu.memory_space<vmem>>, vector<10000x32xf32>,
    return
  }
  func.func @transform_0(%arg0: i32) -> (i32, i32) {
    %c0_i32 = arith.constant 0 : i32
    %c0_i32_0 = arith.constant 0 : i32
    return %arg0, %c0_i32 : i32, i32
  }
  func.func @transform_1(%arg0: i32) -> (i32, i32) {
    %c0_i32 = arith.constant 0 : i32
    %c0_i32_0 = arith.constant 0 : i32
    %c0_i32_1 = arith.constant 0 : i32
    return %c0_i32, %c0_i32_0 : i32, i32
  }
  func.func @transform_2(%arg0: i32) -> (i32, i32) {
    %c0_i32 = arith.constant 0 : i32
    %c0_i32_0 = arith.constant 0 : i32
    %c0_i32_1 = arith.constant 0 : i32
    return %c0_i32, %c0_i32_0 : i32, i32
  }
  func.func @transform_3(%arg0: i32) -> (i32, i32) {
    %c0_i32 = arith.constant 0 : i32
    %c0_i32_0 = arith.constant 0 : i32
    return %arg0, %c0_i32 : i32, i32
  }
}

module attributes {stable_mosaic.version = 14 : i64} {
  func.func @_combine1_body(%arg0: i32, %arg1: memref<1000x80xf32, #tpu.memory_space<vmem>>, %arg2: memref<1000x80xf32, #tpu.memory_space<vmem>>, %arg3: memref<1000x64xf32, #tpu.memory_space<vmem>>, %arg4: memref<1000x64xf32, #tpu.memory_space<vmem>>) attributes {dimension_semantics = [#tpu.dimension_semantics<arbitrary>], iteration_bounds = array<i64: 10>, scalar_prefetch = 0 : i64, scratch_operands = 0 : i64, tpu.core_type = #tpu.core_type<tc>, window_params = [{transform_indices = @transform_0, window_bounds = array<i64: 1000, 80>}, {transform_indices = @transform_1, window_bounds = array<i64: 1000, 80>}, {transform_indices = @transform_2, window_bounds = array<i64: 1000, 64>}, {transform_indices = @transform_3, window_bounds = array<i64: 1000, 64>}]} {
    %get3A = arith.constant 0 : index
    %get3A_0 = arith.constant 0 : index
    %get3A_1 = vector.load %arg1[%get3A, %get3A_0] : memref<1000x80xf32, #tpu.memory_space<vmem>>, vector<1000x64xf32>
    %get3A_2 = arith.constant 0 : index
    %get3A_3 = arith.constant 0 : index
    %get3A_4 = vector.load %arg2[%get3A_2, %get3A_3] : memref<1000x80xf32, #tpu.memory_space<vmem>>, vector<1000x64xf32>
    %add3A = arith.addf %get3A_1, %get3A_4 : vector<1000x64xf32>
    %get3A_5 = arith.constant 0 : index
    %get3A_6 = arith.constant 64 : index
    %get3A_7 = vector.load %arg1[%get3A_5, %get3A_6] : memref<1000x80xf32, #tpu.memory_space<vmem>>, vector<1000x1xf32>
    %get3A_8 = arith.constant 0 : index
    %get3A_9 = arith.constant 64 : index
    %get3A_10 = vector.load %arg2[%get3A_8, %get3A_9] : memref<1000x80xf32, #tpu.memory_space<vmem>>, vector<1000x1xf32>
    %add3A_11 = arith.addf %get3A_7, %get3A_10 : vector<1000x1xf32>
    %get3A_12 = arith.constant 0 : index
    %get3A_13 = arith.constant 65 : index
    %get3A_14 = vector.load %arg1[%get3A_12, %get3A_13] : memref<1000x80xf32, #tpu.memory_space<vmem>>, vector<1000x1xf32>
    %get3A_15 = arith.constant 0 : index
    %get3A_16 = arith.constant 65 : index
    %get3A_17 = vector.load %arg2[%get3A_15, %get3A_16] : memref<1000x80xf32, #tpu.memory_space<vmem>>, vector<1000x1xf32>
    %add3A_18 = arith.addf %get3A_14, %get3A_17 : vector<1000x1xf32>
    %broadcast_in_dim3A = vector.shape_cast %add3A_11 : vector<1000x1xf32> to vector<1000x1xf32>
    %broadcast_in_dim3A_19 = vector.broadcast %broadcast_in_dim3A : vector<1000x1xf32> to vector<1000x32xf32>
    %broadcast_in_dim3A_20 = vector.shape_cast %add3A_18 : vector<1000x1xf32> to vector<1000x1xf32>
    %broadcast_in_dim3A_21 = vector.broadcast %broadcast_in_dim3A_20 : vector<1000x1xf32> to vector<1000x32xf32>
    %concatenate3A = tpu.concatenate %broadcast_in_dim3A_19, %broadcast_in_dim3A_21 in 1 : vector<1000x32xf32>, vector<1000x32xf32> -> vector<1000x64xf32>
    %gt3A = arith.constant 0.000000e+00 : f32
    %gt3A_22 = vector.broadcast %gt3A : f32 to vector<1000x64xf32>
    %gt3A_23 = arith.cmpf ogt, %concatenate3A, %gt3A_22 : vector<1000x64xf32>
    %gt3A_24 = arith.constant 0.000000e+00 : f32
    %gt3A_25 = vector.broadcast %gt3A_24 : f32 to vector<1000x64xf32>
    %gt3A_26 = arith.cmpf ogt, %concatenate3A, %gt3A_25 : vector<1000x64xf32>
    %jit3A = arith.constant 1.000000e+00 : f32
    %broadcast_in_dim3A_27 = vector.broadcast %jit3A : f32 to vector<1000x64xf32>
    %select_n3A = arith.select %gt3A_26, %concatenate3A, %broadcast_in_dim3A_27 : vector<1000x64xi1>, vector<1000x64xf32>
    %div3A = arith.divf %add3A, %select_n3A : vector<1000x64xf32>
    %jit3A_28 = arith.constant 0.000000e+00 : f32
    %broadcast_in_dim3A_29 = vector.broadcast %jit3A_28 : f32 to vector<1000x64xf32>
    %select_n3A_30 = arith.select %gt3A_23, %div3A, %broadcast_in_dim3A_29 : vector<1000x64xi1>, vector<1000x64xf32>
    %get3A_31 = arith.constant 0 : index
    %get3A_32 = arith.constant 0 : index
    %get3A_33 = vector.load %arg3[%get3A_31, %get3A_32] : memref<1000x64xf32, #tpu.memory_space<vmem>>, vector<1000x64xf32>
    %add3A_34 = arith.addf %select_n3A_30, %get3A_33 : vector<1000x64xf32>
    %max3A = arith.constant 0.000000e+00 : f32
    %max3A_35 = vector.broadcast %max3A : f32 to vector<1000x64xf32>
    %max3A_36 = arith.maximumf %add3A_34, %max3A_35 : vector<1000x64xf32>
    %swap3A = arith.constant 0 : index
    %swap3A_37 = arith.constant 0 : index
    %swap3A_38 = vector.load %arg4[%swap3A, %swap3A_37] : memref<1000x64xf32, #tpu.memory_space<vmem>>, vector<1000x64xf32>
    tpu.vector_store %arg4[%swap3A, %swap3A_37], %max3A_36 {strides = array<i32>} : memref<1000x64xf32, #tpu.memory_space<vmem>>, vector<1000x64xf32>,
    return
  }
  func.func @transform_0(%arg0: i32) -> (i32, i32) {
    %c0_i32 = arith.constant 0 : i32
    %c0_i32_0 = arith.constant 0 : i32
    return %arg0, %c0_i32 : i32, i32
  }
  func.func @transform_1(%arg0: i32) -> (i32, i32) {
    %add3A = arith.constant 10 : i32
    %add3A_0 = arith.addi %arg0, %add3A : i32
    %c0_i32 = arith.constant 0 : i32
    %c0_i32_1 = arith.constant 0 : i32
    return %add3A_0, %c0_i32 : i32, i32
  }
  func.func @transform_2(%arg0: i32) -> (i32, i32) {
    %c0_i32 = arith.constant 0 : i32
    %c0_i32_0 = arith.constant 0 : i32
    return %arg0, %c0_i32 : i32, i32
  }
  func.func @transform_3(%arg0: i32) -> (i32, i32) {
    %c0_i32 = arith.constant 0 : i32
    %c0_i32_0 = arith.constant 0 : i32
    return %arg0, %c0_i32 : i32, i32
  }
}

module attributes {stable_mosaic.version = 14 : i64} {
  func.func @_combine2_body(%arg0: i32, %arg1: memref<1000x128xf32, #tpu.memory_space<vmem>>, %arg2: memref<1000x128xf32, #tpu.memory_space<vmem>>, %arg3: memref<1000x64xf32, #tpu.memory_space<vmem>>) attributes {dimension_semantics = [#tpu.dimension_semantics<arbitrary>], iteration_bounds = array<i64: 10>, scalar_prefetch = 0 : i64, scratch_operands = 0 : i64, tpu.core_type = #tpu.core_type<tc>, window_params = [{transform_indices = @transform_0, window_bounds = array<i64: 1000, 128>}, {transform_indices = @transform_1, window_bounds = array<i64: 1000, 128>}, {transform_indices = @transform_2, window_bounds = array<i64: 1000, 64>}]} {
    %get3A = arith.constant 0 : index
    %get3A_0 = arith.constant 0 : index
    %get3A_1 = vector.load %arg1[%get3A, %get3A_0] : memref<1000x128xf32, #tpu.memory_space<vmem>>, vector<1000x64xf32>
    %get3A_2 = arith.constant 0 : index
    %get3A_3 = arith.constant 0 : index
    %get3A_4 = vector.load %arg2[%get3A_2, %get3A_3] : memref<1000x128xf32, #tpu.memory_space<vmem>>, vector<1000x64xf32>
    %add3A = arith.addf %get3A_1, %get3A_4 : vector<1000x64xf32>
    %get3A_5 = arith.constant 0 : index
    %get3A_6 = arith.constant 64 : index
    %get3A_7 = vector.load %arg1[%get3A_5, %get3A_6] : memref<1000x128xf32, #tpu.memory_space<vmem>>, vector<1000x64xf32>
    %get3A_8 = arith.constant 0 : index
    %get3A_9 = arith.constant 64 : index
    %get3A_10 = vector.load %arg2[%get3A_8, %get3A_9] : memref<1000x128xf32, #tpu.memory_space<vmem>>, vector<1000x64xf32>
    %add3A_11 = arith.addf %get3A_7, %get3A_10 : vector<1000x64xf32>
    %gt3A = arith.constant 0.000000e+00 : f32
    %gt3A_12 = vector.broadcast %gt3A : f32 to vector<1000x64xf32>
    %gt3A_13 = arith.cmpf ogt, %add3A, %gt3A_12 : vector<1000x64xf32>
    %gt3A_14 = arith.constant 0.000000e+00 : f32
    %gt3A_15 = vector.broadcast %gt3A_14 : f32 to vector<1000x64xf32>
    %gt3A_16 = arith.cmpf ogt, %add3A, %gt3A_15 : vector<1000x64xf32>
    %jit3A = arith.constant 1.000000e+00 : f32
    %broadcast_in_dim3A = vector.broadcast %jit3A : f32 to vector<1000x64xf32>
    %select_n3A = arith.select %gt3A_16, %add3A, %broadcast_in_dim3A : vector<1000x64xi1>, vector<1000x64xf32>
    %div3A = arith.divf %add3A_11, %select_n3A : vector<1000x64xf32>
    %jit3A_17 = arith.constant 0.000000e+00 : f32
    %broadcast_in_dim3A_18 = vector.broadcast %jit3A_17 : f32 to vector<1000x64xf32>
    %select_n3A_19 = arith.select %gt3A_13, %div3A, %broadcast_in_dim3A_18 : vector<1000x64xi1>, vector<1000x64xf32>
    %swap3A = arith.constant 0 : index
    %swap3A_20 = arith.constant 0 : index
    %swap3A_21 = vector.load %arg3[%swap3A, %swap3A_20] : memref<1000x64xf32, #tpu.memory_space<vmem>>, vector<1000x64xf32>
    tpu.vector_store %arg3[%swap3A, %swap3A_20], %select_n3A_19 {strides = array<i32>} : memref<1000x64xf32, #tpu.memory_space<vmem>>, vector<1000x64xf32>,
    return
  }
  func.func @transform_0(%arg0: i32) -> (i32, i32) {
    %c0_i32 = arith.constant 0 : i32
    %c0_i32_0 = arith.constant 0 : i32
    return %arg0, %c0_i32 : i32, i32
  }
  func.func @transform_1(%arg0: i32) -> (i32, i32) {
    %add3A = arith.constant 10 : i32
    %add3A_0 = arith.addi %arg0, %add3A : i32
    %c0_i32 = arith.constant 0 : i32
    %c0_i32_1 = arith.constant 0 : i32
    return %add3A_0, %c0_i32 : i32, i32
  }
  func.func @transform_2(%arg0: i32) -> (i32, i32) {
    %c0_i32 = arith.constant 0 : i32
    %c0_i32_0 = arith.constant 0 : i32
    return %arg0, %c0_i32 : i32, i32
  }
}

</mosaic_0001>

<sc_bundles>
// kernel: kernel.11.cloned.1.call-start
scs
__scs_entry_jumppad:
0x0: {  	(pc) =	sbr.rel $0x88, $3  }
0x1: {  	(tag) =	ssettag $0x0;
	lr =	simm.s32 $0x1  }
0x2: {  	[smem:$0x3F97] =	sst lr;
	_ =	strace $0xD0000000  }
0x3: {  	_ = 	snop  }
0x4: {  	_ = 	snop  }
0x5: {  	_ = 	snop  }
0x6: {  	_ = 	snop  }
0x7: {  	_ = 	snop  }
__scs_overlays_trampoline_lowered:
0x8: {  	[smem:$0x3FA6] =	sst s0  }
0x9: {  	[smem:$0x3FA7] =	sst s1  }
0xa: {  	[smem:$0x3FA8] =	sst s2  }
0xb: {  	[smem:$0x3FA9] =	sst s3  }
0xc: {  	[smem:$0x3FAA] =	sst s4  }
0xd: {  	[smem:$0x3FAB] =	sst s5  }
0xe: {  	[smem:$0x3FAC] =	sst s6  }
0xf: {  	[smem:$0x3FAD] =	sst s7  }
0x10: {  	[smem:$0x3FAE] =	sst s8  }
0x11: {  	[smem:$0x3FAF] =	sst s9;
	s0 =	simm.s32 @!p0 $0x0  }
0x12: {  	s1 =	sld [smem:$0x3F95];
	s0 =	simm.s32 @p0 $0x1  }
0x13: {  	[smem:$0x3FB0] =	sst s0;
	s0 =	simm.s32 @!p1 $0x0  }
0x14: {  	s2 =	sld [smem:$0x3F94];
	s0 =	simm.s32 @p1 $0x1  }
0x15: {  	[smem:$0x3FB1] =	sst s0;
	s0 =	simm.s32 @!p2 $0x0  }
0x16: {  	s3 =	sld [smem:$0x3FDB];
	s0 =	simm.s32 @p2 $0x1  }
0x17: {  	s4 =	simm.s32 $0x1BF5;
	[smem:$0x3FB3] =	sst s0  }
0x18: {  	s0 =	sld [smem:$0x3F96];
	_ =	swait.ge [sflag:s4], $0x0  }
0x19: {  	s7 =	sld [smem:$0x3F97]  }
0x1a: {  	s8 =	sadd.s32 $0xFFFFE003, lr  }
0x1b: {  	s9 =	sadd.s32 $0xFFFFFEF7, lr;
	s5 =	simm.s32 $0xFFFFFFFF;
	p2 =	slt.u32 s8, $0xFFFFF086  }
0x1c: {  	p1 =	slt.u32 s9, $0xF7A;
	s5 =	simm.s32 @!p2 $0x0  }
0x1d: {  	s5 =	simm.s32 @p1 $0x1;
	p0 =	seq.s32 s7, s2  }
0x1e: {  	s7 =	smul.u32 @!p0 $0xF7A, s2;
	p2 =	seq.s32 @!p0 s5, $0x0  }
0x1f: {  	s9 =	smul.u32 $0xF7A, s1;
	s8 =	simm.s32 @!p0 $0x1BF5;
	p2 =	por !p2, p0  }
0x20: {  	[sflag:s8] =	ssyncset.s32 @!p0 $0xFFFFF086;
	s6 =	sadd.s32 @!p0 s3, s7;
	s7 =	simm.s32 @!p0 $0x108  }
0x21: {  	s3 =	sadd.s32 s3, s9;
	s6 =	sadd.s32 @!p0 $0x88, s6;
	s7 =	simm.s32 @p2 $0x1082  }
0x22: {  	[simem:s7], [sflag:s8] =	dma.local @!p0 [hbm:s6], $0xF7A  }
0x23: {  	s9 =	sor.u32 $0xD0000000, s2;
	s6 =	simm.s32 $0x108;
	_ =	swait.ge @!p0 [sflag:s8], $0x0  }
0x24: {  	s3 =	sadd.s32 $0x88, s3;
	s6 =	simm.s32 @!p1 $0x1082;
	[sflag:s4] =	ssyncset.s32 $0xFFFFF086  }
0x25: {  	[simem:s6], [sflag:s4] =	dma.local [hbm:s3], $0xF7A  }
0x26: {  	[smem:$0x3F97] =	sst s1;
	(tag) =	ssettag s2;
	_ =	strace s9  }
0x27: {  	s1 =	sld [smem:$0x3FA7]  }
0x28: {  	s2 =	sld [smem:$0x3FA8]  }
0x29: {  	s4 =	sld [smem:$0x3FAA]  }
0x2a: {  	p0 =	seq.s32 s5, $0x0;
	s5 =	sld [smem:$0x3FAB]  }
0x2b: {  	s6 =	sld [smem:$0x3FAC]  }
0x2c: {  	s7 =	sld [smem:$0x3FAD]  }
0x2d: {  	s3 =	simm.s32 $0x108;
	s8 =	sld [smem:$0x3FAE]  }
0x2e: {  	s3 =	simm.s32 @!p0 $0x1082;
	s9 =	sld [smem:$0x3FAF]  }
0x2f: {  	lr =	sadd.s32 s0, s3;
	s0 =	sld [smem:$0x3FA6]  }
0x30: {  	s3 =	sld [smem:$0x3FA9]  }
0x31: {  	[smem:$0x3FB2] =	sst s10  }
0x32: {  	s10 =	sld [smem:$0x3FB0];
	_ =	sdelay $0x3  }
0x33: {  	p0 =	seq.s32 s10, $0x1;
	s10 =	sld [smem:$0x3FB2];
	_ =	sdelay $0x3  }
0x34: {  	[smem:$0x3FB2] =	sst s10  }
0x35: {  	s10 =	sld [smem:$0x3FB1];
	_ =	sdelay $0x3  }
0x36: {  	p1 =	seq.s32 s10, $0x1;
	s10 =	sld [smem:$0x3FB2];
	_ =	sdelay $0x3  }
0x37: {  	[smem:$0x3FB2] =	sst s10  }
0x38: {  	s10 =	sld [smem:$0x3FB3]  }
0x39: {  	_ = 	snop;
	(pc) =	sbr.ind lr, $3  }
0x3a: {  	_ = 	snop  }
0x3b: {  	_ = 	snop  }
0x3c: {  	p2 =	seq.s32 s10, $0x1;
	s10 =	sld [smem:$0x3FB2]  }
0x3d: {  	_ =	shalt  }
0x3e: {  	_ =	shalt  }
0x3f: {  	_ =	shalt  }
0x40: {  	_ =	shalt  }
0x41: {  	_ =	shalt  }
0x42: {  	_ =	shalt  }
0x43: {  	_ =	shalt  }
0x44: {  	_ =	shalt  }
0x45: {  	_ =	shalt  }
0x46: {  	_ =	shalt  }
0x47: {  	_ =	shalt  }
0x48: {  	_ =	shalt  }
0x49: {  	_ =	shalt  }
0x4a: {  	_ =	shalt  }
0x4b: {  	_ =	shalt  }
0x4c: {  	_ =	shalt  }
0x4d: {  	_ =	shalt  }
0x4e: {  	_ =	shalt  }
0x4f: {  	_ =	shalt  }
0x50: {  	_ =	shalt  }
0x51: {  	_ =	shalt  }
0x52: {  	_ =	shalt  }
0x53: {  	_ =	shalt  }
0x54: {  	_ =	shalt  }
0x55: {  	_ =	shalt  }
0x56: {  	_ =	shalt  }
0x57: {  	_ =	shalt  }
0x58: {  	_ =	shalt  }
0x59: {  	_ =	shalt  }
0x5a: {  	_ =	shalt  }
0x5b: {  	_ =	shalt  }
0x5c: {  	_ =	shalt  }
0x5d: {  	_ =	shalt  }
0x5e: {  	_ =	shalt  }
0x5f: {  	_ =	shalt  }
0x60: {  	_ =	shalt  }
0x61: {  	_ =	shalt  }
0x62: {  	_ =	shalt  }
0x63: {  	_ =	shalt  }
0x64: {  	_ =	shalt  }
0x65: {  	_ =	shalt  }
0x66: {  	_ =	shalt  }
0x67: {  	_ =	shalt  }
0x68: {  	_ =	shalt  }
0x69: {  	_ =	shalt  }
0x6a: {  	_ =	shalt  }
0x6b: {  	_ =	shalt  }
0x6c: {  	_ =	shalt  }
0x6d: {  	_ =	shalt  }
0x6e: {  	_ =	shalt  }
0x6f: {  	_ =	shalt  }
0x70: {  	_ =	shalt  }
0x71: {  	_ =	shalt  }
0x72: {  	_ =	shalt  }
0x73: {  	_ =	shalt  }
0x74: {  	_ =	shalt  }
0x75: {  	_ =	shalt  }
0x76: {  	_ =	shalt  }
0x77: {  	_ =	shalt  }
0x78: {  	_ =	shalt  }
0x79: {  	_ =	shalt  }
0x7a: {  	_ =	shalt  }
0x7b: {  	_ =	shalt  }
0x7c: {  	_ =	shalt  }
0x7d: {  	_ =	shalt  }
0x7e: {  	_ =	shalt  }
0x7f: {  	_ =	shalt  }
0x80: {  	_ =	shalt  }
0x81: {  	_ =	shalt  }
0x82: {  	_ =	shalt  }
0x83: {  	_ =	shalt  }
0x84: {  	_ =	shalt  }
0x85: {  	_ =	shalt  }
0x86: {  	_ =	shalt  }
0x87: {  	_ =	shalt  }
.Lfunc_end0:
.L_simem_size_0:
called_computation.1_lowered:
.L_overlay_start_0:
0x88: {  	s2 =	sld [smem:$0x3FD9]  }
0x89: {  	s3 =	sld [smem:$0x3FFE];
	_ =	sdelay $0x1  }
0x8a: {  	s1 =	srdreg.scid  }
0x8b: {  	s0 =	sand.u32 $0x1, s1  }
0x8c: {  	s17 =	sshll.u32 s0, $0xA;
	s2 =	sadd.s32 s3, s2  }
0x8d: {  	s2 =	sadd.s32 s2, s17  }
0x8e: {  	[smem:$0x3FBE] =	sst s2  }
0x8f: {  	_ = 	snop  }
0x90: {  	s2 =	sld [smem:$0x3FD0];
	(tm) =	ssettm $0x1  }
0x91: {  	s18 =	sld [smem:$0x3FFB];
	_ =	sdelay $0x3  }
0x92: {  	_ =	strace s18  }
0x93: {  	s3 =	sld [smem:$0x3FFC];
	_ =	sdelay $0x3  }
0x94: {  	_ =	strace s3  }
0x95: {  	s3 =	sld [smem:$0x3FFD];
	_ =	sdelay $0x3  }
0x96: {  	_ =	strace s3  }
0x97: {  	_ =	strace $0x8FFFFFFF  }
0x98: {  	s19 =	sld [smem:$0x3FDB];
	_ =	sdelay $0x1  }
0x99: {  	s4 =	simm.s32 $_scs_section_size  }
0x9a: {  	s5 =	simm.s32 $_size__tile_overlayer_lowered;
	s6 =	simm.s32 $_tile_overlayer_lowered  }
0x9b: {  	s22 =	simm.s32 $0x1BFF;
	s21 =	sshll.u32 s6, $0x1;
	s3 =	sadd.s32 s4, s19  }
0x9c: {  	s7 =	simm.s32 $0x0;
	s20 =	sshll.u32 s5, $0x1;
	s5 =	sadd.s32 s21, s3  }
0x9d: {  	[timem:s7], [sflag:s22] =	dma.local [hbm:s5], s20  }
0x9e: {  	_ =	swait.ge [sflag:s22], s20  }
0x9f: {  	s4 =	ssub.s32 $0x0, s20;
	[sflag:s22] =	ssyncset.done $0x0  }
0xa0: {  	[sflag:s22] =	ssyncadd.s32 s4;
	_ =	sdelay $0x1  }
0xa1: {  	s23 =	simm.s32 $0x1B8B  }
0xa2: {  	_ =	swait.ge [sflag:s23], $0x1  }
0xa3: {  	[sflag:s23] =	ssyncset.done $0x0  }
0xa4: {  	s25 =	simm.s32 $0x1B8E;
	s24 =	sld [smem:$0x3FFE];
	[sflag:s23] =	ssyncadd.s32 $0xFFFFFFFF  }
0xa5: {  	s26 =	simm.s32 $execute0_lowered;
	[smem:$0x3FD2] =	sst s25  }
0xa6: {  	s5 =	sshll.u32 s26, $0x1;
	_ =	strace $0x80000049;
	[dreg:$0x1] =	wrdreg $0xFFFFFFFF  }
0xa7: {  	s28 =	simm.s32 $_size_execute0_lowered;
	s3 =	sadd.s32 s3, s5;
	[dreg:$0x0] =	wrdreg $0x0  }
0xa8: {  	s5 =	sshll.u32 s28, $0x1;
	[dreg:$0x2] =	wrdreg s3  }
0xa9: {  	[dreg:$0x3] =	wrdreg s5  }
0xaa: {  	[dreg:$0x4] =	wrdreg $0xC0  }
0xab: {  	_ =	task [dreg:s7], $0x5FFFF  }
0xac: {  	[dreg:$0x1] =	wrdreg $0xFFFFFFFF  }
0xad: {  	[dreg:$0x0] =	wrdreg $0x60  }
0xae: {  	[dreg:$0x2] =	wrdreg s24  }
0xaf: {  	[dreg:$0x3] =	wrdreg s2  }
0xb0: {  	[dreg:$0x4] =	wrdreg $0x7EC00  }
0xb1: {  	[dreg:$0x5] =	wrdreg $0x9  }
0xb2: {  	_ =	task.clear_ibuf [dreg:s7], $0x6FFFF;
	_ =	strace $0x90000049  }
0xb3: {  	s29 =	simm.s32 $0x9;
	_ =	strace $0x8000004B  }
0xb4: {  	_ =	swait.ge [sflag:s29], $0x1  }
0xb5: {  	[sflag:s29] =	ssyncadd.s32 $0xFFFFFFFF  }
0xb6: {  	_ =	strace $0x9000004B  }
0xb7: {  	_ =	sfence  }
0xb8: {  	s30 =	sld [smem:$0x0];
	_ =	sdelay $0x2  }
0xb9: {  	s31 =	sshll.u32 s1, $0xD;
	s1 =	sshrl.u32 s1, $0x2  }
0xba: {  	s3 =	sand.u32 $0x4000, s31;
	s1 =	sadd.s32 s1, s30  }
0xbb: {  	s0 =	sor.u32 s3, s0;
	s1 =	sshll.u32 s1, $0x11  }
0xbc: {  	s0 =	sor.u32 s1, s0  }
0xbd: {  	s0 =	sadd.s32 $0x8F2B, s0  }
0xbe: {  	[sflag:s0] =	ssyncadd.remote.s32 $0x1  }
0xbf: {  	_ =	sfence.sel $0xFFFF  }
0xc0: {  	[dreg:$0x0] =	wrdreg $0xFFFFFFFF;
	(pc) =	sbr.abs _section_cstart, $3  }
0xc1: {  	[dreg:$0x1] =	wrdreg $0xFFFFFFFF  }
0xc2: {  	_ =	task.clear_ibuf [dreg:s7], $0x2FFFF;
	_ =	strace $0x9FFFFFFF  }
0xc3: {  	(tm) =	ssettm $0x7FFFFFFF  }
tec
execute0_lowered:
.L_overlay_start_1:
0x0: {  	(tag) =	ssettag $0x1  }
0x1: {  	s0 =	rddreg [dreg:$0x0]  }
0x2: {  	s1 =	rddreg [dreg:$0x1]  }
0x3: {  	s2 =	rddreg [dreg:$0x2];
	s4 =	simm.s32 $0x0  }
0x4: {  	s3 =	srdreg.scid;
	s18 =	stileid.u32;
	s30 =	simm.s32 $0x1  }
0x5: {  	s31 =	simm.s32 $0xE0;
	s28 =	simm.s32 $0x33C0;
	s29 =	simm.s32 $0x4CC0  }
0x6: {  	[smem:$0x7FF] =	sst s4;
	s3 =	sand.u32 $0x1, s3;
	s10 =	smul.u32 $0x13C00, s18  }
0x7: {  	s5 =	sadd.s32 $0x17A00, s0;
	s6 =	sadd.s32 $0x1C00, s0;
	s12 =	smul.u32 $0x2780, s18  }
0x8: {  	s15 =	sadd.s32 $0x30F200, s0;
	s24 =	smul.u32 $0x4F000, s18;
	p0 =	seq.s32 s18, $0xF  }
0x9: {  	_ =	strace $0x8000004A;
	s7 =	sshll.u32 s3, $0x4;
	s19 =	smul.u32 $0x27100, s3  }
0xa: {  	s14 =	ssub.s32 $0x2, s3;
	s21 =	smul.u32 $0x138800, s3;
	s11 =	sor.u32 s18, s7  }
0xb: {  	s7 =	sadd.s32 $0x9E200, s0;
	s9 =	sshrl.u32 s10, $0x3;
	s8 =	smul.u32 $0x190, s11  }
0xc: {  	s16 =	sshrl.u32 s14, $0x1;
	s13 =	sadd.s32 s9, s0;
	s9 =	smul.u32 $0x4E20, s11  }
0xd: {  	s10 =	sadd.s32 s10, s2;
	s25 =	sshrl.u32 s24, $0x2;
	s17 =	smul.u32 $0xAF0, s11  }
0xe: {  	s24 =	simm.s32 $0x32;
	s14 =	ssub.s32 s14, s16;
	s11 =	smul.u32 $0x13880, s11  }
0xf: {  	s0 =	sadd.s32 $0x52880, s0;
	s23 =	sadd.s32 s12, s19;
	s12 =	simm.s32 $0x188  }
0x10: {  	s13 =	sadd.s32 $0x2D800, s13;
	[dreg:$0x5] =	wrdreg s0;
	s3 =	sadd.s32 s15, s23  }
0x11: {  	s0 =	sshrl.u32 s21, $0x3;
	s26 =	smax.u32 s14, $0x1;
	[dreg:$0x4] =	wrdreg s13  }
0x12: {  	s21 =	simm.s32 $0x2;
	s23 =	simm.s32 $0x2740;
	[dreg:$0x9] =	wrdreg s3  }
0x13: {  	s13 =	sadd.s32 $0x128400, s2;
	s20 =	sadd.s32 s5, s17;
	[dreg:$0xb] =	wrdreg s26  }
0x14: {  	s22 =	sadd.s32 s6, s17;
	s11 =	sadd.s32 s7, s11;
	[dreg:$0x6] =	wrdreg s20  }
0x15: {  	s0 =	sadd.s32 s15, s0;
	s3 =	sadd.s32 s25, s2;
	[dreg:$0x7] =	wrdreg s22  }
0x16: {  	s26 =	simm.s32 $0x118;
	[dreg:$0x8] =	wrdreg s11;
	s0 =	sadd.s32 $0x25080, s0  }
0x17: {  	s16 =	sshrl.u32 @p0 s13, $0x3;
	[dreg:$0xa] =	wrdreg s0;
	s0 =	sshll.u32 @!p0 s18, $0x6  }
0x18: {  	s22 =	simm.s32 $0x70;
	s17 =	sor.u32 @!p0 $0x1C02, s0;
	s0 =	sshrl.u32 @!p0 s10, $0x3  }
0x19: {  	s11 =	simm.s32 $0x65C0;
	s13 =	simm.s32 $0x0;
	[dreg:$0xd] =	wrdreg s0  }
0x1a: {  	s10 =	simm.s32 $0xA8;
	s0 =	sshrl.u32 @!p0 s3, $0x3;
	[dreg:$0xc] =	wrdreg s17  }
0x1b: {  	s3 =	simm.s32 $0x4040;
	[dreg:$0xe] =	wrdreg s0;
	s0 =	simm.s32 $0x150  }
.LBB2_1:
0x1c: {  	s14 =	simm.s32 @p0 $0x1FC2;
	s15 =	rddreg [dreg:$0x5]  }
0x1d: {  	[spmem:s16], [sflag:s14] =	dma.local @p0 [hbm:s15], $0x2080  }
0x1e: {  	s14 =	simm.s32 @p0 $0x2  }
0x1f: {  	_ =	swait.ge @p0 [sflag:s14], $0x2080  }
0x20: {  	[sflag:s14] =	ssyncset.done @p0 $0x0;
	s15 =	rddreg [dreg:$0xd]  }
0x21: {  	[sflag:s14] =	ssyncadd.s32 @p0 $0xFFFFDF80;
	s14 =	rddreg [dreg:$0x4]  }
0x22: {  	[spmem:s15], [sflag:s17] =	dma.local @!p0 [hbm:s14], $0x2780  }
0x23: {  	s14 =	simm.s32 @!p0 $0x2  }
0x24: {  	_ =	swait.ge @!p0 [sflag:s14], $0x2780  }
0x25: {  	[sflag:s14] =	ssyncset.done @!p0 $0x0  }
0x26: {  	[sflag:s14] =	ssyncadd.s32 @!p0 $0xFFFFD880  }
0x27: {  	[bflag:$0x0] =	sbarrier.arrive $0xFFFF  }
0x28: {  	s25 =	rddreg [dreg:$0x6]  }
0x29: {  	[tilespmem:s4], [sflag:$0x2] =	stream.linear.gather [hbm4b:s25+s4], $0x70, $0x38;
	[tilespmem:$0x1B740] =	vst v63  }
0x2a: {  	_ =	swait.ge [sflag:s21], $0x70  }
0x2b: {  	[sflag:s21] =	ssyncset.done $0x0  }
0x2c: {  	s15 =	rddreg [dreg:$0x7];
	[sflag:s21] =	ssyncadd.s32 $0xFFFFFF90  }
0x2d: {  	[tilespmem:s22], [sflag:$0x2] =	stream.linear.gather [hbm4b:s15+s4], $0x70, $0x38;
	[tilespmem:$0x1B740] =	vst v63  }
0x2e: {  	_ =	swait.ge [sflag:s21], $0x70  }
0x2f: {  	s19 =	smov.u32 s16;
	[sflag:s21] =	ssyncset.done $0x0  }
0x30: {  	s17 =	simm.s32 $0x1AC0;
	s16 =	rddreg [dreg:$0x8];
	[sflag:s21] =	ssyncadd.s32 $0xFFFFFF90  }
0x31: {  	[tilespmem:s17], [sflag:$0x1] =	stream.linear.gather [hbm4b:s16+s4], $0xC80, $0x38;
	[tilespmem:$0x1B740] =	vst v63  }
0x32: {  	s18 =	simm.s32 $0x1C0  }
0x33: {  	[tilespmem:s18], [sflag:$0x1] =	stream.indirect.gather [hbm4b:s1+s24], $0x40, s4, s24, $0xb8;
	[tilespmem:$0x1B740] =	vst v63  }
0x34: {  	s20 =	simm.s32 $0x38;
	s14 =	simm.s32 $0x0;
	s25 =	simm.s32 $0xE40  }
0x35: {  	[tilespmem:s25], [sflag:$0x1] =	stream.indirect.gather [hbm4b:s1+s24], $0x40, s20, s24, $0xb8;
	[tilespmem:$0x1B740] =	vst v63  }
.LBB2_2:
0x36: {  	_ =	swait.ge [sflag:s30], $0xC80  }
0x37: {  	[sflag:s30] =	ssyncset.done $0x0  }
0x38: {  	[sflag:s30] =	ssyncadd.s32 $0xFFFFF380  }
0x39: {  	s15 =	sshllo.u32 s14, $0x1;
	_ =	swait.ge [sflag:s30], $0xC80  }
0x3a: {  	s16 =	sshll.u32 s15, $0x1;
	[sflag:s30] =	ssyncset.done $0x0  }
0x3b: {  	s16 =	sadd.s32 s8, s16;
	[sflag:s30] =	ssyncadd.s32 $0xFFFFF380  }
0x3c: {  	s16 =	smul.u32 $0x7, s16;
	_ =	swait.ge [sflag:s30], $0xC80  }
0x3d: {  	[sflag:s30] =	ssyncset.done $0x0  }
0x3e: {  	s17 =	sadd.s32 s5, s16;
	[sflag:s30] =	ssyncadd.s32 $0xFFFFF380  }
0x3f: {  	[tilespmem:s31], [sflag:$0x2] =	stream.linear.gather [hbm4b:s17+s4], $0x70, $0x38;
	[tilespmem:$0x1B740] =	vst v63  }
0x40: {  	s15 =	smul.u32 $0x64, s15;
	_ =	swait.ge [sflag:s21], $0x70  }
0x41: {  	[sflag:s21] =	ssyncset.done $0x0  }
0x42: {  	s15 =	sadd.s32 s9, s15;
	s16 =	sadd.s32 s6, s16;
	[sflag:s21] =	ssyncadd.s32 $0xFFFFFF90  }
0x43: {  	[tilespmem:s0], [sflag:$0x2] =	stream.linear.gather [hbm4b:s16+s4], $0x70, $0x38;
	[tilespmem:$0x1B740] =	vst v63  }
0x44: {  	s15 =	sshll.u32 s15, $0x2;
	_ =	swait.ge [sflag:s21], $0x70  }
0x45: {  	s15 =	sand.u32 $0x1FFFFFF0, s15;
	[sflag:s21] =	ssyncset.done $0x0  }
0x46: {  	s15 =	sadd.s32 s7, s15;
	[sflag:s21] =	ssyncadd.s32 $0xFFFFFF90  }
0x47: {  	[tilespmem:s3], [sflag:$0x1] =	stream.linear.gather [hbm4b:s15+s4], $0xC80, $0x38;
	[tilespmem:$0x1B740] =	vst v63  }
0x48: {  	_ = 	snop  }
0x49: {  	[tilespmem:s23], [sflag:$0x1] =	stream.indirect.gather [hbm4b:s1+s24], $0x40, s31, s24, $0xb8;
	[tilespmem:$0x1B740] =	vst v63  }
0x4a: {  	s17 =	simm.s32 $0x1E0  }
0x4b: {  	[tilespmem:s28], [sflag:$0x1] =	stream.indirect.gather [hbm4b:s1+s24], $0x40, s26, s24, $0xb8;
	[tilespmem:$0x1B740] =	vst v63  }
0x4c: {  	v0 =	vld [tilespmem:s17+$0x0]  }
0x4d: {  	s18 =	simm.s32 $0x10;
	v1 =	vld [tilespmem:s17+$0xFFFFFFE0]  }
0x4e: {  	v3 =	vld [tilespmem:s18+$0x1AB0];
	_ =	sdelay $0x2  }
0x4f: {  	v2 =	vld [tilespmem:s17+$0x10]  }
0x50: {  	v4 =	vld [tilespmem:s18+$0x1AC0]  }
0x51: {  	v1 =	vadd.f32 v1, v3;
	v0 =	vadd.f32 v0, v3;
	v3 =	vld [tilespmem:s17+$0xFFFFFFF0];
	_ =	sdelay $0x1  }
0x52: {  	s20 =	simm.s32 $0x4D00  }
0x53: {  	s25 =	simm.s32 $0xC0;
	s16 =	simm.s32 $0x4D00;
	s15 =	sshll.u32 s14, $0x1;
	v6 =	vmul.f32 $1.442695020e+00, v1;
	v5 =	vmul.f32 $1.442695020e+00, v0  }
.LBB2_3:
0x54: {  	p1 =	sne.s32 s25, $0x31C0;
	s20 =	sadd.s32 $0x80, s20;
	s17 =	sadd.s32 $0x40, s17  }
0x55: {  	s18 =	smov.u32 s25;
	s25 =	sadd.s32 $0x80, s25;
	v3 =	vadd.f32 v3, v4;
	v2 =	vadd.f32 v2, v4;
	(erf) = vpow2.f32 v6  }
0x56: {  	(erf) = vpow2.f32 v5  }
0x57: {  	v4 =	vmul.f32 $1.442695020e+00, v3;
	v5 =	vmul.f32 $1.442695020e+00, v2;
	_ =	sdelay $0x1  }
0x58: {  	(erf) = vpow2.f32 v4  }
0x59: {  	(erf) = vpow2.f32 v5  }
0x5a: {  	s18 =	sshra.s32 s18, $0x2;
	_ =	sdelay $0x2  }
0x5b: {  	v4 =	vpop (erf)  }
0x5c: {  	[tilespmem:s16+$0xFFFFFFC0] =	vst v4;
	v1 =	vmul.f32 v4, v1;
	v4 =	vpop (erf)  }
0x5d: {  	[tilespmem:s16+$0xFFFFFFE0] =	vst v4;
	v4 =	vmul.f32 v4, v0  }
0x5e: {  	[tilespmem:s16+$0x0] =	vst v1  }
0x5f: {  	[tilespmem:s16+$0x20] =	vst v4;
	v0 =	vpop (erf)  }
0x60: {  	[tilespmem:s16+$0xFFFFFFD0] =	vst v0;
	v0 =	vmul.f32 v0, v3;
	v1 =	vpop (erf)  }
0x61: {  	[tilespmem:s16+$0xFFFFFFF0] =	vst v1;
	v1 =	vmul.f32 v1, v2  }
0x62: {  	[tilespmem:s16+$0x10] =	vst v0  }
0x63: {  	[tilespmem:s16+$0x30] =	vst v1;
	s16 =	smov.u32 s20  }
0x64: {  	v0 =	vld [tilespmem:s17+$0x0]  }
0x65: {  	v1 =	vld [tilespmem:s17+$0xFFFFFFE0]  }
0x66: {  	v5 =	vld [tilespmem:s18+$0x1AB0];
	_ =	sdelay $0x1  }
0x67: {  	v2 =	vld [tilespmem:s17+$0x10]  }
.Ltmp0:
0x68: {  	v3 =	vld [tilespmem:s17+$0xFFFFFFF0];
	(pc) =	sbr.rel @p1 .LBB2_3-.Ltmp0, $3  }
0x69: {  	v4 =	vld [tilespmem:s18+$0x1AC0]  }
0x6a: {  	v1 =	vadd.f32 v1, v5;
	v0 =	vadd.f32 v0, v5;
	_ =	sdelay $0x1  }
0x6b: {  	v6 =	vmul.f32 $1.442695020e+00, v1;
	v5 =	vmul.f32 $1.442695020e+00, v0  }
0x6c: {  	_ = 	snop  }
0x6d: {  	(erf) = vpow2.f32 v6  }
0x6e: {  	(erf) = vpow2.f32 v5  }
0x6f: {  	v3 =	vadd.f32 v3, v4  }
0x70: {  	v2 =	vadd.f32 v2, v4  }
0x71: {  	v4 =	vmul.f32 $1.442695020e+00, v3  }
0x72: {  	v5 =	vmul.f32 $1.442695020e+00, v2  }
0x73: {  	(erf) = vpow2.f32 v4  }
0x74: {  	(erf) = vpow2.f32 v5;
	_ =	sdelay $0x1  }
0x75: {  	v4 =	vpop (erf)  }
0x76: {  	[tilespmem:s16+$0xFFFFFFC0] =	vst v4;
	v1 =	vmul.f32 v4, v1;
	v4 =	vpop (erf)  }
0x77: {  	v0 =	vmul.f32 v4, v0;
	_ =	sdelay $0x1  }
0x78: {  	[tilespmem:s16+$0xFFFFFFE0] =	vst v4  }
0x79: {  	[tilespmem:s16+$0x0] =	vst v1  }
0x7a: {  	[tilespmem:s16+$0x20] =	vst v0;
	v0 =	vpop (erf)  }
0x7b: {  	[tilespmem:s16+$0xFFFFFFD0] =	vst v0;
	v0 =	vmul.f32 v0, v3;
	v1 =	vpop (erf)  }
0x7c: {  	[tilespmem:s16+$0xFFFFFFF0] =	vst v1;
	v1 =	vmul.f32 v1, v2  }
0x7d: {  	[tilespmem:s16+$0x10] =	vst v0  }
0x7e: {  	[tilespmem:s16+$0x30] =	vst v1  }
0x7f: {  	[spmem:s2] =	stream.indirect.scatter.add.f32 [tilespmem:s29], [sflag:$0x2], $0x80, s22, s24, $0xb8;
	[tilespmem:$0x1B740] =	vst v63  }
0x80: {  	_ =	swait.ge [sflag:s21], $0x1900  }
0x81: {  	[sflag:s21] =	ssyncset.done $0x0  }
0x82: {  	[sflag:s21] =	ssyncadd.s32 $0xFFFFE700  }
0x83: {  	[spmem:s2] =	stream.indirect.scatter.add.f32 [tilespmem:s11], [sflag:$0x2], $0x80, s10, s24, $0xb8;
	[tilespmem:$0x1B740] =	vst v63  }
0x84: {  	_ =	swait.ge [sflag:s21], $0x1900  }
0x85: {  	[sflag:s21] =	ssyncset.done $0x0  }
0x86: {  	[sflag:s21] =	ssyncadd.s32 $0xFFFFE700  }
0x87: {  	_ =	swait.ge [sflag:s30], $0xC80  }
0x88: {  	[sflag:s30] =	ssyncset.done $0x0  }
0x89: {  	p1 =	seq.s32 s14, $0x63;
	[sflag:s30] =	ssyncadd.s32 $0xFFFFF380  }
0x8a: {  	s15 =	sadd.s32 @!p1 $0x2, s15;
	_ =	swait.ge [sflag:s30], $0xC80  }
0x8b: {  	s16 =	sshll.u32 @!p1 s15, $0x1;
	[sflag:s30] =	ssyncset.done $0x0  }
0x8c: {  	s16 =	sadd.s32 @!p1 s8, s16;
	[sflag:s30] =	ssyncadd.s32 $0xFFFFF380  }
0x8d: {  	s16 =	smul.u32 @!p1 $0x7, s16;
	_ =	swait.ge [sflag:s30], $0xC80  }
0x8e: {  	[sflag:s30] =	ssyncset.done $0x0  }
0x8f: {  	s18 =	simm.s32 @!p1 $0x0;
	s17 =	sadd.s32 @!p1 s5, s16;
	[sflag:s30] =	ssyncadd.s32 $0xFFFFF380  }
0x90: {  	[tilespmem:s18], [sflag:$0x2] =	stream.linear.gather @!p1 [hbm4b:s17+s18], $0x70, $0x38;
	[tilespmem:$0x1B740] =	vst v63  }
0x91: {  	s17 =	simm.s32 @!p1 $0x2  }
0x92: {  	s15 =	smul.u32 @!p1 $0x64, s15;
	_ =	swait.ge @!p1 [sflag:s17], $0x70  }
0x93: {  	s20 =	simm.s32 @!p1 $0x70;
	[sflag:s17] =	ssyncset.done @!p1 $0x0  }
0x94: {  	s15 =	sadd.s32 @!p1 s9, s15;
	s16 =	sadd.s32 @!p1 s6, s16;
	[sflag:s17] =	ssyncadd.s32 @!p1 $0xFFFFFF90  }
0x95: {  	[tilespmem:s20], [sflag:$0x2] =	stream.linear.gather @!p1 [hbm4b:s16+s18], $0x70, $0x38;
	[tilespmem:$0x1B740] =	vst v63  }
0x96: {  	s15 =	sshll.u32 @!p1 s15, $0x2;
	_ =	swait.ge @!p1 [sflag:s17], $0x70  }
0x97: {  	s15 =	sand.u32 @!p1 $0x1FFFFFE0, s15;
	[sflag:s17] =	ssyncset.done @!p1 $0x0  }
0x98: {  	s15 =	sadd.s32 @!p1 s7, s15;
	s16 =	simm.s32 @!p1 $0x1AC0;
	[sflag:s17] =	ssyncadd.s32 @!p1 $0xFFFFFF90  }
0x99: {  	[tilespmem:s16], [sflag:$0x1] =	stream.linear.gather @!p1 [hbm4b:s15+s18], $0xC80, $0x38;
	[tilespmem:$0x1B740] =	vst v63  }
0x9a: {  	s15 =	simm.s32 @!p1 $0x32;
	s16 =	simm.s32 @!p1 $0x1C0  }
0x9b: {  	[tilespmem:s16], [sflag:$0x1] =	stream.indirect.gather @!p1 [hbm4b:s1+s15], $0x40, s18, s15, $0xb8;
	[tilespmem:$0x1B740] =	vst v63  }
0x9c: {  	s17 =	simm.s32 @!p1 $0xE40;
	s16 =	simm.s32 @!p1 $0x38  }
0x9d: {  	[tilespmem:s17], [sflag:$0x1] =	stream.indirect.gather @!p1 [hbm4b:s1+s15], $0x40, s16, s15, $0xb8;
	[tilespmem:$0x1B740] =	vst v63  }
0x9e: {  	s16 =	simm.s32 $0x2760  }
0x9f: {  	v0 =	vld [tilespmem:s16+$0x0]  }
0xa0: {  	s25 =	simm.s32 $0x10;
	v1 =	vld [tilespmem:s16+$0xFFFFFFE0]  }
0xa1: {  	v3 =	vld [tilespmem:s25+$0x4030];
	_ =	sdelay $0x2  }
0xa2: {  	v2 =	vld [tilespmem:s16+$0x10]  }
0xa3: {  	v4 =	vld [tilespmem:s25+$0x4040]  }
0xa4: {  	v1 =	vadd.f32 v1, v3;
	v0 =	vadd.f32 v0, v3;
	v3 =	vld [tilespmem:s16+$0xFFFFFFF0];
	_ =	sdelay $0x2  }
0xa5: {  	s20 =	simm.s32 $0xC0;
	s17 =	simm.s32 $0x4D00;
	s15 =	simm.s32 $0x4D00;
	v6 =	vmul.f32 $1.442695020e+00, v1;
	v5 =	vmul.f32 $1.442695020e+00, v0  }
.LBB2_5:
0xa6: {  	p1 =	sne.s32 s20, $0x31C0;
	s17 =	sadd.s32 $0x80, s17;
	s16 =	sadd.s32 $0x40, s16  }
0xa7: {  	s18 =	smov.u32 s20;
	s20 =	sadd.s32 $0x80, s20;
	v3 =	vadd.f32 v3, v4;
	v2 =	vadd.f32 v2, v4;
	(erf) = vpow2.f32 v6  }
0xa8: {  	(erf) = vpow2.f32 v5  }
0xa9: {  	v4 =	vmul.f32 $1.442695020e+00, v3;
	v5 =	vmul.f32 $1.442695020e+00, v2;
	_ =	sdelay $0x1  }
0xaa: {  	(erf) = vpow2.f32 v4  }
0xab: {  	(erf) = vpow2.f32 v5  }
0xac: {  	s18 =	sshra.s32 s18, $0x2;
	_ =	sdelay $0x2  }
0xad: {  	v4 =	vpop (erf)  }
0xae: {  	[tilespmem:s15+$0xFFFFFFC0] =	vst v4;
	v1 =	vmul.f32 v4, v1;
	v4 =	vpop (erf)  }
0xaf: {  	[tilespmem:s15+$0xFFFFFFE0] =	vst v4;
	v4 =	vmul.f32 v4, v0  }
0xb0: {  	[tilespmem:s15+$0x0] =	vst v1  }
0xb1: {  	[tilespmem:s15+$0x20] =	vst v4;
	v0 =	vpop (erf)  }
0xb2: {  	[tilespmem:s15+$0xFFFFFFD0] =	vst v0;
	v0 =	vmul.f32 v0, v3;
	v1 =	vpop (erf)  }
0xb3: {  	[tilespmem:s15+$0xFFFFFFF0] =	vst v1;
	v1 =	vmul.f32 v1, v2  }
0xb4: {  	[tilespmem:s15+$0x10] =	vst v0  }
0xb5: {  	[tilespmem:s15+$0x30] =	vst v1;
	s15 =	smov.u32 s17  }
0xb6: {  	v0 =	vld [tilespmem:s16+$0x0]  }
0xb7: {  	v1 =	vld [tilespmem:s16+$0xFFFFFFE0]  }
0xb8: {  	v5 =	vld [tilespmem:s18+$0x4030];
	_ =	sdelay $0x1  }
0xb9: {  	v2 =	vld [tilespmem:s16+$0x10]  }
.Ltmp1:
0xba: {  	v3 =	vld [tilespmem:s16+$0xFFFFFFF0];
	(pc) =	sbr.rel @p1 .LBB2_5-.Ltmp1, $3  }
0xbb: {  	v4 =	vld [tilespmem:s18+$0x4040]  }
0xbc: {  	v1 =	vadd.f32 v1, v5;
	v0 =	vadd.f32 v0, v5;
	_ =	sdelay $0x1  }
0xbd: {  	v6 =	vmul.f32 $1.442695020e+00, v1;
	v5 =	vmul.f32 $1.442695020e+00, v0  }
0xbe: {  	_ = 	snop  }
0xbf: {  	v3 =	vadd.f32 v3, v4;
	(erf) = vpow2.f32 v6  }
0xc0: {  	v2 =	vadd.f32 v2, v4;
	(erf) = vpow2.f32 v5  }
0xc1: {  	v58 =	vmul.f32 $1.442695020e+00, v3  }
0xc2: {  	v59 =	vmul.f32 $1.442695020e+00, v2  }
0xc3: {  	(erf) = vpow2.f32 v58  }
0xc4: {  	(erf) = vpow2.f32 v59;
	_ =	sdelay $0x3  }
0xc5: {  	v60 =	vpop (erf)  }
0xc6: {  	[tilespmem:s15+$0xFFFFFFC0] =	vst v60;
	v1 =	vmul.f32 v60, v1;
	v61 =	vpop (erf)  }
0xc7: {  	[tilespmem:s15+$0xFFFFFFE0] =	vst v61;
	v0 =	vmul.f32 v61, v0  }
0xc8: {  	[tilespmem:s15+$0x0] =	vst v1  }
0xc9: {  	[tilespmem:s15+$0x20] =	vst v0;
	v62 =	vpop (erf)  }
0xca: {  	[tilespmem:s15+$0xFFFFFFD0] =	vst v62;
	v0 =	vmul.f32 v62, v3;
	v63 =	vpop (erf)  }
0xcb: {  	[tilespmem:s15+$0xFFFFFFF0] =	vst v63;
	v1 =	vmul.f32 v63, v2  }
0xcc: {  	[tilespmem:s15+$0x10] =	vst v0  }
0xcd: {  	[tilespmem:s15+$0x30] =	vst v1  }
0xce: {  	[spmem:s2] =	stream.indirect.scatter.add.f32 [tilespmem:s29], [sflag:$0x2], $0x80, s0, s24, $0xb8;
	[tilespmem:$0x1B740] =	vst v63  }
0xcf: {  	s14 =	sadd.s32 $0x1, s14;
	_ =	swait.ge [sflag:s21], $0x1900  }
0xd0: {  	p1 =	sne.s32 s14, $0x64;
	[sflag:s21] =	ssyncset.done $0x0  }
.Ltmp2:
0xd1: {  	[sflag:s21] =	ssyncadd.s32 $0xFFFFE700;
	(pc) =	sbr.rel @p1 .LBB2_2-.Ltmp2, $4  }
0xd2: {  	[spmem:s2] =	stream.indirect.scatter.add.f32 [tilespmem:s11], [sflag:$0x2], $0x80, s12, s24, $0xb8;
	[tilespmem:$0x1B740] =	vst v63  }
0xd3: {  	_ =	swait.ge [sflag:s21], $0x1900  }
0xd4: {  	[sflag:s21] =	ssyncset.done $0x0  }
0xd5: {  	[sflag:s21] =	ssyncadd.s32 $0xFFFFE700  }
0xd6: {  	[bflag:$0x0] =	sbarrier.arrive $0xFFFF  }
0xd7: {  	s14 =	simm.s32 @p0 $0x1FC2;
	s15 =	rddreg [dreg:$0xa]  }
0xd8: {  	[hbm:s15], [sflag:s14] =	dma.local @p0 [spmem:s19], $0x2080  }
0xd9: {  	s14 =	simm.s32 @p0 $0x2  }
0xda: {  	_ =	swait.ge @p0 [sflag:s14], $0x2080  }
0xdb: {  	s17 =	rddreg [dreg:$0xc]  }
0xdc: {  	[sflag:s14] =	ssyncset.done @p0 $0x0;
	s15 =	rddreg [dreg:$0xe]  }
0xdd: {  	[sflag:s14] =	ssyncadd.s32 @p0 $0xFFFFDF80;
	s14 =	rddreg [dreg:$0x9]  }
0xde: {  	[hbm:s14], [sflag:s17] =	dma.local @!p0 [spmem:s15], $0x2780  }
0xdf: {  	s14 =	simm.s32 @!p0 $0x2  }
0xe0: {  	_ =	swait.ge @!p0 [sflag:s14], $0x2780  }
0xe1: {  	s13 =	sadd.s32 $0x1, s13;
	s25 =	rddreg [dreg:$0xb]  }
0xe2: {  	p1 =	sne.s32 s13, s25  }
.Ltmp3:
0xe3: {  	_ = 	snop;
	(pc) =	sbr.rel @p1 .LBB2_1-.Ltmp3, $3  }
0xe4: {  	_ =	sdelay $0x1  }
0xe5: {  	[sflag:s14] =	ssyncset.done @!p0 $0x0  }
0xe6: {  	s16 =	smov.u32 s19;
	[sflag:s14] =	ssyncadd.s32 @!p0 $0xFFFFD880  }
0xe7: {  	_ =	sfence.sel $0x180000  }
0xe8: {  	[bflag:$0x0] =	sbarrier.arrive $0xFFFF  }
0xe9: {  	_ =	strace $0x9000004A  }
0xea: {  	s0 =	stileid.u32;
	[bflag:$0x2] =	sbarrier.arrive $0xFFFF  }
0xeb: {  	p0 =	sne.s32 s0, $0x0;
	s0 =	rddreg [dreg:$0x3]  }
0xec: {  	s0 =	sadd.s32 @!p0 $0x100000, s0  }
0xed: {  	[sflag:s0] =	ssyncadd.tile.s32 @!p0 $0x1;
	_ =	shalt  }
.Lfunc_end2:
_tile_overlayer_lowered:
.L_overlay_start_2:
0xee: {  	(tag) =	ssettag $0x2  }
0xef: {  	s0 =	rddreg [dreg:$0x0];
	s2 =	stileid.u32  }
0xf0: {  	s1 =	rddreg [dreg:$0x1];
	p0 =	sne.s32 s2, $0x0  }
0xf1: {  	s3 =	rddreg [dreg:$0x2];
	[bflag:$0x3] =	sbarrier.arrive $0xFFFF;
	s2 =	simm.s32 @!p0 $0x1C02  }
0xf2: {  	[timem:s3], [sflag:s2] =	dma.local @!p0 [hbm:s0], s1  }
0xf3: {  	s0 =	simm.s32 @!p0 $0x2  }
0xf4: {  	_ =	swait.ge @!p0 [sflag:s0], s1  }
0xf5: {  	s1 =	ssub.s32 @!p0 $0x0, s1;
	[sflag:s0] =	ssyncset.done @!p0 $0x0  }
0xf6: {  	[sflag:s0] =	ssyncadd.s32 @!p0 s1  }
0xf7: {  	[bflag:$0x3] =	sbarrier.arrive $0xFFFF  }
0xf8: {  	_ =	shalt  }

// kernel: kernel.8.cloned.1.call-start
scs
__scs_entry_jumppad:
0x0: {  	(pc) =	sbr.rel $0x88, $3  }
0x1: {  	(tag) =	ssettag $0x0;
	lr =	simm.s32 $0x1  }
0x2: {  	[smem:$0x3F97] =	sst lr;
	_ =	strace $0xD0000000  }
0x3: {  	_ = 	snop  }
0x4: {  	_ = 	snop  }
0x5: {  	_ = 	snop  }
0x6: {  	_ = 	snop  }
0x7: {  	_ = 	snop  }
__scs_overlays_trampoline_lowered:
0x8: {  	[smem:$0x3FA6] =	sst s0  }
0x9: {  	[smem:$0x3FA7] =	sst s1  }
0xa: {  	[smem:$0x3FA8] =	sst s2  }
0xb: {  	[smem:$0x3FA9] =	sst s3  }
0xc: {  	[smem:$0x3FAA] =	sst s4  }
0xd: {  	[smem:$0x3FAB] =	sst s5  }
0xe: {  	[smem:$0x3FAC] =	sst s6  }
0xf: {  	[smem:$0x3FAD] =	sst s7  }
0x10: {  	[smem:$0x3FAE] =	sst s8  }
0x11: {  	[smem:$0x3FAF] =	sst s9;
	s0 =	simm.s32 @!p0 $0x0  }
0x12: {  	s1 =	sld [smem:$0x3F95];
	s0 =	simm.s32 @p0 $0x1  }
0x13: {  	[smem:$0x3FB0] =	sst s0;
	s0 =	simm.s32 @!p1 $0x0  }
0x14: {  	s2 =	sld [smem:$0x3F94];
	s0 =	simm.s32 @p1 $0x1  }
0x15: {  	[smem:$0x3FB1] =	sst s0;
	s0 =	simm.s32 @!p2 $0x0  }
0x16: {  	s3 =	sld [smem:$0x3FDB];
	s0 =	simm.s32 @p2 $0x1  }
0x17: {  	s4 =	simm.s32 $0x1BF5;
	[smem:$0x3FB3] =	sst s0  }
0x18: {  	s0 =	sld [smem:$0x3F96];
	_ =	swait.ge [sflag:s4], $0x0  }
0x19: {  	s7 =	sld [smem:$0x3F97]  }
0x1a: {  	s8 =	sadd.s32 $0xFFFFE003, lr  }
0x1b: {  	s9 =	sadd.s32 $0xFFFFFEF7, lr;
	s5 =	simm.s32 $0xFFFFFFFF;
	p2 =	slt.u32 s8, $0xFFFFF086  }
0x1c: {  	p1 =	slt.u32 s9, $0xF7A;
	s5 =	simm.s32 @!p2 $0x0  }
0x1d: {  	s5 =	simm.s32 @p1 $0x1;
	p0 =	seq.s32 s7, s2  }
0x1e: {  	s7 =	smul.u32 @!p0 $0xF7A, s2;
	p2 =	seq.s32 @!p0 s5, $0x0  }
0x1f: {  	s9 =	smul.u32 $0xF7A, s1;
	s8 =	simm.s32 @!p0 $0x1BF5;
	p2 =	por !p2, p0  }
0x20: {  	[sflag:s8] =	ssyncset.s32 @!p0 $0xFFFFF086;
	s6 =	sadd.s32 @!p0 s3, s7;
	s7 =	simm.s32 @!p0 $0x108  }
0x21: {  	s3 =	sadd.s32 s3, s9;
	s6 =	sadd.s32 @!p0 $0x88, s6;
	s7 =	simm.s32 @p2 $0x1082  }
0x22: {  	[simem:s7], [sflag:s8] =	dma.local @!p0 [hbm:s6], $0xF7A  }
0x23: {  	s9 =	sor.u32 $0xD0000000, s2;
	s6 =	simm.s32 $0x108;
	_ =	swait.ge @!p0 [sflag:s8], $0x0  }
0x24: {  	s3 =	sadd.s32 $0x88, s3;
	s6 =	simm.s32 @!p1 $0x1082;
	[sflag:s4] =	ssyncset.s32 $0xFFFFF086  }
0x25: {  	[simem:s6], [sflag:s4] =	dma.local [hbm:s3], $0xF7A  }
0x26: {  	[smem:$0x3F97] =	sst s1;
	(tag) =	ssettag s2;
	_ =	strace s9  }
0x27: {  	s1 =	sld [smem:$0x3FA7]  }
0x28: {  	s2 =	sld [smem:$0x3FA8]  }
0x29: {  	s4 =	sld [smem:$0x3FAA]  }
0x2a: {  	p0 =	seq.s32 s5, $0x0;
	s5 =	sld [smem:$0x3FAB]  }
0x2b: {  	s6 =	sld [smem:$0x3FAC]  }
0x2c: {  	s7 =	sld [smem:$0x3FAD]  }
0x2d: {  	s3 =	simm.s32 $0x108;
	s8 =	sld [smem:$0x3FAE]  }
0x2e: {  	s3 =	simm.s32 @!p0 $0x1082;
	s9 =	sld [smem:$0x3FAF]  }
0x2f: {  	lr =	sadd.s32 s0, s3;
	s0 =	sld [smem:$0x3FA6]  }
0x30: {  	s3 =	sld [smem:$0x3FA9]  }
0x31: {  	[smem:$0x3FB2] =	sst s10  }
0x32: {  	s10 =	sld [smem:$0x3FB0];
	_ =	sdelay $0x3  }
0x33: {  	p0 =	seq.s32 s10, $0x1;
	s10 =	sld [smem:$0x3FB2];
	_ =	sdelay $0x3  }
0x34: {  	[smem:$0x3FB2] =	sst s10  }
0x35: {  	s10 =	sld [smem:$0x3FB1];
	_ =	sdelay $0x3  }
0x36: {  	p1 =	seq.s32 s10, $0x1;
	s10 =	sld [smem:$0x3FB2];
	_ =	sdelay $0x3  }
0x37: {  	[smem:$0x3FB2] =	sst s10  }
0x38: {  	s10 =	sld [smem:$0x3FB3]  }
0x39: {  	_ = 	snop;
	(pc) =	sbr.ind lr, $3  }
0x3a: {  	_ = 	snop  }
0x3b: {  	_ = 	snop  }
0x3c: {  	p2 =	seq.s32 s10, $0x1;
	s10 =	sld [smem:$0x3FB2]  }
0x3d: {  	_ =	shalt  }
0x3e: {  	_ =	shalt  }
0x3f: {  	_ =	shalt  }
0x40: {  	_ =	shalt  }
0x41: {  	_ =	shalt  }
0x42: {  	_ =	shalt  }
0x43: {  	_ =	shalt  }
0x44: {  	_ =	shalt  }
0x45: {  	_ =	shalt  }
0x46: {  	_ =	shalt  }
0x47: {  	_ =	shalt  }
0x48: {  	_ =	shalt  }
0x49: {  	_ =	shalt  }
0x4a: {  	_ =	shalt  }
0x4b: {  	_ =	shalt  }
0x4c: {  	_ =	shalt  }
0x4d: {  	_ =	shalt  }
0x4e: {  	_ =	shalt  }
0x4f: {  	_ =	shalt  }
0x50: {  	_ =	shalt  }
0x51: {  	_ =	shalt  }
0x52: {  	_ =	shalt  }
0x53: {  	_ =	shalt  }
0x54: {  	_ =	shalt  }
0x55: {  	_ =	shalt  }
0x56: {  	_ =	shalt  }
0x57: {  	_ =	shalt  }
0x58: {  	_ =	shalt  }
0x59: {  	_ =	shalt  }
0x5a: {  	_ =	shalt  }
0x5b: {  	_ =	shalt  }
0x5c: {  	_ =	shalt  }
0x5d: {  	_ =	shalt  }
0x5e: {  	_ =	shalt  }
0x5f: {  	_ =	shalt  }
0x60: {  	_ =	shalt  }
0x61: {  	_ =	shalt  }
0x62: {  	_ =	shalt  }
0x63: {  	_ =	shalt  }
0x64: {  	_ =	shalt  }
0x65: {  	_ =	shalt  }
0x66: {  	_ =	shalt  }
0x67: {  	_ =	shalt  }
0x68: {  	_ =	shalt  }
0x69: {  	_ =	shalt  }
0x6a: {  	_ =	shalt  }
0x6b: {  	_ =	shalt  }
0x6c: {  	_ =	shalt  }
0x6d: {  	_ =	shalt  }
0x6e: {  	_ =	shalt  }
0x6f: {  	_ =	shalt  }
0x70: {  	_ =	shalt  }
0x71: {  	_ =	shalt  }
0x72: {  	_ =	shalt  }
0x73: {  	_ =	shalt  }
0x74: {  	_ =	shalt  }
0x75: {  	_ =	shalt  }
0x76: {  	_ =	shalt  }
0x77: {  	_ =	shalt  }
0x78: {  	_ =	shalt  }
0x79: {  	_ =	shalt  }
0x7a: {  	_ =	shalt  }
0x7b: {  	_ =	shalt  }
0x7c: {  	_ =	shalt  }
0x7d: {  	_ =	shalt  }
0x7e: {  	_ =	shalt  }
0x7f: {  	_ =	shalt  }
0x80: {  	_ =	shalt  }
0x81: {  	_ =	shalt  }
0x82: {  	_ =	shalt  }
0x83: {  	_ =	shalt  }
0x84: {  	_ =	shalt  }
0x85: {  	_ =	shalt  }
0x86: {  	_ =	shalt  }
0x87: {  	_ =	shalt  }
.Lfunc_end0:
.L_simem_size_0:
called_computation_lowered:
.L_overlay_start_0:
0x88: {  	s2 =	sld [smem:$0x3FD9]  }
0x89: {  	s3 =	sld [smem:$0x3FFE];
	_ =	sdelay $0x1  }
0x8a: {  	s1 =	srdreg.scid  }
0x8b: {  	s0 =	sand.u32 $0x1, s1  }
0x8c: {  	s17 =	sshll.u32 s0, $0xA;
	s2 =	sadd.s32 s3, s2  }
0x8d: {  	s2 =	sadd.s32 s2, s17  }
0x8e: {  	[smem:$0x3FBE] =	sst s2  }
0x8f: {  	_ = 	snop  }
0x90: {  	s2 =	sld [smem:$0x3FD0];
	(tm) =	ssettm $0x1  }
0x91: {  	s18 =	sld [smem:$0x3FFB];
	_ =	sdelay $0x3  }
0x92: {  	_ =	strace s18  }
0x93: {  	s3 =	sld [smem:$0x3FFC];
	_ =	sdelay $0x3  }
0x94: {  	_ =	strace s3  }
0x95: {  	s3 =	sld [smem:$0x3FFD];
	_ =	sdelay $0x3  }
0x96: {  	_ =	strace s3  }
0x97: {  	_ =	strace $0x8FFFFFFF  }
0x98: {  	s19 =	sld [smem:$0x3FDB];
	_ =	sdelay $0x1  }
0x99: {  	s4 =	simm.s32 $_scs_section_size  }
0x9a: {  	s5 =	simm.s32 $_size__tile_overlayer_lowered;
	s6 =	simm.s32 $_tile_overlayer_lowered  }
0x9b: {  	s22 =	simm.s32 $0x1BFF;
	s21 =	sshll.u32 s6, $0x1;
	s3 =	sadd.s32 s4, s19  }
0x9c: {  	s7 =	simm.s32 $0x0;
	s20 =	sshll.u32 s5, $0x1;
	s5 =	sadd.s32 s21, s3  }
0x9d: {  	[timem:s7], [sflag:s22] =	dma.local [hbm:s5], s20  }
0x9e: {  	_ =	swait.ge [sflag:s22], s20  }
0x9f: {  	s4 =	ssub.s32 $0x0, s20;
	[sflag:s22] =	ssyncset.done $0x0  }
0xa0: {  	[sflag:s22] =	ssyncadd.s32 s4;
	_ =	sdelay $0x1  }
0xa1: {  	s23 =	simm.s32 $0x1B8B  }
0xa2: {  	_ =	swait.ge [sflag:s23], $0x1  }
0xa3: {  	[sflag:s23] =	ssyncset.done $0x0  }
0xa4: {  	s25 =	simm.s32 $0x1B8E;
	s24 =	sld [smem:$0x3FFE];
	[sflag:s23] =	ssyncadd.s32 $0xFFFFFFFF  }
0xa5: {  	s26 =	simm.s32 $execute0_lowered;
	[smem:$0x3FD2] =	sst s25  }
0xa6: {  	s5 =	sshll.u32 s26, $0x1;
	_ =	strace $0x80000046;
	[dreg:$0x1] =	wrdreg $0xFFFFFFFF  }
0xa7: {  	s28 =	simm.s32 $_size_execute0_lowered;
	s3 =	sadd.s32 s3, s5;
	[dreg:$0x0] =	wrdreg $0x0  }
0xa8: {  	s5 =	sshll.u32 s28, $0x1;
	[dreg:$0x2] =	wrdreg s3  }
0xa9: {  	[dreg:$0x3] =	wrdreg s5  }
0xaa: {  	[dreg:$0x4] =	wrdreg $0xC0  }
0xab: {  	_ =	task [dreg:s7], $0x5FFFF  }
0xac: {  	[dreg:$0x1] =	wrdreg $0xFFFFFFFF  }
0xad: {  	[dreg:$0x0] =	wrdreg $0x60  }
0xae: {  	[dreg:$0x2] =	wrdreg s24  }
0xaf: {  	[dreg:$0x3] =	wrdreg s2  }
0xb0: {  	[dreg:$0x4] =	wrdreg $0x10A400  }
0xb1: {  	[dreg:$0x5] =	wrdreg $0x9  }
0xb2: {  	_ =	task.clear_ibuf [dreg:s7], $0x6FFFF;
	_ =	strace $0x90000046  }
0xb3: {  	s29 =	simm.s32 $0x9;
	_ =	strace $0x80000048  }
0xb4: {  	_ =	swait.ge [sflag:s29], $0x1  }
0xb5: {  	[sflag:s29] =	ssyncadd.s32 $0xFFFFFFFF  }
0xb6: {  	_ =	strace $0x90000048  }
0xb7: {  	_ =	sfence  }
0xb8: {  	s30 =	sld [smem:$0x0];
	_ =	sdelay $0x2  }
0xb9: {  	s31 =	sshll.u32 s1, $0xD;
	s1 =	sshrl.u32 s1, $0x2  }
0xba: {  	s3 =	sand.u32 $0x4000, s31;
	s1 =	sadd.s32 s1, s30  }
0xbb: {  	s0 =	sor.u32 s3, s0;
	s1 =	sshll.u32 s1, $0x11  }
0xbc: {  	s0 =	sor.u32 s1, s0  }
0xbd: {  	s0 =	sadd.s32 $0x8F2B, s0  }
0xbe: {  	[sflag:s0] =	ssyncadd.remote.s32 $0x1  }
0xbf: {  	_ =	sfence.sel $0xFFFF  }
0xc0: {  	[dreg:$0x0] =	wrdreg $0xFFFFFFFF;
	(pc) =	sbr.abs _section_cstart, $3  }
0xc1: {  	[dreg:$0x1] =	wrdreg $0xFFFFFFFF  }
0xc2: {  	_ =	task.clear_ibuf [dreg:s7], $0x2FFFF;
	_ =	strace $0x9FFFFFFF  }
0xc3: {  	(tm) =	ssettm $0x7FFFFFFF  }
tec
execute0_lowered:
.L_overlay_start_1:
0x0: {  	(tag) =	ssettag $0x1  }
0x1: {  	s0 =	rddreg [dreg:$0x0]  }
0x2: {  	s1 =	rddreg [dreg:$0x1]  }
0x3: {  	s3 =	rddreg [dreg:$0x2];
	s2 =	simm.s32 $0x0;
	s15 =	stileid.u32  }
0x4: {  	s4 =	srdreg.scid;
	s18 =	simm.s32 $0x2;
	s28 =	simm.s32 $0x188  }
0x5: {  	s31 =	simm.s32 $0x1;
	s16 =	simm.s32 $0x8D00;
	s20 =	simm.s32 $0x348  }
0x6: {  	s19 =	simm.s32 $0xDB20;
	[smem:$0x7FF] =	sst s2;
	s21 =	smul.u32 $0xC580, s15  }
0x7: {  	s5 =	sadd.s32 $0x17A00, s0;
	s6 =	sadd.s32 $0x1C00, s0;
	s4 =	sand.u32 $0x1, s4  }
0x8: {  	s7 =	sadd.s32 $0x54A00, s0;
	s10 =	smul.u32 $0x18B0, s15;
	s14 =	sadd.s32 $0x6D400, s0  }
0x9: {  	s29 =	smul.u32 $0x31600, s15;
	p0 =	seq.s32 s15, $0xF;
	_ =	strace $0x80000047  }
0xa: {  	[dreg:$0x4] =	wrdreg s7;
	s8 =	sshll.u32 s4, $0x4;
	s23 =	smul.u32 $0x186A0, s4  }
0xb: {  	s9 =	ssub.s32 $0x2, s4;
	s24 =	smul.u32 $0xC3500, s4;
	s22 =	sshrl.u32 s21, $0x3  }
0xc: {  	s8 =	sor.u32 s15, s8;
	s11 =	sshrl.u32 s9, $0x1;
	s2 =	sadd.s32 s21, s3  }
0xd: {  	s4 =	sshrl.u32 s29, $0x2;
	s21 =	simm.s32 $0xE0;
	s15 =	simm.s32 $0x268  }
0xe: {  	s7 =	sadd.s32 s22, s0;
	s13 =	smul.u32 $0x190, s8;
	s9 =	ssub.s32 s9, s11  }
0xf: {  	s8 =	smul.u32 $0xAF0, s8;
	s11 =	sadd.s32 $0xB9280, s3;
	s0 =	sadd.s32 $0x6BE50, s0  }
0x10: {  	s4 =	sadd.s32 s4, s3;
	s22 =	simm.s32 $0x32;
	s7 =	sadd.s32 $0x54C00, s7  }
0x11: {  	[dreg:$0x6] =	wrdreg s0;
	s0 =	sshrl.u32 s24, $0x3;
	s30 =	smax.u32 s9, $0x1  }
0x12: {  	s24 =	simm.s32 $0xEAC0;
	s9 =	simm.s32 $0x0;
	[dreg:$0x5] =	wrdreg s7  }
0x13: {  	s25 =	sadd.s32 s5, s8;
	s26 =	sadd.s32 s6, s8;
	s12 =	sor.u32 $0x4, s13  }
0x14: {  	s13 =	sor.u32 $0x8, s13;
	s7 =	sadd.s32 s10, s23;
	[dreg:$0xb] =	wrdreg s30  }
0x15: {  	s0 =	sadd.s32 s14, s0;
	s10 =	sshrl.u32 @p0 s11, $0x3;
	[dreg:$0x7] =	wrdreg s25  }
0x16: {  	s23 =	simm.s32 $0x2A0;
	s11 =	simm.s32 $0x310;
	[dreg:$0x8] =	wrdreg s26  }
0x17: {  	s7 =	sadd.s32 s14, s7;
	s0 =	sadd.s32 $0x17250, s0;
	[dreg:$0xc] =	wrdreg s10  }
0x18: {  	s14 =	simm.s32 $0xB280;
	s25 =	simm.s32 $0xBF00;
	[dreg:$0x9] =	wrdreg s7  }
0x19: {  	s26 =	simm.s32 $0xFA60;
	[dreg:$0xa] =	wrdreg s0;
	s0 =	sshrl.u32 @!p0 s2, $0x3  }
0x1a: {  	s7 =	simm.s32 $0x2D8;
	[dreg:$0xd] =	wrdreg s0;
	s0 =	sshrl.u32 @!p0 s4, $0x3  }
0x1b: {  	vm0 =	vcmask $0x3F08;
	vm1 =	vmmov $0x1;
	s4 =	simm.s32 $0xCB80;
	[dreg:$0xe] =	wrdreg s0;
	s0 =	simm.s32 $0x1C0  }
.LBB2_1:
0x1c: {  	[dreg:$0xf] =	wrdreg s9  }
0x1d: {  	s9 =	simm.s32 $0x0;
	s2 =	rddreg [dreg:$0x4];
	s8 =	simm.s32 $0x10A00  }
0x1e: {  	[tilespmem:s8], [sflag:$0x2] =	stream.linear.gather [hbm4b:s2+s9], $0x40, $0x38;
	[tilespmem:$0x1CD90] =	vst v63  }
0x1f: {  	_ =	swait.ge [sflag:s18], $0x40  }
0x20: {  	[sflag:s18] =	ssyncset.done $0x0  }
0x21: {  	s2 =	simm.s32 @p0 $0x1FC2;
	s8 =	rddreg [dreg:$0x6];
	[sflag:s18] =	ssyncadd.s32 $0xFFFFFFC0  }
0x22: {  	[spmem:s10], [sflag:s2] =	dma.local @p0 [hbm:s8], $0x1450  }
0x23: {  	s2 =	simm.s32 @p0 $0x2;
	s8 =	stileid.u32  }
0x24: {  	_ =	swait.ge @p0 [sflag:s2], $0x1450;
	s8 =	sshll.u32 @!p0 s8, $0x6  }
0x25: {  	[sflag:s2] =	ssyncset.done @p0 $0x0;
	s10 =	sor.u32 @!p0 $0x1C02, s8;
	s8 =	rddreg [dreg:$0xd]  }
0x26: {  	[sflag:s2] =	ssyncadd.s32 @p0 $0xFFFFEBB0;
	s2 =	rddreg [dreg:$0x5]  }
0x27: {  	[dreg:$0x10] =	wrdreg s10  }
0x28: {  	[spmem:s8], [sflag:s10] =	dma.local @!p0 [hbm:s2], $0x18B0  }
0x29: {  	s2 =	simm.s32 @!p0 $0x2  }
0x2a: {  	_ =	swait.ge @!p0 [sflag:s2], $0x18B0  }
0x2b: {  	[sflag:s2] =	ssyncset.done @!p0 $0x0  }
0x2c: {  	[sflag:s2] =	ssyncadd.s32 @!p0 $0xFFFFE750  }
0x2d: {  	[bflag:$0x0] =	sbarrier.arrive $0xFFFF  }
0x2e: {  	v0 =	vld [tilespmem:$0x10A00]  }
0x2f: {  	v1 =	vld [tilespmem:$0x10A10]  }
0x30: {  	v2 =	vld [tilespmem:$0x10A20];
	s17 =	rddreg [dreg:$0x7]  }
0x31: {  	v3 =	vld [tilespmem:$0x10A30];
	[tilespmem:s9], [sflag:$0x2] =	stream.linear.gather [hbm4b:s17+s9], $0xE0, $0x38  }
0x32: {  	_ =	swait.ge [sflag:s18], $0xE0  }
0x33: {  	[sflag:s18] =	ssyncset.done $0x0  }
0x34: {  	s29 =	rddreg [dreg:$0x8];
	[sflag:s18] =	ssyncadd.s32 $0xFFFFFF20  }
0x35: {  	[tilespmem:s21], [sflag:$0x2] =	stream.linear.gather [hbm4b:s29+s9], $0xE0, $0x38;
	[tilespmem:$0x1CD90] =	vst v63  }
0x36: {  	_ =	swait.ge [sflag:s18], $0xE0  }
0x37: {  	[sflag:s18] =	ssyncset.done $0x0  }
0x38: {  	s8 =	simm.s32 $0x380;
	[sflag:s18] =	ssyncadd.s32 $0xFFFFFF20  }
0x39: {  	[tilespmem:s8], [sflag:$0x1] =	stream.indirect.gather [hbm4b:s1+s22], $0x40, s9, s22, $0xb8;
	[tilespmem:$0x1CD90] =	vst v63  }
0x3a: {  	s10 =	simm.s32 $0x3580  }
0x3b: {  	[tilespmem:s10], [sflag:$0x1] =	stream.indirect.gather [hbm4b:s1+s22], $0x40, s21, s22, $0xb8;
	[tilespmem:$0x1CD90] =	vst v63  }
0x3c: {  	s17 =	simm.s32 $0x38;
	s29 =	simm.s32 $0x1000  }
0x3d: {  	[tilespmem:s29], [sflag:$0x1] =	stream.indirect.gather [hbm4b:s1+s22], $0x40, s17, s22, $0xb8;
	[tilespmem:$0x1CD90] =	vst v63  }
0x3e: {  	s9 =	simm.s32 $0x118;
	s10 =	simm.s32 $0x4200  }
0x3f: {  	[tilespmem:s10], [sflag:$0x1] =	stream.indirect.gather [hbm4b:s1+s22], $0x40, s9, s22, $0xb8;
	[tilespmem:$0x1CD90] =	vst v63  }
0x40: {  	s17 =	simm.s32 $0x70;
	s29 =	simm.s32 $0x1C80  }
0x41: {  	[tilespmem:s29], [sflag:$0x1] =	stream.indirect.gather [hbm4b:s1+s22], $0x40, s17, s22, $0xb8;
	[tilespmem:$0x1CD90] =	vst v63  }
0x42: {  	s8 =	simm.s32 $0x150;
	s9 =	simm.s32 $0x4E80  }
0x43: {  	[tilespmem:s9], [sflag:$0x1] =	stream.indirect.gather [hbm4b:s1+s22], $0x40, s8, s22, $0xb8;
	[tilespmem:$0x1CD90] =	vst v63  }
0x44: {  	s10 =	simm.s32 $0xA8;
	s17 =	simm.s32 $0x2900  }
0x45: {  	[tilespmem:s17], [sflag:$0x1] =	stream.indirect.gather [hbm4b:s1+s22], $0x40, s10, s22, $0xb8;
	[tilespmem:$0x1CD90] =	vst v63  }
0x46: {  	s30 =	simm.s32 $0x0;
	s29 =	simm.s32 $0x5B00  }
0x47: {  	[tilespmem:s29], [sflag:$0x1] =	stream.indirect.gather [hbm4b:s1+s22], $0x40, s28, s22, $0xb8;
	[tilespmem:$0x1CD90] =	vst v63  }
.LBB2_2:
0x48: {  	_ =	swait.ge [sflag:s31], $0xC80  }
0x49: {  	[sflag:s31] =	ssyncset.done $0x0  }
0x4a: {  	[sflag:s31] =	ssyncadd.s32 $0xFFFFF380  }
0x4b: {  	_ =	swait.ge [sflag:s31], $0xC80  }
0x4c: {  	[sflag:s31] =	ssyncset.done $0x0  }
0x4d: {  	[sflag:s31] =	ssyncadd.s32 $0xFFFFF380  }
0x4e: {  	_ =	swait.ge [sflag:s31], $0xC80  }
0x4f: {  	[sflag:s31] =	ssyncset.done $0x0  }
0x50: {  	[sflag:s31] =	ssyncadd.s32 $0xFFFFF380  }
0x51: {  	_ =	swait.ge [sflag:s31], $0xC80  }
0x52: {  	[sflag:s31] =	ssyncset.done $0x0  }
0x53: {  	[sflag:s31] =	ssyncadd.s32 $0xFFFFF380  }
0x54: {  	_ =	swait.ge [sflag:s31], $0xC80  }
0x55: {  	[sflag:s31] =	ssyncset.done $0x0  }
0x56: {  	[sflag:s31] =	ssyncadd.s32 $0xFFFFF380  }
0x57: {  	_ =	swait.ge [sflag:s31], $0xC80  }
0x58: {  	[sflag:s31] =	ssyncset.done $0x0  }
0x59: {  	[sflag:s31] =	ssyncadd.s32 $0xFFFFF380  }
0x5a: {  	_ =	swait.ge [sflag:s31], $0xC80  }
0x5b: {  	s2 =	sshll.u32 s30, $0x3;
	[sflag:s31] =	ssyncset.done $0x0  }
0x5c: {  	s8 =	sadd.s32 s2, s12;
	[sflag:s31] =	ssyncadd.s32 $0xFFFFF380  }
0x5d: {  	s8 =	smul.u32 $0x7, s8;
	_ =	swait.ge [sflag:s31], $0xC80  }
0x5e: {  	[sflag:s31] =	ssyncset.done $0x0  }
0x5f: {  	s10 =	simm.s32 $0x0;
	s9 =	sadd.s32 s5, s8;
	[sflag:s31] =	ssyncadd.s32 $0xFFFFF380  }
0x60: {  	[tilespmem:s0], [sflag:$0x2] =	stream.linear.gather [hbm4b:s9+s10], $0xE0, $0x38;
	[tilespmem:$0x1CD90] =	vst v63  }
0x61: {  	_ =	swait.ge [sflag:s18], $0xE0  }
0x62: {  	[sflag:s18] =	ssyncset.done $0x0  }
0x63: {  	s8 =	sadd.s32 s6, s8;
	[sflag:s18] =	ssyncadd.s32 $0xFFFFFF20  }
0x64: {  	[tilespmem:s23], [sflag:$0x2] =	stream.linear.gather [hbm4b:s8+s10], $0xE0, $0x38;
	[tilespmem:$0x1CD90] =	vst v63  }
0x65: {  	_ =	swait.ge [sflag:s18], $0xE0  }
0x66: {  	[sflag:s18] =	ssyncset.done $0x0  }
0x67: {  	s17 =	simm.s32 $0x6780;
	[sflag:s18] =	ssyncadd.s32 $0xFFFFFF20  }
0x68: {  	[tilespmem:s17], [sflag:$0x1] =	stream.indirect.gather [hbm4b:s1+s22], $0x40, s0, s22, $0xb8;
	[tilespmem:$0x1CD90] =	vst v63  }
0x69: {  	s9 =	simm.s32 $0x9980  }
0x6a: {  	[tilespmem:s9], [sflag:$0x1] =	stream.indirect.gather [hbm4b:s1+s22], $0x40, s23, s22, $0xb8;
	[tilespmem:$0x1CD90] =	vst v63  }
0x6b: {  	s10 =	simm.s32 $0x1F8;
	s17 =	simm.s32 $0x7400  }
0x6c: {  	[tilespmem:s17], [sflag:$0x1] =	stream.indirect.gather [hbm4b:s1+s22], $0x40, s10, s22, $0xb8;
	[tilespmem:$0x1CD90] =	vst v63  }
0x6d: {  	s9 =	simm.s32 $0xA600  }
0x6e: {  	[tilespmem:s9], [sflag:$0x1] =	stream.indirect.gather [hbm4b:s1+s22], $0x40, s7, s22, $0xb8;
	[tilespmem:$0x1CD90] =	vst v63  }
0x6f: {  	s10 =	simm.s32 $0x230;
	s17 =	simm.s32 $0x8080  }
0x70: {  	[tilespmem:s17], [sflag:$0x1] =	stream.indirect.gather [hbm4b:s1+s22], $0x40, s10, s22, $0xb8;
	[tilespmem:$0x1CD90] =	vst v63  }
0x71: {  	_ = 	snop  }
0x72: {  	[tilespmem:s14], [sflag:$0x1] =	stream.indirect.gather [hbm4b:s1+s22], $0x40, s11, s22, $0xb8;
	[tilespmem:$0x1CD90] =	vst v63  }
0x73: {  	_ = 	snop  }
0x74: {  	[tilespmem:s16], [sflag:$0x1] =	stream.indirect.gather [hbm4b:s1+s22], $0x40, s15, s22, $0xb8;
	[tilespmem:$0x1CD90] =	vst v63  }
0x75: {  	s10 =	simm.s32 $0x0  }
0x76: {  	[tilespmem:s25], [sflag:$0x1] =	stream.indirect.gather [hbm4b:s1+s22], $0x40, s20, s22, $0xb8;
	[tilespmem:$0x1CD90] =	vst v63  }
0x77: {  	v4 =	vld [tilespmem:s10+$0x3A0]  }
0x78: {  	v7 =	vld [tilespmem:s10+$0x35B0]  }
0x79: {  	v9 =	vld [tilespmem:s10+$0x35A0]  }
0x7a: {  	v5 =	vld [tilespmem:s10+$0x3B0]  }
0x7b: {  	v6 =	vld [tilespmem:s10+$0x3590]  }
0x7c: {  	s29 =	simm.s32 $0xCBA0;
	s8 =	simm.s32 $0xCBA0;
	s9 =	simm.s32 $0x100;
	v8 =	vld [tilespmem:s10+$0x3580]  }
.LBB2_3:
0x7d: {  	p1 =	sne.s32 s9, $0xC700  }
0x7e: {  	v10 =	vld [tilespmem:s10+$0x390];
	s8 =	sadd.s32 $0x50, s8;
	s17 =	smov.u32 s9;
	s9 =	sadd.s32 $0x100, s9  }
0x7f: {  	v11 =	vld [tilespmem:s10+$0x380];
	v9 =	vadd.f32 v9, v4  }
0x80: {  	v7 =	vadd.f32 v7, v5  }
0x81: {  	v12 =	vmul.f32 $2.000000030e-01, v9  }
0x82: {  	v13 =	vmul.f32 $2.000000030e-01, v7  }
0x83: {  	v9 =	vmax.f32 v9, v12  }
0x84: {  	v6 =	vadd.f32 v6, v10;
	v8 =	vadd.f32 v8, v11;
	v7 =	vmax.f32 v7, v13  }
0x85: {  	v9 =	vmul.f32 v9, v2;
	v7 =	vmul.f32 v7, v3  }
0x86: {  	s10 =	sshra.s32 s17, $0x2;
	v13 =	vmul.f32 $2.000000030e-01, v6;
	v12 =	vmul.f32 $2.000000030e-01, v8  }
0x87: {  	v7 =	vadd.f32 v7, v9  }
0x88: {  	v6 =	vmax.f32 v6, v13;
	v8 =	vmax.f32 v8, v12  }
0x89: {  	v6 =	vmul.f32 v6, v1;
	v8 =	vmul.f32 v8, v0;
	(xrf2) =	vadd.scan.msk.f32 $0xffff, v7;
	_ =	sdelay $0x1  }
0x8a: {  	v6 =	vadd.f32 v6, v8;
	_ =	sdelay $0x1  }
0x8b: {  	(xrf2) =	vadd.scan.msk.f32 $0xffff, v6;
	_ =	sdelay $0x5  }
0x8c: {  	v6, _, _ =	vpop (xrf2)  }
0x8d: {  	v6 =	vmul.f32 $1.442695020e+00, v6;
	_ =	sdelay $0x1  }
0x8e: {  	v6 =	vbroadcast v6, $0xF  }
0x8f: {  	v7, _, _ =	vpop (xrf2)  }
0x90: {  	v7 =	vmul.f32 $1.442695020e+00, v7;
	(erf) = vpow2.f32 v6;
	_ =	sdelay $0x1  }
0x91: {  	v6 =	vbroadcast v7, $0xF;
	_ =	sdelay $0x1  }
0x92: {  	(erf) = vpow2.f32 v6;
	_ =	sdelay $0x4  }
0x93: {  	v6 =	vpop (erf)  }
0x94: {  	v4 =	vmul.f32 v6, v4;
	v7 =	vmul.f32 v6, v5;
	_ =	sdelay $0x1  }
0x95: {  	[tilespmem:s29+$0x0] =	vst v4  }
0x96: {  	v4 =	vsel vm0, $0x0, v6;
	[tilespmem:s29+$0x10] =	vst v7;
	v5 =	vpop (erf)  }
0x97: {  	v6 =	vmul.f32 v5, v11;
	v7 =	vmul.f32 v5, v10;
	v4 =	vsel vm1, v5, v4  }
0x98: {  	[tilespmem:s29+$0x20] =	vst v4  }
0x99: {  	[tilespmem:s29+$0xFFFFFFE0] =	vst v6  }
0x9a: {  	[tilespmem:s29+$0xFFFFFFF0] =	vst v7;
	s29 =	smov.u32 s8  }
0x9b: {  	v4 =	vld [tilespmem:s10+$0x3A0]  }
.Ltmp0:
0x9c: {  	v7 =	vld [tilespmem:s10+$0x35B0];
	(pc) =	sbr.rel @p1 .LBB2_3-.Ltmp0, $4  }
0x9d: {  	v9 =	vld [tilespmem:s10+$0x35A0]  }
0x9e: {  	v5 =	vld [tilespmem:s10+$0x3B0]  }
0x9f: {  	v6 =	vld [tilespmem:s10+$0x3590]  }
0xa0: {  	v8 =	vld [tilespmem:s10+$0x3580]  }
0xa1: {  	v10 =	vld [tilespmem:s10+$0x390]  }
0xa2: {  	v11 =	vld [tilespmem:s10+$0x380];
	v9 =	vadd.f32 v9, v4  }
0xa3: {  	v7 =	vadd.f32 v7, v5  }
0xa4: {  	v12 =	vmul.f32 $2.000000030e-01, v9  }
0xa5: {  	v13 =	vmul.f32 $2.000000030e-01, v7  }
0xa6: {  	v9 =	vmax.f32 v9, v12  }
0xa7: {  	v8 =	vadd.f32 v8, v11;
	v6 =	vadd.f32 v6, v10;
	v7 =	vmax.f32 v7, v13  }
0xa8: {  	v9 =	vmul.f32 v9, v2;
	v7 =	vmul.f32 v7, v3  }
0xa9: {  	v62 =	vmul.f32 $2.000000030e-01, v8;
	v63 =	vmul.f32 $2.000000030e-01, v6;
	_ =	sdelay $0x1  }
0xaa: {  	v7 =	vadd.f32 v7, v9;
	v8 =	vmax.f32 v8, v62;
	v6 =	vmax.f32 v6, v63  }
0xab: {  	v8 =	vmul.f32 v8, v0;
	v6 =	vmul.f32 v6, v1  }
0xac: {  	(xrf2) =	vadd.scan.msk.f32 $0xffff, v7  }
0xad: {  	v6 =	vadd.f32 v6, v8;
	_ =	sdelay $0x1  }
0xae: {  	(xrf2) =	vadd.scan.msk.f32 $0xffff, v6;
	_ =	sdelay $0x6  }
0xaf: {  	v6, _, _ =	vpop (xrf2)  }
0xb0: {  	v6 =	vmul.f32 $1.442695020e+00, v6;
	_ =	sdelay $0x1  }
0xb1: {  	v6 =	vbroadcast v6, $0xF;
	v7, _, _ =	vpop (xrf2)  }
0xb2: {  	v7 =	vmul.f32 $1.442695020e+00, v7  }
0xb3: {  	(erf) = vpow2.f32 v6  }
0xb4: {  	v6 =	vbroadcast v7, $0xF;
	_ =	sdelay $0x1  }
0xb5: {  	(erf) = vpow2.f32 v6;
	_ =	sdelay $0x5  }
0xb6: {  	v6 =	vpop (erf)  }
0xb7: {  	v4 =	vmul.f32 v6, v4  }
0xb8: {  	v5 =	vmul.f32 v6, v5  }
0xb9: {  	[tilespmem:s29+$0x0] =	vst v4;
	v4 =	vsel vm0, $0x0, v6;
	v6 =	vpop (erf)  }
0xba: {  	[tilespmem:s29+$0x10] =	vst v5;
	v5 =	vmul.f32 v6, v11;
	v4 =	vsel vm1, v6, v4  }
0xbb: {  	v6 =	vmul.f32 v6, v10;
	[tilespmem:s29+$0x20] =	vst v4  }
0xbc: {  	[tilespmem:s29+$0xFFFFFFE0] =	vst v5  }
0xbd: {  	[tilespmem:s29+$0xFFFFFFF0] =	vst v6  }
0xbe: {  	[spmem:s3] =	stream.indirect.scatter.add.f32 [tilespmem:s4], [sflag:$0x2], $0x50, s21, s22, $0xb8;
	[tilespmem:$0x1CD90] =	vst v63  }
0xbf: {  	_ =	swait.ge [sflag:s18], $0xFA0  }
0xc0: {  	[sflag:s18] =	ssyncset.done $0x0  }
0xc1: {  	s8 =	simm.s32 $0x118;
	[sflag:s18] =	ssyncadd.s32 $0xFFFFF060  }
0xc2: {  	[spmem:s3] =	stream.indirect.scatter.add.f32 [tilespmem:s19], [sflag:$0x2], $0x50, s8, s22, $0xb8;
	[tilespmem:$0x1CD90] =	vst v63  }
0xc3: {  	_ =	swait.ge [sflag:s18], $0xFA0  }
0xc4: {  	[sflag:s18] =	ssyncset.done $0x0  }
0xc5: {  	s29 =	simm.s32 $0x150;
	[sflag:s18] =	ssyncadd.s32 $0xFFFFF060  }
0xc6: {  	[spmem:s3] =	stream.indirect.scatter.add.f32 [tilespmem:s24], [sflag:$0x2], $0x50, s29, s22, $0xb8;
	[tilespmem:$0x1CD90] =	vst v63  }
0xc7: {  	_ =	swait.ge [sflag:s18], $0xFA0  }
0xc8: {  	[sflag:s18] =	ssyncset.done $0x0  }
0xc9: {  	[sflag:s18] =	ssyncadd.s32 $0xFFFFF060  }
0xca: {  	[spmem:s3] =	stream.indirect.scatter.add.f32 [tilespmem:s26], [sflag:$0x2], $0x50, s28, s22, $0xb8;
	[tilespmem:$0x1CD90] =	vst v63  }
0xcb: {  	_ =	swait.ge [sflag:s18], $0xFA0  }
0xcc: {  	[sflag:s18] =	ssyncset.done $0x0  }
0xcd: {  	[sflag:s18] =	ssyncadd.s32 $0xFFFFF060  }
0xce: {  	_ =	swait.ge [sflag:s31], $0xC80  }
0xcf: {  	[sflag:s31] =	ssyncset.done $0x0  }
0xd0: {  	[sflag:s31] =	ssyncadd.s32 $0xFFFFF380  }
0xd1: {  	_ =	swait.ge [sflag:s31], $0xC80  }
0xd2: {  	[sflag:s31] =	ssyncset.done $0x0  }
0xd3: {  	[sflag:s31] =	ssyncadd.s32 $0xFFFFF380  }
0xd4: {  	_ =	swait.ge [sflag:s31], $0xC80  }
0xd5: {  	[sflag:s31] =	ssyncset.done $0x0  }
0xd6: {  	[sflag:s31] =	ssyncadd.s32 $0xFFFFF380  }
0xd7: {  	_ =	swait.ge [sflag:s31], $0xC80  }
0xd8: {  	[sflag:s31] =	ssyncset.done $0x0  }
0xd9: {  	[sflag:s31] =	ssyncadd.s32 $0xFFFFF380  }
0xda: {  	_ =	swait.ge [sflag:s31], $0xC80  }
0xdb: {  	[sflag:s31] =	ssyncset.done $0x0  }
0xdc: {  	[sflag:s31] =	ssyncadd.s32 $0xFFFFF380  }
0xdd: {  	_ =	swait.ge [sflag:s31], $0xC80  }
0xde: {  	[sflag:s31] =	ssyncset.done $0x0  }
0xdf: {  	[sflag:s31] =	ssyncadd.s32 $0xFFFFF380  }
0xe0: {  	_ =	swait.ge [sflag:s31], $0xC80  }
0xe1: {  	p1 =	seq.s32 s30, $0x31;
	[sflag:s31] =	ssyncset.done $0x0  }
0xe2: {  	s2 =	sadd.s32 @!p1 s2, s13;
	[sflag:s31] =	ssyncadd.s32 $0xFFFFF380  }
0xe3: {  	s2 =	smul.u32 @!p1 $0x7, s2;
	_ =	swait.ge [sflag:s31], $0xC80  }
0xe4: {  	[sflag:s31] =	ssyncset.done $0x0  }
0xe5: {  	s9 =	simm.s32 @!p1 $0x0;
	s8 =	sadd.s32 @!p1 s5, s2;
	[sflag:s31] =	ssyncadd.s32 $0xFFFFF380  }
0xe6: {  	[tilespmem:s9], [sflag:$0x2] =	stream.linear.gather @!p1 [hbm4b:s8+s9], $0xE0, $0x38;
	[tilespmem:$0x1CD90] =	vst v63  }
0xe7: {  	s8 =	simm.s32 @!p1 $0x2  }
0xe8: {  	_ =	swait.ge @!p1 [sflag:s8], $0xE0  }
0xe9: {  	[sflag:s8] =	ssyncset.done @!p1 $0x0  }
0xea: {  	s10 =	simm.s32 @!p1 $0xE0;
	s2 =	sadd.s32 @!p1 s6, s2;
	[sflag:s8] =	ssyncadd.s32 @!p1 $0xFFFFFF20  }
0xeb: {  	[tilespmem:s10], [sflag:$0x2] =	stream.linear.gather @!p1 [hbm4b:s2+s9], $0xE0, $0x38;
	[tilespmem:$0x1CD90] =	vst v63  }
0xec: {  	_ =	swait.ge @!p1 [sflag:s8], $0xE0  }
0xed: {  	[sflag:s8] =	ssyncset.done @!p1 $0x0  }
0xee: {  	s2 =	simm.s32 @!p1 $0x32;
	[sflag:s8] =	ssyncadd.s32 @!p1 $0xFFFFFF20;
	s8 =	simm.s32 @!p1 $0x380  }
0xef: {  	[tilespmem:s8], [sflag:$0x1] =	stream.indirect.gather @!p1 [hbm4b:s1+s2], $0x40, s9, s2, $0xb8;
	[tilespmem:$0x1CD90] =	vst v63  }
0xf0: {  	s8 =	simm.s32 @!p1 $0x3580  }
0xf1: {  	[tilespmem:s8], [sflag:$0x1] =	stream.indirect.gather @!p1 [hbm4b:s1+s2], $0x40, s10, s2, $0xb8;
	[tilespmem:$0x1CD90] =	vst v63  }
0xf2: {  	s9 =	simm.s32 @!p1 $0x1000;
	s8 =	simm.s32 @!p1 $0x38  }
0xf3: {  	[tilespmem:s9], [sflag:$0x1] =	stream.indirect.gather @!p1 [hbm4b:s1+s2], $0x40, s8, s2, $0xb8;
	[tilespmem:$0x1CD90] =	vst v63  }
0xf4: {  	s8 =	simm.s32 @!p1 $0x118;
	s9 =	simm.s32 @!p1 $0x4200  }
0xf5: {  	[tilespmem:s9], [sflag:$0x1] =	stream.indirect.gather @!p1 [hbm4b:s1+s2], $0x40, s8, s2, $0xb8;
	[tilespmem:$0x1CD90] =	vst v63  }
0xf6: {  	s8 =	simm.s32 @!p1 $0x70;
	s9 =	simm.s32 @!p1 $0x1C80  }
0xf7: {  	[tilespmem:s9], [sflag:$0x1] =	stream.indirect.gather @!p1 [hbm4b:s1+s2], $0x40, s8, s2, $0xb8;
	[tilespmem:$0x1CD90] =	vst v63  }
0xf8: {  	s8 =	simm.s32 @!p1 $0x150;
	s9 =	simm.s32 @!p1 $0x4E80  }
0xf9: {  	[tilespmem:s9], [sflag:$0x1] =	stream.indirect.gather @!p1 [hbm4b:s1+s2], $0x40, s8, s2, $0xb8;
	[tilespmem:$0x1CD90] =	vst v63  }
0xfa: {  	s8 =	simm.s32 @!p1 $0xA8;
	s9 =	simm.s32 @!p1 $0x2900  }
0xfb: {  	[tilespmem:s9], [sflag:$0x1] =	stream.indirect.gather @!p1 [hbm4b:s1+s2], $0x40, s8, s2, $0xb8;
	[tilespmem:$0x1CD90] =	vst v63  }
0xfc: {  	s10 =	simm.s32 $0x0;
	s8 =	simm.s32 @!p1 $0x188;
	s9 =	simm.s32 @!p1 $0x5B00  }
0xfd: {  	[tilespmem:s9], [sflag:$0x1] =	stream.indirect.gather @!p1 [hbm4b:s1+s2], $0x40, s8, s2, $0xb8;
	[tilespmem:$0x1CD90] =	vst v63  }
0xfe: {  	v4 =	vld [tilespmem:s10+$0x67A0]  }
0xff: {  	v7 =	vld [tilespmem:s10+$0x99B0]  }
0x100: {  	v9 =	vld [tilespmem:s10+$0x99A0]  }
0x101: {  	v5 =	vld [tilespmem:s10+$0x67B0]  }
0x102: {  	v6 =	vld [tilespmem:s10+$0x9990]  }
0x103: {  	s8 =	simm.s32 $0xCBA0;
	s9 =	simm.s32 $0x100;
	s2 =	simm.s32 $0xCBA0;
	v8 =	vld [tilespmem:s10+$0x9980]  }
.LBB2_5:
0x104: {  	p1 =	sne.s32 s9, $0xC700  }
0x105: {  	v10 =	vld [tilespmem:s10+$0x6790];
	s8 =	sadd.s32 $0x50, s8;
	s17 =	smov.u32 s9;
	s9 =	sadd.s32 $0x100, s9  }
0x106: {  	v11 =	vld [tilespmem:s10+$0x6780];
	v9 =	vadd.f32 v9, v4  }
0x107: {  	v7 =	vadd.f32 v7, v5  }
0x108: {  	v12 =	vmul.f32 $2.000000030e-01, v9  }
0x109: {  	v13 =	vmul.f32 $2.000000030e-01, v7  }
0x10a: {  	v9 =	vmax.f32 v9, v12  }
0x10b: {  	v6 =	vadd.f32 v6, v10;
	v8 =	vadd.f32 v8, v11;
	v7 =	vmax.f32 v7, v13  }
0x10c: {  	v9 =	vmul.f32 v9, v2;
	v7 =	vmul.f32 v7, v3  }
0x10d: {  	s10 =	sshra.s32 s17, $0x2;
	v13 =	vmul.f32 $2.000000030e-01, v6;
	v12 =	vmul.f32 $2.000000030e-01, v8  }
0x10e: {  	v7 =	vadd.f32 v7, v9  }
0x10f: {  	v6 =	vmax.f32 v6, v13;
	v8 =	vmax.f32 v8, v12  }
0x110: {  	v6 =	vmul.f32 v6, v1;
	v8 =	vmul.f32 v8, v0;
	(xrf2) =	vadd.scan.msk.f32 $0xffff, v7;
	_ =	sdelay $0x1  }
0x111: {  	v6 =	vadd.f32 v6, v8;
	_ =	sdelay $0x1  }
0x112: {  	(xrf2) =	vadd.scan.msk.f32 $0xffff, v6;
	_ =	sdelay $0x5  }
0x113: {  	v6, _, _ =	vpop (xrf2)  }
0x114: {  	v6 =	vmul.f32 $1.442695020e+00, v6;
	_ =	sdelay $0x1  }
0x115: {  	v6 =	vbroadcast v6, $0xF  }
0x116: {  	v7, _, _ =	vpop (xrf2)  }
0x117: {  	v7 =	vmul.f32 $1.442695020e+00, v7;
	(erf) = vpow2.f32 v6;
	_ =	sdelay $0x1  }
0x118: {  	v6 =	vbroadcast v7, $0xF;
	_ =	sdelay $0x1  }
0x119: {  	(erf) = vpow2.f32 v6;
	_ =	sdelay $0x4  }
0x11a: {  	v6 =	vpop (erf)  }
0x11b: {  	v4 =	vmul.f32 v6, v4;
	v7 =	vmul.f32 v6, v5;
	_ =	sdelay $0x1  }
0x11c: {  	[tilespmem:s2+$0x0] =	vst v4  }
0x11d: {  	v4 =	vsel vm0, $0x0, v6;
	[tilespmem:s2+$0x10] =	vst v7;
	v5 =	vpop (erf)  }
0x11e: {  	v6 =	vmul.f32 v5, v11;
	v7 =	vmul.f32 v5, v10;
	v4 =	vsel vm1, v5, v4  }
0x11f: {  	[tilespmem:s2+$0x20] =	vst v4  }
0x120: {  	[tilespmem:s2+$0xFFFFFFE0] =	vst v6  }
0x121: {  	[tilespmem:s2+$0xFFFFFFF0] =	vst v7;
	s2 =	smov.u32 s8  }
0x122: {  	v4 =	vld [tilespmem:s10+$0x67A0]  }
.Ltmp1:
0x123: {  	v7 =	vld [tilespmem:s10+$0x99B0];
	(pc) =	sbr.rel @p1 .LBB2_5-.Ltmp1, $4  }
0x124: {  	v9 =	vld [tilespmem:s10+$0x99A0]  }
0x125: {  	v5 =	vld [tilespmem:s10+$0x67B0]  }
0x126: {  	v6 =	vld [tilespmem:s10+$0x9990]  }
0x127: {  	v8 =	vld [tilespmem:s10+$0x9980]  }
0x128: {  	v10 =	vld [tilespmem:s10+$0x6790]  }
0x129: {  	v11 =	vld [tilespmem:s10+$0x6780];
	v9 =	vadd.f32 v9, v4  }
0x12a: {  	v7 =	vadd.f32 v7, v5  }
0x12b: {  	v12 =	vmul.f32 $2.000000030e-01, v9  }
0x12c: {  	v13 =	vmul.f32 $2.000000030e-01, v7  }
0x12d: {  	v9 =	vmax.f32 v9, v12  }
0x12e: {  	v8 =	vadd.f32 v8, v11;
	v6 =	vadd.f32 v6, v10;
	v7 =	vmax.f32 v7, v13  }
0x12f: {  	v9 =	vmul.f32 v9, v2;
	v7 =	vmul.f32 v7, v3  }
0x130: {  	v57 =	vmul.f32 $2.000000030e-01, v8;
	v58 =	vmul.f32 $2.000000030e-01, v6;
	_ =	sdelay $0x1  }
0x131: {  	v7 =	vadd.f32 v7, v9;
	v8 =	vmax.f32 v8, v57;
	v6 =	vmax.f32 v6, v58  }
0x132: {  	v8 =	vmul.f32 v8, v0;
	v6 =	vmul.f32 v6, v1  }
0x133: {  	(xrf2) =	vadd.scan.msk.f32 $0xffff, v7  }
0x134: {  	v6 =	vadd.f32 v6, v8;
	_ =	sdelay $0x1  }
0x135: {  	(xrf2) =	vadd.scan.msk.f32 $0xffff, v6;
	_ =	sdelay $0x6  }
0x136: {  	v59, _, _ =	vpop (xrf2)  }
0x137: {  	v6 =	vmul.f32 $1.442695020e+00, v59;
	_ =	sdelay $0x1  }
0x138: {  	v6 =	vbroadcast v6, $0xF;
	v60, _, _ =	vpop (xrf2)  }
0x139: {  	v7 =	vmul.f32 $1.442695020e+00, v60  }
0x13a: {  	(erf) = vpow2.f32 v6  }
0x13b: {  	v61 =	vbroadcast v7, $0xF;
	_ =	sdelay $0x1  }
0x13c: {  	(erf) = vpow2.f32 v61;
	_ =	sdelay $0x5  }
0x13d: {  	v62 =	vpop (erf)  }
0x13e: {  	v4 =	vmul.f32 v62, v4  }
0x13f: {  	v5 =	vmul.f32 v62, v5  }
0x140: {  	[tilespmem:s2+$0x0] =	vst v4;
	v4 =	vsel vm0, $0x0, v62;
	v63 =	vpop (erf)  }
0x141: {  	[tilespmem:s2+$0x10] =	vst v5;
	v5 =	vmul.f32 v63, v11;
	v4 =	vsel vm1, v63, v4  }
0x142: {  	v6 =	vmul.f32 v63, v10;
	[tilespmem:s2+$0x20] =	vst v4  }
0x143: {  	[tilespmem:s2+$0xFFFFFFE0] =	vst v5  }
0x144: {  	[tilespmem:s2+$0xFFFFFFF0] =	vst v6  }
0x145: {  	[spmem:s3] =	stream.indirect.scatter.add.f32 [tilespmem:s4], [sflag:$0x2], $0x50, s23, s22, $0xb8;
	[tilespmem:$0x1CD90] =	vst v63  }
0x146: {  	_ =	swait.ge [sflag:s18], $0xFA0  }
0x147: {  	[sflag:s18] =	ssyncset.done $0x0  }
0x148: {  	[sflag:s18] =	ssyncadd.s32 $0xFFFFF060  }
0x149: {  	[spmem:s3] =	stream.indirect.scatter.add.f32 [tilespmem:s19], [sflag:$0x2], $0x50, s7, s22, $0xb8;
	[tilespmem:$0x1CD90] =	vst v63  }
0x14a: {  	_ =	swait.ge [sflag:s18], $0xFA0  }
0x14b: {  	[sflag:s18] =	ssyncset.done $0x0  }
0x14c: {  	[sflag:s18] =	ssyncadd.s32 $0xFFFFF060  }
0x14d: {  	[spmem:s3] =	stream.indirect.scatter.add.f32 [tilespmem:s24], [sflag:$0x2], $0x50, s11, s22, $0xb8;
	[tilespmem:$0x1CD90] =	vst v63  }
0x14e: {  	s30 =	sadd.s32 $0x1, s30;
	_ =	swait.ge [sflag:s18], $0xFA0  }
0x14f: {  	p1 =	sne.s32 s30, $0x32;
	[sflag:s18] =	ssyncset.done $0x0  }
.Ltmp2:
0x150: {  	[sflag:s18] =	ssyncadd.s32 $0xFFFFF060;
	(pc) =	sbr.rel @p1 .LBB2_2-.Ltmp2, $4  }
0x151: {  	[spmem:s3] =	stream.indirect.scatter.add.f32 [tilespmem:s26], [sflag:$0x2], $0x50, s20, s22, $0xb8;
	[tilespmem:$0x1CD90] =	vst v63  }
0x152: {  	_ =	swait.ge [sflag:s18], $0xFA0  }
0x153: {  	[sflag:s18] =	ssyncset.done $0x0  }
0x154: {  	[sflag:s18] =	ssyncadd.s32 $0xFFFFF060  }
0x155: {  	[bflag:$0x0] =	sbarrier.arrive $0xFFFF  }
0x156: {  	s8 =	rddreg [dreg:$0xa]  }
0x157: {  	s2 =	simm.s32 @p0 $0x1FC2;
	s10 =	rddreg [dreg:$0xc]  }
0x158: {  	[hbm:s8], [sflag:s2] =	dma.local @p0 [spmem:s10], $0x1450  }
0x159: {  	s2 =	simm.s32 @p0 $0x2  }
0x15a: {  	_ =	swait.ge @p0 [sflag:s2], $0x1450  }
0x15b: {  	s8 =	rddreg [dreg:$0xe]  }
0x15c: {  	[sflag:s2] =	ssyncset.done @p0 $0x0;
	s9 =	rddreg [dreg:$0x10]  }
0x15d: {  	[sflag:s2] =	ssyncadd.s32 @p0 $0xFFFFEBB0;
	s2 =	rddreg [dreg:$0x9]  }
0x15e: {  	[hbm:s2], [sflag:s9] =	dma.local @!p0 [spmem:s8], $0x18B0  }
0x15f: {  	s2 =	simm.s32 @!p0 $0x2  }
0x160: {  	_ =	swait.ge @!p0 [sflag:s2], $0x18B0  }
0x161: {  	s29 =	rddreg [dreg:$0xf]  }
0x162: {  	s30 =	rddreg [dreg:$0xb];
	s9 =	sadd.s32 $0x1, s29  }
0x163: {  	p1 =	sne.s32 s9, s30  }
.Ltmp3:
0x164: {  	_ = 	snop;
	(pc) =	sbr.rel @p1 .LBB2_1-.Ltmp3, $3  }
0x165: {  	_ =	sdelay $0x1  }
0x166: {  	[sflag:s2] =	ssyncset.done @!p0 $0x0  }
0x167: {  	[sflag:s2] =	ssyncadd.s32 @!p0 $0xFFFFE750  }
0x168: {  	_ =	sfence.sel $0x180000  }
0x169: {  	[bflag:$0x0] =	sbarrier.arrive $0xFFFF  }
0x16a: {  	_ =	strace $0x90000047  }
0x16b: {  	s0 =	stileid.u32;
	[bflag:$0x2] =	sbarrier.arrive $0xFFFF  }
0x16c: {  	p0 =	sne.s32 s0, $0x0;
	s0 =	rddreg [dreg:$0x3]  }
0x16d: {  	s0 =	sadd.s32 @!p0 $0x100000, s0  }
0x16e: {  	[sflag:s0] =	ssyncadd.tile.s32 @!p0 $0x1;
	_ =	shalt  }
.Lfunc_end2:
_tile_overlayer_lowered:
.L_overlay_start_2:
0x16f: {  	(tag) =	ssettag $0x2  }
0x170: {  	s0 =	rddreg [dreg:$0x0];
	s2 =	stileid.u32  }
0x171: {  	s1 =	rddreg [dreg:$0x1];
	p0 =	sne.s32 s2, $0x0  }
0x172: {  	s3 =	rddreg [dreg:$0x2];
	[bflag:$0x3] =	sbarrier.arrive $0xFFFF;
	s2 =	simm.s32 @!p0 $0x1C02  }
0x173: {  	[timem:s3], [sflag:s2] =	dma.local @!p0 [hbm:s0], s1  }
0x174: {  	s0 =	simm.s32 @!p0 $0x2  }
0x175: {  	_ =	swait.ge @!p0 [sflag:s0], s1  }
0x176: {  	s1 =	ssub.s32 @!p0 $0x0, s1;
	[sflag:s0] =	ssyncset.done @!p0 $0x0  }
0x177: {  	[sflag:s0] =	ssyncadd.s32 @!p0 s1  }
0x178: {  	[bflag:$0x3] =	sbarrier.arrive $0xFFFF  }
0x179: {  	_ =	shalt  }

</sc_bundles>
